<compile_context>
chip_gen: v7x
topology: tpu7x:2x2x1
jax: 0.10.2.dev20260603
libtpu: 0.0.44.dev20260713+nightly
codegen_flags: <defaults>
</compile_context>

<pallas_src>
import functools

import jax
import jax.numpy as jnp
from jax import lax
from jax.experimental import pallas as pl
from jax.experimental.pallas import tpu as pltpu
from jax.experimental.pallas import tpu_sc as plsc

_N = 10000
_E = 320000
_F = 128
_H = 8
_D = 16
_FC = _F + 16
_FX = _F + 32
_NC = 2
_NS = 16
_NW = _NC * _NS
_EPW = _E // _NW
_B = 80
_NB = _EPW // _B
_NP = 10240
_RPT = _NP // _NS


def _proj_body(x_ref, wg_ref, ps_ref, pd_ref, p1_ref, p2_ref, hx_ref, ad_ref):
    h = jnp.dot(x_ref[...], wg_ref[...], preferred_element_type=jnp.float32)
    hx_ref[:, 0:_F] = jnp.dot(
        h, p1_ref[...], preferred_element_type=jnp.float32
    ).astype(jnp.bfloat16)
    a16 = jnp.dot(h, ps_ref[...], preferred_element_type=jnp.float32)
    hx_ref[:, _F:_FX] = jnp.dot(
        a16, p2_ref[...], preferred_element_type=jnp.float32
    ).astype(jnp.bfloat16)
    ad_ref[...] = jnp.dot(h, pd_ref[...], preferred_element_type=jnp.float32)


_proj = pl.pallas_call(
    _proj_body,
    out_shape=(
        jax.ShapeDtypeStruct((_N, _FX), jnp.bfloat16),
        jax.ShapeDtypeStruct((_N, _D), jnp.float32),
    ),
)


def _sc_body(ei_hbm, hx_hbm, adst_hbm, pout_hbm,
             idx0, idx1, hrow0, brow0, hrow1, brow1, msgw0, msgw1,
             sdidx0, sdidx1, acc_sh,
             semi0, semi1, semg0, semg1, sems0, sems1):
    cid = lax.axis_index("c")
    sid = lax.axis_index("s")
    wid = sid * _NC + cid
    bufs = ((idx0, hrow0, brow0, msgw0, semi0, semg0, sdidx0, sems0),
            (idx1, hrow1, brow1, msgw1, semi1, semg1, sdidx1, sems1))

    lane = lax.iota(jnp.int32, 16)
    headmask = lane < _H
    base0 = wid * _EPW

    def fire_idx(it, p):
        base = base0 + it * _B
        pltpu.async_copy(ei_hbm.at[:, pl.ds(base, _B)], bufs[p][0],
                         bufs[p][4])

    def wait_idx(it, p):
        base = base0 + it * _B
        pltpu.make_async_copy(ei_hbm.at[:, pl.ds(base, _B)], bufs[p][0],
                              bufs[p][4]).wait()

    def fire_gather(p):
        pltpu.async_copy(hx_hbm.at[bufs[p][0].at[0]], bufs[p][1],
                         bufs[p][5])
        pltpu.async_copy(adst_hbm.at[bufs[p][0].at[1]], bufs[p][2],
                         bufs[p][5])

    def wait_gather(p):
        pltpu.make_async_copy(hx_hbm.at[bufs[p][0].at[0]], bufs[p][1],
                              bufs[p][5]).wait()
        pltpu.make_async_copy(adst_hbm.at[bufs[p][0].at[1]], bufs[p][2],
                              bufs[p][5]).wait()

    splat_idx = [jnp.full((16,), hd, jnp.int32) for hd in range(_H)]

    def compute(p):
        hrow, brow, msgw = bufs[p][1], bufs[p][2], bufs[p][3]

        @plsc.parallel_loop(0, _B, 1, unroll=4)
        def edge(i):
            av = hrow[i, pl.ds(_F, 32)]
            a, _ = plsc.unpack(av, format=plsc.PackFormat.INTERLEAVED)
            b = brow[i, :]
            e = a + b
            e = jnp.where(e >= 0.0, e, e * 0.2)
            w = jnp.where(headmask, jnp.exp(e), 0.0)
            msgw[i, pl.ds(_F, 16)] = w
            for j in range(_H // 2):
                hv = hrow[i, pl.ds(j * 32, 32)]
                h0, h1 = plsc.unpack(hv, format=plsc.PackFormat.INTERLEAVED)
                w0 = jnp.take_along_axis(w, splat_idx[2 * j], axis=0)
                w1 = jnp.take_along_axis(w, splat_idx[2 * j + 1], axis=0)
                msgw[i, pl.ds(j * 32, 16)] = h0 * w0
                msgw[i, pl.ds(j * 32 + 16, 16)] = h1 * w1

    def fire_scatter(p):
        idx, sdidx = bufs[p][0], bufs[p][6]
        for k in range(_B // 16):
            sdidx[pl.ds(k * 16, 16)] = idx[1, pl.ds(k * 16, 16)]
        pltpu.async_copy(bufs[p][3], acc_sh.at[sdidx], bufs[p][7], add=True)

    def wait_scatter(p):
        pltpu.make_async_copy(bufs[p][3], acc_sh.at[bufs[p][6]],
                              bufs[p][7]).wait()

    fire_idx(0, 0)
    wait_idx(0, 0)
    fire_gather(0)
    fire_idx(1, 1)

    zeros16 = jnp.zeros((16,), jnp.float32)

    def zrow(r, carry):
        for j in range(_FC // 16):
            msgw0[r, pl.ds(j * 16, 16)] = zeros16
        return carry

    lax.fori_loop(0, _B, zrow, 0)
    r0 = sid * _RPT
    for k in range(_RPT // _B):
        pltpu.sync_copy(msgw0, acc_sh.at[pl.ds(r0 + k * _B, _B)])
    plsc.subcore_barrier()

    def paired(g, carry):
        ite = 2 * g
        wait_idx(ite + 1, 1)
        fire_gather(1)
        wait_gather(0)
        compute(0)

        @pl.when(g > 0)
        def _():
            wait_scatter(1)

        fire_scatter(0)
        fire_idx(ite + 2, 0)
        wait_idx(ite + 2, 0)
        fire_gather(0)
        wait_gather(1)
        compute(1)
        wait_scatter(0)
        fire_scatter(1)

        @pl.when(g < (_NB - 1) // 2 - 1)
        def _():
            fire_idx(ite + 3, 1)

        return carry

    lax.fori_loop(0, (_NB - 1) // 2, paired, 0)
    wait_gather(0)
    compute(0)
    wait_scatter(1)
    fire_scatter(0)
    wait_scatter(0)

    plsc.subcore_barrier()
    pltpu.sync_copy(acc_sh.at[pl.ds(r0, _RPT)],
                    pout_hbm.at[cid, pl.ds(r0, _RPT)])


_sc_agg = functools.partial(
    pl.kernel,
    out_type=jax.ShapeDtypeStruct((_NC, _NP, _FC), jnp.float32),
    mesh=plsc.VectorSubcoreMesh(core_axis_name="c", subcore_axis_name="s"),
    compiler_params=pltpu.CompilerParams(use_tc_tiling_on_sc=False,
                                         needs_layout_passes=False),
    scratch_types=[
        pltpu.VMEM((2, _B), jnp.int32),
        pltpu.VMEM((2, _B), jnp.int32),
        pltpu.VMEM((_B, _FX), jnp.bfloat16),
        pltpu.VMEM((_B, _D), jnp.float32),
        pltpu.VMEM((_B, _FX), jnp.bfloat16),
        pltpu.VMEM((_B, _D), jnp.float32),
        pltpu.VMEM((_B, _FC), jnp.float32),
        pltpu.VMEM((_B, _FC), jnp.float32),
        pltpu.VMEM((_B,), jnp.int32),
        pltpu.VMEM((_B,), jnp.int32),
        pltpu.VMEM_SHARED((_NP, _FC), jnp.float32),
        pltpu.SemaphoreType.DMA,
        pltpu.SemaphoreType.DMA,
        pltpu.SemaphoreType.DMA,
        pltpu.SemaphoreType.DMA,
        pltpu.SemaphoreType.DMA,
        pltpu.SemaphoreType.DMA,
    ],
)(_sc_body)


def _merge_body(p_ref, s_ref, bias_ref, g_ref, b_ref, o_ref):
    pc = p_ref[0, 0:_N, :] + p_ref[1, 0:_N, :]
    out = pc[:, 0:_F]
    den16 = pc[:, _F:_FC]
    den = jnp.dot(den16, s_ref[...], preferred_element_type=jnp.float32)
    den = jnp.where(den == 0.0, 1.0, den)
    y = out / den + bias_ref[...]
    mean = jnp.mean(y, axis=0, keepdims=True)
    var = jnp.mean((y - mean) ** 2, axis=0, keepdims=True)
    yn = (y - mean) / jnp.sqrt(var + 1e-5) * g_ref[...] + b_ref[...]
    o_ref[...] = jnp.where(yn > 0.0, yn, jnp.exp(yn) - 1.0)


_merge = pl.pallas_call(
    _merge_body,
    out_shape=jax.ShapeDtypeStruct((_N, _F), jnp.float32),
)


def kernel(x, edge_index, W_lin, b_lin, W_gat, att_src, att_dst, bias_gat,
           bn_gamma, bn_beta):
    oh = jnp.eye(_H, _D, dtype=jnp.float32)
    ps = (att_src[:, :, None] * oh[:, None, :]).reshape(_F, _D)
    pd = (att_dst[:, :, None] * oh[:, None, :]).reshape(_F, _D)
    csrc = jnp.arange(_F)
    cdst = (csrc // 32) * 32 + (csrc % _D) * 2 + (csrc // _D) % 2
    p1 = (jnp.arange(_F)[None, :] == cdst[:, None]).astype(jnp.float32)
    p2 = (jnp.arange(32)[None, :] ==
          (2 * jnp.arange(_D))[:, None]).astype(jnp.float32)
    sexp = (jnp.arange(_F)[None, :] // _D ==
            jnp.arange(_D)[:, None]).astype(jnp.float32)

    hx, adst = _proj(x, W_gat, ps, pd, p1, p2)
    pout = _sc_agg(edge_index, hx, adst)
    return _merge(pout, sexp, bias_gat.reshape(1, _F),
                  bn_gamma.reshape(1, _F), bn_beta.reshape(1, _F))

# --- scband reference (transcript-rebuilt; emitter-appended) ---
"""Pipeline reference for scband-gatlayer-1735166787955 (READ-ONLY COPY).

The authoritative reference and input builder live on the scoring server;
editing this copy changes nothing except your own understanding.
"""

import jax, jax.numpy as jnp
import numpy as np

N = 10000
E = 320000
IN_DIM = 128
OUT_DIM = 16
HEADS = 8


def setup_inputs(seed: int = 0) -> dict:
    key = jax.random.key(seed)
    ks = jax.random.split(key, 8)
    x = jax.random.normal(ks[0], (N, IN_DIM), dtype=jnp.float32)
    edge_index = jax.random.randint(ks[1], (2, E), 0, N, dtype=jnp.int32)
    W_lin = jax.random.normal(ks[2], (IN_DIM, OUT_DIM * HEADS), dtype=jnp.float32) * 0.05
    b_lin = jnp.zeros((OUT_DIM * HEADS,), dtype=jnp.float32)
    W_gat = jax.random.normal(ks[3], (IN_DIM, HEADS * OUT_DIM), dtype=jnp.float32) * 0.05
    att_src = jax.random.normal(ks[4], (HEADS, OUT_DIM), dtype=jnp.float32) * 0.05
    att_dst = jax.random.normal(ks[5], (HEADS, OUT_DIM), dtype=jnp.float32) * 0.05
    bias_gat = jnp.zeros((HEADS * OUT_DIM,), dtype=jnp.float32)
    bn_gamma = jnp.ones((HEADS * OUT_DIM,), dtype=jnp.float32)
    bn_beta = jnp.zeros((HEADS * OUT_DIM,), dtype=jnp.float32)
    return {"x": x, "edge_index": edge_index, "W_lin": W_lin, "b_lin": b_lin,
            "W_gat": W_gat, "att_src": att_src, "att_dst": att_dst,
            "bias_gat": bias_gat, "bn_gamma": bn_gamma, "bn_beta": bn_beta}


def reference(x, edge_index, W_lin, b_lin, W_gat, att_src, att_dst, bias_gat, bn_gamma, bn_beta):
    src = edge_index[0]
    dst = edge_index[1]
    # residual branch (residual=False so unused, kept for faithfulness)
    h_in = x @ W_lin + b_lin
    # GATConv
    h = (x @ W_gat).reshape(N, HEADS, OUT_DIM)
    a_src = (h * att_src[None, :, :]).sum(-1)  # [N, H]
    a_dst = (h * att_dst[None, :, :]).sum(-1)  # [N, H]
    e = a_src[src] + a_dst[dst]                # [E, H]  (gather)
    e = jax.nn.leaky_relu(e, 0.2)
    # segment softmax over incoming edges of each dst node
    m = jax.ops.segment_max(e, dst, num_segments=N)
    m = jnp.where(jnp.isfinite(m), m, 0.0)
    m = jax.lax.stop_gradient(m)
    ex = jnp.exp(e - m[dst])
    denom = jax.ops.segment_sum(ex, dst, num_segments=N)
    d_g = denom[dst]
    alpha = ex / jnp.where(d_g == 0, 1.0, d_g)
    msg = h[src] * alpha[:, :, None]           # [E, H, D] (gather)
    out = jax.ops.segment_sum(msg, dst, num_segments=N)  # [N, H, D] (scatter-add)
    out = out.reshape(N, HEADS * OUT_DIM) + bias_gat     # concat=True -> flatten(1)
    # BatchNorm1d (training mode: batch statistics)
    mean = out.mean(axis=0)
    var = out.var(axis=0)
    hbn = (out - mean) / jnp.sqrt(var + 1e-5) * bn_gamma + bn_beta
    # activation = elu; residual=False
    hact = jax.nn.elu(hbn)
    return hact

if __name__ == "__main__":
    import jax
    _d = setup_inputs()
    print(jax.jit(kernel)(*tuple(_d.values())))

</pallas_src>

<mosaic_0001>
#map = affine_map<(d0, d1) -> (0, 0)>
#map1 = affine_map<(d0, d1) -> (0, 0, 0)>
module attributes {stable_mosaic.version = 14 : i64} {
  func.func @_sc_body(%arg0: i32, %arg1: i32, %arg2: memref<2x320000xi32, #tpu.memory_space<hbm>>, %arg3: memref<10000x160xbf16, #tpu.memory_space<hbm>>, %arg4: memref<10000x16xf32, #tpu.memory_space<hbm>>, %arg5: memref<2x10240x144xf32, #tpu.memory_space<hbm>>, %arg6: memref<2x80xi32, #tpu.memory_space<vmem>>, %arg7: memref<2x80xi32, #tpu.memory_space<vmem>>, %arg8: memref<80x160xbf16, #tpu.memory_space<vmem>>, %arg9: memref<80x16xf32, #tpu.memory_space<vmem>>, %arg10: memref<80x160xbf16, #tpu.memory_space<vmem>>, %arg11: memref<80x16xf32, #tpu.memory_space<vmem>>, %arg12: memref<80x144xf32, #tpu.memory_space<vmem>>, %arg13: memref<80x144xf32, #tpu.memory_space<vmem>>, %arg14: memref<80xi32, #tpu.memory_space<vmem>>, %arg15: memref<80xi32, #tpu.memory_space<vmem>>, %arg16: memref<10240x144xf32, #tpu.memory_space<vmem_shared>>, %arg17: memref<!tpu.dma_semaphore, #tpu.memory_space<semaphore_mem>>, %arg18: memref<!tpu.dma_semaphore, #tpu.memory_space<semaphore_mem>>, %arg19: memref<!tpu.dma_semaphore, #tpu.memory_space<semaphore_mem>>, %arg20: memref<!tpu.dma_semaphore, #tpu.memory_space<semaphore_mem>>, %arg21: memref<!tpu.dma_semaphore, #tpu.memory_space<semaphore_mem>>, %arg22: memref<!tpu.dma_semaphore, #tpu.memory_space<semaphore_mem>>) attributes {dimension_semantics = [#tpu.dimension_semantics<core_parallel>, #tpu.dimension_semantics<subcore_parallel>], iteration_bounds = array<i64: 2, 16>, scalar_prefetch = 0 : i64, scratch_operands = 17 : i64, tpu.core_type = #tpu.core_type<sc_vector_subcore>, window_params = [{transform_indices = #map}, {transform_indices = #map}, {transform_indices = #map}, {transform_indices = #map1}]} {
    %mul3A = arith.constant 2 : i32
    %mul3A_0 = arith.muli %arg1, %mul3A : i32
    %add3A = arith.addi %mul3A_0, %arg0 : i32
    %iota3A = tpu.iota {dimensions = array<i32: 0>} : vector<16xi32>
    %lt3A = arith.constant 8 : i32
    %lt3A_1 = vector.broadcast %lt3A : i32 to vector<16xi32>
    %lt3A_2 = arith.cmpi slt, %iota3A, %lt3A_1 : vector<16xi32>
    %mul3A_3 = arith.constant 10000 : i32
    %mul3A_4 = arith.muli %add3A, %mul3A_3 : i32
    %broadcast_in_dim3A = arith.constant 0 : i32
    %broadcast_in_dim3A_5 = vector.broadcast %broadcast_in_dim3A : i32 to vector<16xi32>
    %broadcast_in_dim3A_6 = arith.constant 1 : i32
    %broadcast_in_dim3A_7 = vector.broadcast %broadcast_in_dim3A_6 : i32 to vector<16xi32>
    %broadcast_in_dim3A_8 = arith.constant 2 : i32
    %broadcast_in_dim3A_9 = vector.broadcast %broadcast_in_dim3A_8 : i32 to vector<16xi32>
    %broadcast_in_dim3A_10 = arith.constant 3 : i32
    %broadcast_in_dim3A_11 = vector.broadcast %broadcast_in_dim3A_10 : i32 to vector<16xi32>
    %broadcast_in_dim3A_12 = arith.constant 4 : i32
    %broadcast_in_dim3A_13 = vector.broadcast %broadcast_in_dim3A_12 : i32 to vector<16xi32>
    %broadcast_in_dim3A_14 = arith.constant 5 : i32
    %broadcast_in_dim3A_15 = vector.broadcast %broadcast_in_dim3A_14 : i32 to vector<16xi32>
    %broadcast_in_dim3A_16 = arith.constant 6 : i32
    %broadcast_in_dim3A_17 = vector.broadcast %broadcast_in_dim3A_16 : i32 to vector<16xi32>
    %broadcast_in_dim3A_18 = arith.constant 7 : i32
    %broadcast_in_dim3A_19 = vector.broadcast %broadcast_in_dim3A_18 : i32 to vector<16xi32>
    %add3A_20 = arith.constant 0 : i32
    %add3A_21 = arith.addi %mul3A_4, %add3A_20 : i32
    %dma_start3A = arith.constant 0 : i32
    %dma_start3A_22 = tpu.memref_slice %arg2[%dma_start3A, %add3A_21] : memref<2x320000xi32, #tpu.memory_space<hbm>> -> memref<2x80xi32, #tpu.memory_space<hbm>>
    %dma_start3A_23 = arith.constant 0 : i32
    %dma_start3A_24 = tpu.memref_slice %arg2[%dma_start3A_23, %add3A_21] : memref<2x320000xi32, #tpu.memory_space<hbm>> -> memref<2x80xi32, #tpu.memory_space<hbm>>
    tpu.enqueue_dma source(%dma_start3A_24 : memref<2x80xi32, #tpu.memory_space<hbm>>) target(%arg6 : memref<2x80xi32, #tpu.memory_space<vmem>>) target_semaphore(%arg17 : memref<!tpu.dma_semaphore, #tpu.memory_space<semaphore_mem>>)
    %add3A_25 = arith.constant 0 : i32
    %add3A_26 = arith.addi %mul3A_4, %add3A_25 : i32
    %dma_wait3A = arith.constant 0 : i32
    %dma_wait3A_27 = tpu.memref_slice %arg2[%dma_wait3A, %add3A_26] : memref<2x320000xi32, #tpu.memory_space<hbm>> -> memref<2x80xi32, #tpu.memory_space<hbm>>
    %dma_wait3A_28 = arith.constant 0 : i32
    %dma_wait3A_29 = tpu.memref_slice %arg2[%dma_wait3A_28, %add3A_26] : memref<2x320000xi32, #tpu.memory_space<hbm>> -> memref<2x80xi32, #tpu.memory_space<hbm>>
    tpu.wait_dma2 semaphore(%arg17 : memref<!tpu.dma_semaphore, #tpu.memory_space<semaphore_mem>>) src(%dma_wait3A_29 : memref<2x80xi32, #tpu.memory_space<hbm>>) dst(%arg6 : memref<2x80xi32, #tpu.memory_space<vmem>>)
    %dma_start3A_30 = arith.constant 0 : i32
    %dma_start3A_31 = arith.constant 0 : i32
    %dma_start3A_32 = tpu.memref_slice %arg6[%dma_start3A_30, %dma_start3A_31] : memref<2x80xi32, #tpu.memory_space<vmem>> -> memref<1x80xi32, #tpu.memory_space<vmem>>
    %dma_start3A_33 = tpu.memref_squeeze %dma_start3A_32 : memref<1x80xi32, #tpu.memory_space<vmem>> -> memref<80xi32, #tpu.memory_space<vmem>>
    %dma_start3A_34 = arith.constant 0 : i32
    %dma_start3A_35 = arith.constant 0 : i32
    %dma_start3A_36 = tpu.memref_slice %arg3[%dma_start3A_34, %dma_start3A_35] : memref<10000x160xbf16, #tpu.memory_space<hbm>> -> memref<10000x160xbf16, #tpu.memory_space<hbm>>
    tpu.enqueue_indirect_dma source(%dma_start3A_36 : memref<10000x160xbf16, #tpu.memory_space<hbm>>) target(%arg8 : memref<80x160xbf16, #tpu.memory_space<vmem>>) offsets(%dma_start3A_33 : memref<80xi32, #tpu.memory_space<vmem>>) semaphore(%arg19 : memref<!tpu.dma_semaphore, #tpu.memory_space<semaphore_mem>>)
    %dma_start3A_37 = arith.constant 1 : i32
    %dma_start3A_38 = arith.constant 0 : i32
    %dma_start3A_39 = tpu.memref_slice %arg6[%dma_start3A_37, %dma_start3A_38] : memref<2x80xi32, #tpu.memory_space<vmem>> -> memref<1x80xi32, #tpu.memory_space<vmem>>
    %dma_start3A_40 = tpu.memref_squeeze %dma_start3A_39 : memref<1x80xi32, #tpu.memory_space<vmem>> -> memref<80xi32, #tpu.memory_space<vmem>>
    %dma_start3A_41 = arith.constant 0 : i32
    %dma_start3A_42 = arith.constant 0 : i32
    %dma_start3A_43 = tpu.memref_slice %arg4[%dma_start3A_41, %dma_start3A_42] : memref<10000x16xf32, #tpu.memory_space<hbm>> -> memref<10000x16xf32, #tpu.memory_space<hbm>>
    tpu.enqueue_indirect_dma source(%dma_start3A_43 : memref<10000x16xf32, #tpu.memory_space<hbm>>) target(%arg9 : memref<80x16xf32, #tpu.memory_space<vmem>>) offsets(%dma_start3A_40 : memref<80xi32, #tpu.memory_space<vmem>>) semaphore(%arg19 : memref<!tpu.dma_semaphore, #tpu.memory_space<semaphore_mem>>)
    %add3A_44 = arith.constant 80 : i32
    %add3A_45 = arith.addi %mul3A_4, %add3A_44 : i32
    %dma_start3A_46 = arith.constant 0 : i32
    %dma_start3A_47 = tpu.memref_slice %arg2[%dma_start3A_46, %add3A_45] : memref<2x320000xi32, #tpu.memory_space<hbm>> -> memref<2x80xi32, #tpu.memory_space<hbm>>
    %dma_start3A_48 = arith.constant 0 : i32
    %dma_start3A_49 = tpu.memref_slice %arg2[%dma_start3A_48, %add3A_45] : memref<2x320000xi32, #tpu.memory_space<hbm>> -> memref<2x80xi32, #tpu.memory_space<hbm>>
    tpu.enqueue_dma source(%dma_start3A_49 : memref<2x80xi32, #tpu.memory_space<hbm>>) target(%arg7 : memref<2x80xi32, #tpu.memory_space<vmem>>) target_semaphore(%arg18 : memref<!tpu.dma_semaphore, #tpu.memory_space<semaphore_mem>>)
    %broadcast_in_dim3A_50 = arith.constant 0.000000e+00 : f32
    %broadcast_in_dim3A_51 = vector.broadcast %broadcast_in_dim3A_50 : f32 to vector<16xf32>
    %scan3A = arith.constant 0 : i32
    %scan3A_52 = arith.constant 0 : i32
    %scan3A_53 = arith.constant 80 : i32
    %scan3A_54 = arith.addi %scan3A_52, %scan3A_53 : i32
    %scan3A_55 = arith.constant 1 : i32
    scf.for %scan3A_135 = %scan3A_52 to %scan3A_54 step %scan3A_55  : i32 {
      %swap3A_136 = arith.index_cast %scan3A_135 : i32 to index
      %swap3A_137 = arith.constant 0 : index
      %swap3A_138 = tpu.vector_load %arg12[%swap3A_136, %swap3A_137] {strides = array<i32>} : memref<80x144xf32, #tpu.memory_space<vmem>>, vector<16xf32>,
      tpu.vector_store %arg12[%swap3A_136, %swap3A_137], %broadcast_in_dim3A_51 {strides = array<i32>} : memref<80x144xf32, #tpu.memory_space<vmem>>, vector<16xf32>,
      %swap3A_139 = arith.index_cast %scan3A_135 : i32 to index
      %swap3A_140 = arith.constant 16 : index
      %swap3A_141 = tpu.vector_load %arg12[%swap3A_139, %swap3A_140] {strides = array<i32>} : memref<80x144xf32, #tpu.memory_space<vmem>>, vector<16xf32>,
      tpu.vector_store %arg12[%swap3A_139, %swap3A_140], %broadcast_in_dim3A_51 {strides = array<i32>} : memref<80x144xf32, #tpu.memory_space<vmem>>, vector<16xf32>,
      %swap3A_142 = arith.index_cast %scan3A_135 : i32 to index
      %swap3A_143 = arith.constant 32 : index
      %swap3A_144 = tpu.vector_load %arg12[%swap3A_142, %swap3A_143] {strides = array<i32>} : memref<80x144xf32, #tpu.memory_space<vmem>>, vector<16xf32>,
      tpu.vector_store %arg12[%swap3A_142, %swap3A_143], %broadcast_in_dim3A_51 {strides = array<i32>} : memref<80x144xf32, #tpu.memory_space<vmem>>, vector<16xf32>,
      %swap3A_145 = arith.index_cast %scan3A_135 : i32 to index
      %swap3A_146 = arith.constant 48 : index
      %swap3A_147 = tpu.vector_load %arg12[%swap3A_145, %swap3A_146] {strides = array<i32>} : memref<80x144xf32, #tpu.memory_space<vmem>>, vector<16xf32>,
      tpu.vector_store %arg12[%swap3A_145, %swap3A_146], %broadcast_in_dim3A_51 {strides = array<i32>} : memref<80x144xf32, #tpu.memory_space<vmem>>, vector<16xf32>,
      %swap3A_148 = arith.index_cast %scan3A_135 : i32 to index
      %swap3A_149 = arith.constant 64 : index
      %swap3A_150 = tpu.vector_load %arg12[%swap3A_148, %swap3A_149] {strides = array<i32>} : memref<80x144xf32, #tpu.memory_space<vmem>>, vector<16xf32>,
      tpu.vector_store %arg12[%swap3A_148, %swap3A_149], %broadcast_in_dim3A_51 {strides = array<i32>} : memref<80x144xf32, #tpu.memory_space<vmem>>, vector<16xf32>,
      %swap3A_151 = arith.index_cast %scan3A_135 : i32 to index
      %swap3A_152 = arith.constant 80 : index
      %swap3A_153 = tpu.vector_load %arg12[%swap3A_151, %swap3A_152] {strides = array<i32>} : memref<80x144xf32, #tpu.memory_space<vmem>>, vector<16xf32>,
      tpu.vector_store %arg12[%swap3A_151, %swap3A_152], %broadcast_in_dim3A_51 {strides = array<i32>} : memref<80x144xf32, #tpu.memory_space<vmem>>, vector<16xf32>,
      %swap3A_154 = arith.index_cast %scan3A_135 : i32 to index
      %swap3A_155 = arith.constant 96 : index
      %swap3A_156 = tpu.vector_load %arg12[%swap3A_154, %swap3A_155] {strides = array<i32>} : memref<80x144xf32, #tpu.memory_space<vmem>>, vector<16xf32>,
      tpu.vector_store %arg12[%swap3A_154, %swap3A_155], %broadcast_in_dim3A_51 {strides = array<i32>} : memref<80x144xf32, #tpu.memory_space<vmem>>, vector<16xf32>,
      %swap3A_157 = arith.index_cast %scan3A_135 : i32 to index
      %swap3A_158 = arith.constant 112 : index
      %swap3A_159 = tpu.vector_load %arg12[%swap3A_157, %swap3A_158] {strides = array<i32>} : memref<80x144xf32, #tpu.memory_space<vmem>>, vector<16xf32>,
      tpu.vector_store %arg12[%swap3A_157, %swap3A_158], %broadcast_in_dim3A_51 {strides = array<i32>} : memref<80x144xf32, #tpu.memory_space<vmem>>, vector<16xf32>,
      %swap3A_160 = arith.index_cast %scan3A_135 : i32 to index
      %swap3A_161 = arith.constant 128 : index
      %swap3A_162 = tpu.vector_load %arg12[%swap3A_160, %swap3A_161] {strides = array<i32>} : memref<80x144xf32, #tpu.memory_space<vmem>>, vector<16xf32>,
      tpu.vector_store %arg12[%swap3A_160, %swap3A_161], %broadcast_in_dim3A_51 {strides = array<i32>} : memref<80x144xf32, #tpu.memory_space<vmem>>, vector<16xf32>,
    }
    %scan3A_56 = arith.constant 80 : i32
    %mul3A_57 = arith.constant 640 : i32
    %mul3A_58 = arith.muli %arg1, %mul3A_57 : i32
    %add3A_59 = arith.constant 0 : i32
    %add3A_60 = arith.addi %mul3A_58, %add3A_59 : i32
    "tpu.region"() ({
      %run_scoped3A = tpu.sem_alloc : memref<!tpu.dma_semaphore, #tpu.memory_space<semaphore_mem>>
      %dma_start3A_135 = arith.constant 0 : i32
      %dma_start3A_136 = tpu.memref_slice %arg16[%add3A_60, %dma_start3A_135] : memref<10240x144xf32, #tpu.memory_space<vmem_shared>> -> memref<80x144xf32, #tpu.memory_space<vmem_shared>>
      %dma_start3A_137 = arith.constant 0 : i32
      %dma_start3A_138 = tpu.memref_slice %arg16[%add3A_60, %dma_start3A_137] : memref<10240x144xf32, #tpu.memory_space<vmem_shared>> -> memref<80x144xf32, #tpu.memory_space<vmem_shared>>
      tpu.enqueue_dma source(%arg12 : memref<80x144xf32, #tpu.memory_space<vmem>>) target(%dma_start3A_138 : memref<80x144xf32, #tpu.memory_space<vmem_shared>>) target_semaphore(%run_scoped3A : memref<!tpu.dma_semaphore, #tpu.memory_space<semaphore_mem>>)
      %dma_wait3A_139 = arith.constant 0 : i32
      %dma_wait3A_140 = tpu.memref_slice %arg16[%add3A_60, %dma_wait3A_139] : memref<10240x144xf32, #tpu.memory_space<vmem_shared>> -> memref<80x144xf32, #tpu.memory_space<vmem_shared>>
      %dma_wait3A_141 = arith.constant 0 : i32
      %dma_wait3A_142 = tpu.memref_slice %arg16[%add3A_60, %dma_wait3A_141] : memref<10240x144xf32, #tpu.memory_space<vmem_shared>> -> memref<80x144xf32, #tpu.memory_space<vmem_shared>>
      tpu.wait_dma2 semaphore(%run_scoped3A : memref<!tpu.dma_semaphore, #tpu.memory_space<semaphore_mem>>) src(%arg12 : memref<80x144xf32, #tpu.memory_space<vmem>>) dst(%dma_wait3A_142 : memref<80x144xf32, #tpu.memory_space<vmem_shared>>)
      tpu.yield
    }) : () -> ()
    %add3A_61 = arith.constant 80 : i32
    %add3A_62 = arith.addi %mul3A_58, %add3A_61 : i32
    "tpu.region"() ({
      %run_scoped3A = tpu.sem_alloc : memref<!tpu.dma_semaphore, #tpu.memory_space<semaphore_mem>>
      %dma_start3A_135 = arith.constant 0 : i32
      %dma_start3A_136 = tpu.memref_slice %arg16[%add3A_62, %dma_start3A_135] : memref<10240x144xf32, #tpu.memory_space<vmem_shared>> -> memref<80x144xf32, #tpu.memory_space<vmem_shared>>
      %dma_start3A_137 = arith.constant 0 : i32
      %dma_start3A_138 = tpu.memref_slice %arg16[%add3A_62, %dma_start3A_137] : memref<10240x144xf32, #tpu.memory_space<vmem_shared>> -> memref<80x144xf32, #tpu.memory_space<vmem_shared>>
      tpu.enqueue_dma source(%arg12 : memref<80x144xf32, #tpu.memory_space<vmem>>) target(%dma_start3A_138 : memref<80x144xf32, #tpu.memory_space<vmem_shared>>) target_semaphore(%run_scoped3A : memref<!tpu.dma_semaphore, #tpu.memory_space<semaphore_mem>>)
      %dma_wait3A_139 = arith.constant 0 : i32
      %dma_wait3A_140 = tpu.memref_slice %arg16[%add3A_62, %dma_wait3A_139] : memref<10240x144xf32, #tpu.memory_space<vmem_shared>> -> memref<80x144xf32, #tpu.memory_space<vmem_shared>>
      %dma_wait3A_141 = arith.constant 0 : i32
      %dma_wait3A_142 = tpu.memref_slice %arg16[%add3A_62, %dma_wait3A_141] : memref<10240x144xf32, #tpu.memory_space<vmem_shared>> -> memref<80x144xf32, #tpu.memory_space<vmem_shared>>
      tpu.wait_dma2 semaphore(%run_scoped3A : memref<!tpu.dma_semaphore, #tpu.memory_space<semaphore_mem>>) src(%arg12 : memref<80x144xf32, #tpu.memory_space<vmem>>) dst(%dma_wait3A_142 : memref<80x144xf32, #tpu.memory_space<vmem_shared>>)
      tpu.yield
    }) : () -> ()
    %add3A_63 = arith.constant 160 : i32
    %add3A_64 = arith.addi %mul3A_58, %add3A_63 : i32
    "tpu.region"() ({
      %run_scoped3A = tpu.sem_alloc : memref<!tpu.dma_semaphore, #tpu.memory_space<semaphore_mem>>
      %dma_start3A_135 = arith.constant 0 : i32
      %dma_start3A_136 = tpu.memref_slice %arg16[%add3A_64, %dma_start3A_135] : memref<10240x144xf32, #tpu.memory_space<vmem_shared>> -> memref<80x144xf32, #tpu.memory_space<vmem_shared>>
      %dma_start3A_137 = arith.constant 0 : i32
      %dma_start3A_138 = tpu.memref_slice %arg16[%add3A_64, %dma_start3A_137] : memref<10240x144xf32, #tpu.memory_space<vmem_shared>> -> memref<80x144xf32, #tpu.memory_space<vmem_shared>>
      tpu.enqueue_dma source(%arg12 : memref<80x144xf32, #tpu.memory_space<vmem>>) target(%dma_start3A_138 : memref<80x144xf32, #tpu.memory_space<vmem_shared>>) target_semaphore(%run_scoped3A : memref<!tpu.dma_semaphore, #tpu.memory_space<semaphore_mem>>)
      %dma_wait3A_139 = arith.constant 0 : i32
      %dma_wait3A_140 = tpu.memref_slice %arg16[%add3A_64, %dma_wait3A_139] : memref<10240x144xf32, #tpu.memory_space<vmem_shared>> -> memref<80x144xf32, #tpu.memory_space<vmem_shared>>
      %dma_wait3A_141 = arith.constant 0 : i32
      %dma_wait3A_142 = tpu.memref_slice %arg16[%add3A_64, %dma_wait3A_141] : memref<10240x144xf32, #tpu.memory_space<vmem_shared>> -> memref<80x144xf32, #tpu.memory_space<vmem_shared>>
      tpu.wait_dma2 semaphore(%run_scoped3A : memref<!tpu.dma_semaphore, #tpu.memory_space<semaphore_mem>>) src(%arg12 : memref<80x144xf32, #tpu.memory_space<vmem>>) dst(%dma_wait3A_142 : memref<80x144xf32, #tpu.memory_space<vmem_shared>>)
      tpu.yield
    }) : () -> ()
    %add3A_65 = arith.constant 240 : i32
    %add3A_66 = arith.addi %mul3A_58, %add3A_65 : i32
    "tpu.region"() ({
      %run_scoped3A = tpu.sem_alloc : memref<!tpu.dma_semaphore, #tpu.memory_space<semaphore_mem>>
      %dma_start3A_135 = arith.constant 0 : i32
      %dma_start3A_136 = tpu.memref_slice %arg16[%add3A_66, %dma_start3A_135] : memref<10240x144xf32, #tpu.memory_space<vmem_shared>> -> memref<80x144xf32, #tpu.memory_space<vmem_shared>>
      %dma_start3A_137 = arith.constant 0 : i32
      %dma_start3A_138 = tpu.memref_slice %arg16[%add3A_66, %dma_start3A_137] : memref<10240x144xf32, #tpu.memory_space<vmem_shared>> -> memref<80x144xf32, #tpu.memory_space<vmem_shared>>
      tpu.enqueue_dma source(%arg12 : memref<80x144xf32, #tpu.memory_space<vmem>>) target(%dma_start3A_138 : memref<80x144xf32, #tpu.memory_space<vmem_shared>>) target_semaphore(%run_scoped3A : memref<!tpu.dma_semaphore, #tpu.memory_space<semaphore_mem>>)
      %dma_wait3A_139 = arith.constant 0 : i32
      %dma_wait3A_140 = tpu.memref_slice %arg16[%add3A_66, %dma_wait3A_139] : memref<10240x144xf32, #tpu.memory_space<vmem_shared>> -> memref<80x144xf32, #tpu.memory_space<vmem_shared>>
      %dma_wait3A_141 = arith.constant 0 : i32
      %dma_wait3A_142 = tpu.memref_slice %arg16[%add3A_66, %dma_wait3A_141] : memref<10240x144xf32, #tpu.memory_space<vmem_shared>> -> memref<80x144xf32, #tpu.memory_space<vmem_shared>>
      tpu.wait_dma2 semaphore(%run_scoped3A : memref<!tpu.dma_semaphore, #tpu.memory_space<semaphore_mem>>) src(%arg12 : memref<80x144xf32, #tpu.memory_space<vmem>>) dst(%dma_wait3A_142 : memref<80x144xf32, #tpu.memory_space<vmem_shared>>)
      tpu.yield
    }) : () -> ()
    %add3A_67 = arith.constant 320 : i32
    %add3A_68 = arith.addi %mul3A_58, %add3A_67 : i32
    "tpu.region"() ({
      %run_scoped3A = tpu.sem_alloc : memref<!tpu.dma_semaphore, #tpu.memory_space<semaphore_mem>>
      %dma_start3A_135 = arith.constant 0 : i32
      %dma_start3A_136 = tpu.memref_slice %arg16[%add3A_68, %dma_start3A_135] : memref<10240x144xf32, #tpu.memory_space<vmem_shared>> -> memref<80x144xf32, #tpu.memory_space<vmem_shared>>
      %dma_start3A_137 = arith.constant 0 : i32
      %dma_start3A_138 = tpu.memref_slice %arg16[%add3A_68, %dma_start3A_137] : memref<10240x144xf32, #tpu.memory_space<vmem_shared>> -> memref<80x144xf32, #tpu.memory_space<vmem_shared>>
      tpu.enqueue_dma source(%arg12 : memref<80x144xf32, #tpu.memory_space<vmem>>) target(%dma_start3A_138 : memref<80x144xf32, #tpu.memory_space<vmem_shared>>) target_semaphore(%run_scoped3A : memref<!tpu.dma_semaphore, #tpu.memory_space<semaphore_mem>>)
      %dma_wait3A_139 = arith.constant 0 : i32
      %dma_wait3A_140 = tpu.memref_slice %arg16[%add3A_68, %dma_wait3A_139] : memref<10240x144xf32, #tpu.memory_space<vmem_shared>> -> memref<80x144xf32, #tpu.memory_space<vmem_shared>>
      %dma_wait3A_141 = arith.constant 0 : i32
      %dma_wait3A_142 = tpu.memref_slice %arg16[%add3A_68, %dma_wait3A_141] : memref<10240x144xf32, #tpu.memory_space<vmem_shared>> -> memref<80x144xf32, #tpu.memory_space<vmem_shared>>
      tpu.wait_dma2 semaphore(%run_scoped3A : memref<!tpu.dma_semaphore, #tpu.memory_space<semaphore_mem>>) src(%arg12 : memref<80x144xf32, #tpu.memory_space<vmem>>) dst(%dma_wait3A_142 : memref<80x144xf32, #tpu.memory_space<vmem_shared>>)
      tpu.yield
    }) : () -> ()
    %add3A_69 = arith.constant 400 : i32
    %add3A_70 = arith.addi %mul3A_58, %add3A_69 : i32
    "tpu.region"() ({
      %run_scoped3A = tpu.sem_alloc : memref<!tpu.dma_semaphore, #tpu.memory_space<semaphore_mem>>
      %dma_start3A_135 = arith.constant 0 : i32
      %dma_start3A_136 = tpu.memref_slice %arg16[%add3A_70, %dma_start3A_135] : memref<10240x144xf32, #tpu.memory_space<vmem_shared>> -> memref<80x144xf32, #tpu.memory_space<vmem_shared>>
      %dma_start3A_137 = arith.constant 0 : i32
      %dma_start3A_138 = tpu.memref_slice %arg16[%add3A_70, %dma_start3A_137] : memref<10240x144xf32, #tpu.memory_space<vmem_shared>> -> memref<80x144xf32, #tpu.memory_space<vmem_shared>>
      tpu.enqueue_dma source(%arg12 : memref<80x144xf32, #tpu.memory_space<vmem>>) target(%dma_start3A_138 : memref<80x144xf32, #tpu.memory_space<vmem_shared>>) target_semaphore(%run_scoped3A : memref<!tpu.dma_semaphore, #tpu.memory_space<semaphore_mem>>)
      %dma_wait3A_139 = arith.constant 0 : i32
      %dma_wait3A_140 = tpu.memref_slice %arg16[%add3A_70, %dma_wait3A_139] : memref<10240x144xf32, #tpu.memory_space<vmem_shared>> -> memref<80x144xf32, #tpu.memory_space<vmem_shared>>
      %dma_wait3A_141 = arith.constant 0 : i32
      %dma_wait3A_142 = tpu.memref_slice %arg16[%add3A_70, %dma_wait3A_141] : memref<10240x144xf32, #tpu.memory_space<vmem_shared>> -> memref<80x144xf32, #tpu.memory_space<vmem_shared>>
      tpu.wait_dma2 semaphore(%run_scoped3A : memref<!tpu.dma_semaphore, #tpu.memory_space<semaphore_mem>>) src(%arg12 : memref<80x144xf32, #tpu.memory_space<vmem>>) dst(%dma_wait3A_142 : memref<80x144xf32, #tpu.memory_space<vmem_shared>>)
      tpu.yield
    }) : () -> ()
    %add3A_71 = arith.constant 480 : i32
    %add3A_72 = arith.addi %mul3A_58, %add3A_71 : i32
    "tpu.region"() ({
      %run_scoped3A = tpu.sem_alloc : memref<!tpu.dma_semaphore, #tpu.memory_space<semaphore_mem>>
      %dma_start3A_135 = arith.constant 0 : i32
      %dma_start3A_136 = tpu.memref_slice %arg16[%add3A_72, %dma_start3A_135] : memref<10240x144xf32, #tpu.memory_space<vmem_shared>> -> memref<80x144xf32, #tpu.memory_space<vmem_shared>>
      %dma_start3A_137 = arith.constant 0 : i32
      %dma_start3A_138 = tpu.memref_slice %arg16[%add3A_72, %dma_start3A_137] : memref<10240x144xf32, #tpu.memory_space<vmem_shared>> -> memref<80x144xf32, #tpu.memory_space<vmem_shared>>
      tpu.enqueue_dma source(%arg12 : memref<80x144xf32, #tpu.memory_space<vmem>>) target(%dma_start3A_138 : memref<80x144xf32, #tpu.memory_space<vmem_shared>>) target_semaphore(%run_scoped3A : memref<!tpu.dma_semaphore, #tpu.memory_space<semaphore_mem>>)
      %dma_wait3A_139 = arith.constant 0 : i32
      %dma_wait3A_140 = tpu.memref_slice %arg16[%add3A_72, %dma_wait3A_139] : memref<10240x144xf32, #tpu.memory_space<vmem_shared>> -> memref<80x144xf32, #tpu.memory_space<vmem_shared>>
      %dma_wait3A_141 = arith.constant 0 : i32
      %dma_wait3A_142 = tpu.memref_slice %arg16[%add3A_72, %dma_wait3A_141] : memref<10240x144xf32, #tpu.memory_space<vmem_shared>> -> memref<80x144xf32, #tpu.memory_space<vmem_shared>>
      tpu.wait_dma2 semaphore(%run_scoped3A : memref<!tpu.dma_semaphore, #tpu.memory_space<semaphore_mem>>) src(%arg12 : memref<80x144xf32, #tpu.memory_space<vmem>>) dst(%dma_wait3A_142 : memref<80x144xf32, #tpu.memory_space<vmem_shared>>)
      tpu.yield
    }) : () -> ()
    %add3A_73 = arith.constant 560 : i32
    %add3A_74 = arith.addi %mul3A_58, %add3A_73 : i32
    "tpu.region"() ({
      %run_scoped3A = tpu.sem_alloc : memref<!tpu.dma_semaphore, #tpu.memory_space<semaphore_mem>>
      %dma_start3A_135 = arith.constant 0 : i32
      %dma_start3A_136 = tpu.memref_slice %arg16[%add3A_74, %dma_start3A_135] : memref<10240x144xf32, #tpu.memory_space<vmem_shared>> -> memref<80x144xf32, #tpu.memory_space<vmem_shared>>
      %dma_start3A_137 = arith.constant 0 : i32
      %dma_start3A_138 = tpu.memref_slice %arg16[%add3A_74, %dma_start3A_137] : memref<10240x144xf32, #tpu.memory_space<vmem_shared>> -> memref<80x144xf32, #tpu.memory_space<vmem_shared>>
      tpu.enqueue_dma source(%arg12 : memref<80x144xf32, #tpu.memory_space<vmem>>) target(%dma_start3A_138 : memref<80x144xf32, #tpu.memory_space<vmem_shared>>) target_semaphore(%run_scoped3A : memref<!tpu.dma_semaphore, #tpu.memory_space<semaphore_mem>>)
      %dma_wait3A_139 = arith.constant 0 : i32
      %dma_wait3A_140 = tpu.memref_slice %arg16[%add3A_74, %dma_wait3A_139] : memref<10240x144xf32, #tpu.memory_space<vmem_shared>> -> memref<80x144xf32, #tpu.memory_space<vmem_shared>>
      %dma_wait3A_141 = arith.constant 0 : i32
      %dma_wait3A_142 = tpu.memref_slice %arg16[%add3A_74, %dma_wait3A_141] : memref<10240x144xf32, #tpu.memory_space<vmem_shared>> -> memref<80x144xf32, #tpu.memory_space<vmem_shared>>
      tpu.wait_dma2 semaphore(%run_scoped3A : memref<!tpu.dma_semaphore, #tpu.memory_space<semaphore_mem>>) src(%arg12 : memref<80x144xf32, #tpu.memory_space<vmem>>) dst(%dma_wait3A_142 : memref<80x144xf32, #tpu.memory_space<vmem_shared>>)
      tpu.yield
    }) : () -> ()
    %barrier3A = arith.constant 0 : index
    tpu.barrier barrier_id(%barrier3A)
    %scan3A_75 = arith.constant 0 : i32
    %scan3A_76 = arith.constant 0 : i32
    %scan3A_77 = arith.constant 62 : i32
    %scan3A_78 = arith.addi %scan3A_76, %scan3A_77 : i32
    %scan3A_79 = arith.constant 1 : i32
    scf.for %scan3A_135 = %scan3A_76 to %scan3A_78 step %scan3A_79  : i32 {
      %mul3A_136 = arith.constant 2 : i32
      %mul3A_137 = arith.muli %mul3A_136, %scan3A_135 : i32
      %add3A_138 = arith.constant 1 : i32
      %add3A_139 = arith.addi %mul3A_137, %add3A_138 : i32
      %mul3A_140 = arith.constant 80 : i32
      %mul3A_141 = arith.muli %add3A_139, %mul3A_140 : i32
      %add3A_142 = arith.addi %mul3A_4, %mul3A_141 : i32
      %dma_wait3A_143 = arith.constant 0 : i32
      %dma_wait3A_144 = tpu.memref_slice %arg2[%dma_wait3A_143, %add3A_142] : memref<2x320000xi32, #tpu.memory_space<hbm>> -> memref<2x80xi32, #tpu.memory_space<hbm>>
      %dma_wait3A_145 = arith.constant 0 : i32
      %dma_wait3A_146 = tpu.memref_slice %arg2[%dma_wait3A_145, %add3A_142] : memref<2x320000xi32, #tpu.memory_space<hbm>> -> memref<2x80xi32, #tpu.memory_space<hbm>>
      tpu.wait_dma2 semaphore(%arg18 : memref<!tpu.dma_semaphore, #tpu.memory_space<semaphore_mem>>) src(%dma_wait3A_146 : memref<2x80xi32, #tpu.memory_space<hbm>>) dst(%arg7 : memref<2x80xi32, #tpu.memory_space<vmem>>)
      %dma_start3A_147 = arith.constant 0 : i32
      %dma_start3A_148 = arith.constant 0 : i32
      %dma_start3A_149 = tpu.memref_slice %arg7[%dma_start3A_147, %dma_start3A_148] : memref<2x80xi32, #tpu.memory_space<vmem>> -> memref<1x80xi32, #tpu.memory_space<vmem>>
      %dma_start3A_150 = tpu.memref_squeeze %dma_start3A_149 : memref<1x80xi32, #tpu.memory_space<vmem>> -> memref<80xi32, #tpu.memory_space<vmem>>
      %dma_start3A_151 = arith.constant 0 : i32
      %dma_start3A_152 = arith.constant 0 : i32
      %dma_start3A_153 = tpu.memref_slice %arg3[%dma_start3A_151, %dma_start3A_152] : memref<10000x160xbf16, #tpu.memory_space<hbm>> -> memref<10000x160xbf16, #tpu.memory_space<hbm>>
      tpu.enqueue_indirect_dma source(%dma_start3A_153 : memref<10000x160xbf16, #tpu.memory_space<hbm>>) target(%arg10 : memref<80x160xbf16, #tpu.memory_space<vmem>>) offsets(%dma_start3A_150 : memref<80xi32, #tpu.memory_space<vmem>>) semaphore(%arg20 : memref<!tpu.dma_semaphore, #tpu.memory_space<semaphore_mem>>)
      %dma_start3A_154 = arith.constant 1 : i32
      %dma_start3A_155 = arith.constant 0 : i32
      %dma_start3A_156 = tpu.memref_slice %arg7[%dma_start3A_154, %dma_start3A_155] : memref<2x80xi32, #tpu.memory_space<vmem>> -> memref<1x80xi32, #tpu.memory_space<vmem>>
      %dma_start3A_157 = tpu.memref_squeeze %dma_start3A_156 : memref<1x80xi32, #tpu.memory_space<vmem>> -> memref<80xi32, #tpu.memory_space<vmem>>
      %dma_start3A_158 = arith.constant 0 : i32
      %dma_start3A_159 = arith.constant 0 : i32
      %dma_start3A_160 = tpu.memref_slice %arg4[%dma_start3A_158, %dma_start3A_159] : memref<10000x16xf32, #tpu.memory_space<hbm>> -> memref<10000x16xf32, #tpu.memory_space<hbm>>
      tpu.enqueue_indirect_dma source(%dma_start3A_160 : memref<10000x16xf32, #tpu.memory_space<hbm>>) target(%arg11 : memref<80x16xf32, #tpu.memory_space<vmem>>) offsets(%dma_start3A_157 : memref<80xi32, #tpu.memory_space<vmem>>) semaphore(%arg20 : memref<!tpu.dma_semaphore, #tpu.memory_space<semaphore_mem>>)
      %dma_wait3A_161 = arith.constant 0 : i32
      %dma_wait3A_162 = arith.constant 0 : i32
      %dma_wait3A_163 = tpu.memref_slice %arg6[%dma_wait3A_161, %dma_wait3A_162] : memref<2x80xi32, #tpu.memory_space<vmem>> -> memref<1x80xi32, #tpu.memory_space<vmem>>
      %dma_wait3A_164 = tpu.memref_squeeze %dma_wait3A_163 : memref<1x80xi32, #tpu.memory_space<vmem>> -> memref<80xi32, #tpu.memory_space<vmem>>
      %dma_wait3A_165 = arith.constant 0 : i32
      %dma_wait3A_166 = arith.constant 0 : i32
      %dma_wait3A_167 = tpu.memref_slice %arg3[%dma_wait3A_165, %dma_wait3A_166] : memref<10000x160xbf16, #tpu.memory_space<hbm>> -> memref<10000x160xbf16, #tpu.memory_space<hbm>>
      tpu.wait_indirect_dma semaphore(%arg19 : memref<!tpu.dma_semaphore, #tpu.memory_space<semaphore_mem>>) src(%dma_wait3A_167 : memref<10000x160xbf16, #tpu.memory_space<hbm>>) dst(%arg8 : memref<80x160xbf16, #tpu.memory_space<vmem>>)
      %dma_wait3A_168 = arith.constant 1 : i32
      %dma_wait3A_169 = arith.constant 0 : i32
      %dma_wait3A_170 = tpu.memref_slice %arg6[%dma_wait3A_168, %dma_wait3A_169] : memref<2x80xi32, #tpu.memory_space<vmem>> -> memref<1x80xi32, #tpu.memory_space<vmem>>
      %dma_wait3A_171 = tpu.memref_squeeze %dma_wait3A_170 : memref<1x80xi32, #tpu.memory_space<vmem>> -> memref<80xi32, #tpu.memory_space<vmem>>
      %dma_wait3A_172 = arith.constant 0 : i32
      %dma_wait3A_173 = arith.constant 0 : i32
      %dma_wait3A_174 = tpu.memref_slice %arg4[%dma_wait3A_172, %dma_wait3A_173] : memref<10000x16xf32, #tpu.memory_space<hbm>> -> memref<10000x16xf32, #tpu.memory_space<hbm>>
      tpu.wait_indirect_dma semaphore(%arg19 : memref<!tpu.dma_semaphore, #tpu.memory_space<semaphore_mem>>) src(%dma_wait3A_174 : memref<10000x16xf32, #tpu.memory_space<hbm>>) dst(%arg9 : memref<80x16xf32, #tpu.memory_space<vmem>>)
      %parallel_loop3A_175 = arith.constant 0 : i32
      %parallel_loop3A_176 = arith.constant 80 : i32
      %parallel_loop3A_177 = arith.constant 1 : i32
      scf.for %parallel_loop3A_303 = %parallel_loop3A_175 to %parallel_loop3A_176 step %parallel_loop3A_177  : i32 {
        %parallel_loop3A_304 = arith.index_cast %parallel_loop3A_303 : i32 to index
        %parallel_loop3A_305 = arith.constant 128 : index
        %parallel_loop3A_306 = tpu.vector_load %arg8[%parallel_loop3A_304, %parallel_loop3A_305] {strides = array<i32>} : memref<80x160xbf16, #tpu.memory_space<vmem>>, vector<32xbf16>,
        %parallel_loop3A_307 = tpu.unpack_subelements %parallel_loop3A_306, 0 {pack_format = #tpu.pack_format<interleaved>} : vector<32xbf16> -> vector<16xf32>
        %parallel_loop3A_308 = tpu.unpack_subelements %parallel_loop3A_306, 1 {pack_format = #tpu.pack_format<interleaved>} : vector<32xbf16> -> vector<16xf32>
        %parallel_loop3A_309 = arith.index_cast %parallel_loop3A_303 : i32 to index
        %parallel_loop3A_310 = arith.constant 0 : index
        %parallel_loop3A_311 = tpu.vector_load %arg9[%parallel_loop3A_309, %parallel_loop3A_310] {strides = array<i32>} : memref<80x16xf32, #tpu.memory_space<vmem>>, vector<16xf32>,
        %parallel_loop3A_312 = arith.addf %parallel_loop3A_307, %parallel_loop3A_311 : vector<16xf32>
        %parallel_loop3A_313 = arith.constant 0.000000e+00 : f32
        %parallel_loop3A_314 = vector.broadcast %parallel_loop3A_313 : f32 to vector<16xf32>
        %parallel_loop3A_315 = arith.cmpf oge, %parallel_loop3A_312, %parallel_loop3A_314 : vector<16xf32>
        %parallel_loop3A_316 = arith.constant 2.000000e-01 : f32
        %parallel_loop3A_317 = vector.broadcast %parallel_loop3A_316 : f32 to vector<16xf32>
        %parallel_loop3A_318 = arith.mulf %parallel_loop3A_312, %parallel_loop3A_317 : vector<16xf32>
        %parallel_loop3A_319 = arith.select %parallel_loop3A_315, %parallel_loop3A_312, %parallel_loop3A_318 : vector<16xi1>, vector<16xf32>
        %parallel_loop3A_320 = math.exp %parallel_loop3A_319 : vector<16xf32>
        %parallel_loop3A_321 = arith.constant 0.000000e+00 : f32
        %parallel_loop3A_322 = vector.broadcast %parallel_loop3A_321 : f32 to vector<16xf32>
        %parallel_loop3A_323 = arith.select %lt3A_2, %parallel_loop3A_320, %parallel_loop3A_322 : vector<16xi1>, vector<16xf32>
        %parallel_loop3A_324 = arith.index_cast %parallel_loop3A_303 : i32 to index
        %parallel_loop3A_325 = arith.constant 128 : index
        %parallel_loop3A_326 = tpu.vector_load %arg12[%parallel_loop3A_324, %parallel_loop3A_325] {strides = array<i32>} : memref<80x144xf32, #tpu.memory_space<vmem>>, vector<16xf32>,
        tpu.vector_store %arg12[%parallel_loop3A_324, %parallel_loop3A_325], %parallel_loop3A_323 {strides = array<i32>} : memref<80x144xf32, #tpu.memory_space<vmem>>, vector<16xf32>,
        %parallel_loop3A_327 = arith.index_cast %parallel_loop3A_303 : i32 to index
        %parallel_loop3A_328 = arith.constant 0 : index
        %parallel_loop3A_329 = tpu.vector_load %arg8[%parallel_loop3A_327, %parallel_loop3A_328] {strides = array<i32>} : memref<80x160xbf16, #tpu.memory_space<vmem>>, vector<32xbf16>,
        %parallel_loop3A_330 = tpu.unpack_subelements %parallel_loop3A_329, 0 {pack_format = #tpu.pack_format<interleaved>} : vector<32xbf16> -> vector<16xf32>
        %parallel_loop3A_331 = tpu.unpack_subelements %parallel_loop3A_329, 1 {pack_format = #tpu.pack_format<interleaved>} : vector<32xbf16> -> vector<16xf32>
        %parallel_loop3A_332 = arith.constant 0 : i32
        %parallel_loop3A_333 = vector.broadcast %parallel_loop3A_332 : i32 to vector<16xi32>
        %parallel_loop3A_334 = arith.cmpi slt, %broadcast_in_dim3A_5, %parallel_loop3A_333 : vector<16xi32>
        %parallel_loop3A_335 = arith.constant 16 : i32
        %parallel_loop3A_336 = vector.broadcast %parallel_loop3A_335 : i32 to vector<16xi32>
        %parallel_loop3A_337 = arith.addi %broadcast_in_dim3A_5, %parallel_loop3A_336 : vector<16xi32>
        %parallel_loop3A_338 = arith.select %parallel_loop3A_334, %parallel_loop3A_337, %broadcast_in_dim3A_5 : vector<16xi1>, vector<16xi32>
        %parallel_loop3A_339 = vector.shape_cast %parallel_loop3A_338 : vector<16xi32> to vector<16x1xi32>
        %parallel_loop3A_340 = vector.shape_cast %parallel_loop3A_339 : vector<16x1xi32> to vector<16xi32>
        %parallel_loop3A_341 = tpu.dynamic_gather %parallel_loop3A_323[%parallel_loop3A_340] in [0] : vector<16xf32>, vector<16xi32> -> vector<16xf32>
        %parallel_loop3A_342 = arith.constant 0 : i32
        %parallel_loop3A_343 = vector.broadcast %parallel_loop3A_342 : i32 to vector<16xi32>
        %parallel_loop3A_344 = arith.cmpi slt, %broadcast_in_dim3A_7, %parallel_loop3A_343 : vector<16xi32>
        %parallel_loop3A_345 = arith.constant 16 : i32
        %parallel_loop3A_346 = vector.broadcast %parallel_loop3A_345 : i32 to vector<16xi32>
        %parallel_loop3A_347 = arith.addi %broadcast_in_dim3A_7, %parallel_loop3A_346 : vector<16xi32>
        %parallel_loop3A_348 = arith.select %parallel_loop3A_344, %parallel_loop3A_347, %broadcast_in_dim3A_7 : vector<16xi1>, vector<16xi32>
        %parallel_loop3A_349 = vector.shape_cast %parallel_loop3A_348 : vector<16xi32> to vector<16x1xi32>
        %parallel_loop3A_350 = vector.shape_cast %parallel_loop3A_349 : vector<16x1xi32> to vector<16xi32>
        %parallel_loop3A_351 = tpu.dynamic_gather %parallel_loop3A_323[%parallel_loop3A_350] in [0] : vector<16xf32>, vector<16xi32> -> vector<16xf32>
        %parallel_loop3A_352 = arith.mulf %parallel_loop3A_330, %parallel_loop3A_341 : vector<16xf32>
        %parallel_loop3A_353 = arith.index_cast %parallel_loop3A_303 : i32 to index
        %parallel_loop3A_354 = arith.constant 0 : index
        %parallel_loop3A_355 = tpu.vector_load %arg12[%parallel_loop3A_353, %parallel_loop3A_354] {strides = array<i32>} : memref<80x144xf32, #tpu.memory_space<vmem>>, vector<16xf32>,
        tpu.vector_store %arg12[%parallel_loop3A_353, %parallel_loop3A_354], %parallel_loop3A_352 {strides = array<i32>} : memref<80x144xf32, #tpu.memory_space<vmem>>, vector<16xf32>,
        %parallel_loop3A_356 = arith.mulf %parallel_loop3A_331, %parallel_loop3A_351 : vector<16xf32>
        %parallel_loop3A_357 = arith.index_cast %parallel_loop3A_303 : i32 to index
        %parallel_loop3A_358 = arith.constant 16 : index
        %parallel_loop3A_359 = tpu.vector_load %arg12[%parallel_loop3A_357, %parallel_loop3A_358] {strides = array<i32>} : memref<80x144xf32, #tpu.memory_space<vmem>>, vector<16xf32>,
        tpu.vector_store %arg12[%parallel_loop3A_357, %parallel_loop3A_358], %parallel_loop3A_356 {strides = array<i32>} : memref<80x144xf32, #tpu.memory_space<vmem>>, vector<16xf32>,
        %parallel_loop3A_360 = arith.index_cast %parallel_loop3A_303 : i32 to index
        %parallel_loop3A_361 = arith.constant 32 : index
        %parallel_loop3A_362 = tpu.vector_load %arg8[%parallel_loop3A_360, %parallel_loop3A_361] {strides = array<i32>} : memref<80x160xbf16, #tpu.memory_space<vmem>>, vector<32xbf16>,
        %parallel_loop3A_363 = tpu.unpack_subelements %parallel_loop3A_362, 0 {pack_format = #tpu.pack_format<interleaved>} : vector<32xbf16> -> vector<16xf32>
        %parallel_loop3A_364 = tpu.unpack_subelements %parallel_loop3A_362, 1 {pack_format = #tpu.pack_format<interleaved>} : vector<32xbf16> -> vector<16xf32>
        %parallel_loop3A_365 = arith.constant 0 : i32
        %parallel_loop3A_366 = vector.broadcast %parallel_loop3A_365 : i32 to vector<16xi32>
        %parallel_loop3A_367 = arith.cmpi slt, %broadcast_in_dim3A_9, %parallel_loop3A_366 : vector<16xi32>
        %parallel_loop3A_368 = arith.constant 16 : i32
        %parallel_loop3A_369 = vector.broadcast %parallel_loop3A_368 : i32 to vector<16xi32>
        %parallel_loop3A_370 = arith.addi %broadcast_in_dim3A_9, %parallel_loop3A_369 : vector<16xi32>
        %parallel_loop3A_371 = arith.select %parallel_loop3A_367, %parallel_loop3A_370, %broadcast_in_dim3A_9 : vector<16xi1>, vector<16xi32>
        %parallel_loop3A_372 = vector.shape_cast %parallel_loop3A_371 : vector<16xi32> to vector<16x1xi32>
        %parallel_loop3A_373 = vector.shape_cast %parallel_loop3A_372 : vector<16x1xi32> to vector<16xi32>
        %parallel_loop3A_374 = tpu.dynamic_gather %parallel_loop3A_323[%parallel_loop3A_373] in [0] : vector<16xf32>, vector<16xi32> -> vector<16xf32>
        %parallel_loop3A_375 = arith.constant 0 : i32
        %parallel_loop3A_376 = vector.broadcast %parallel_loop3A_375 : i32 to vector<16xi32>
        %parallel_loop3A_377 = arith.cmpi slt, %broadcast_in_dim3A_11, %parallel_loop3A_376 : vector<16xi32>
        %parallel_loop3A_378 = arith.constant 16 : i32
        %parallel_loop3A_379 = vector.broadcast %parallel_loop3A_378 : i32 to vector<16xi32>
        %parallel_loop3A_380 = arith.addi %broadcast_in_dim3A_11, %parallel_loop3A_379 : vector<16xi32>
        %parallel_loop3A_381 = arith.select %parallel_loop3A_377, %parallel_loop3A_380, %broadcast_in_dim3A_11 : vector<16xi1>, vector<16xi32>
        %parallel_loop3A_382 = vector.shape_cast %parallel_loop3A_381 : vector<16xi32> to vector<16x1xi32>
        %parallel_loop3A_383 = vector.shape_cast %parallel_loop3A_382 : vector<16x1xi32> to vector<16xi32>
        %parallel_loop3A_384 = tpu.dynamic_gather %parallel_loop3A_323[%parallel_loop3A_383] in [0] : vector<16xf32>, vector<16xi32> -> vector<16xf32>
        %parallel_loop3A_385 = arith.mulf %parallel_loop3A_363, %parallel_loop3A_374 : vector<16xf32>
        %parallel_loop3A_386 = arith.index_cast %parallel_loop3A_303 : i32 to index
        %parallel_loop3A_387 = arith.constant 32 : index
        %parallel_loop3A_388 = tpu.vector_load %arg12[%parallel_loop3A_386, %parallel_loop3A_387] {strides = array<i32>} : memref<80x144xf32, #tpu.memory_space<vmem>>, vector<16xf32>,
        tpu.vector_store %arg12[%parallel_loop3A_386, %parallel_loop3A_387], %parallel_loop3A_385 {strides = array<i32>} : memref<80x144xf32, #tpu.memory_space<vmem>>, vector<16xf32>,
        %parallel_loop3A_389 = arith.mulf %parallel_loop3A_364, %parallel_loop3A_384 : vector<16xf32>
        %parallel_loop3A_390 = arith.index_cast %parallel_loop3A_303 : i32 to index
        %parallel_loop3A_391 = arith.constant 48 : index
        %parallel_loop3A_392 = tpu.vector_load %arg12[%parallel_loop3A_390, %parallel_loop3A_391] {strides = array<i32>} : memref<80x144xf32, #tpu.memory_space<vmem>>, vector<16xf32>,
        tpu.vector_store %arg12[%parallel_loop3A_390, %parallel_loop3A_391], %parallel_loop3A_389 {strides = array<i32>} : memref<80x144xf32, #tpu.memory_space<vmem>>, vector<16xf32>,
        %parallel_loop3A_393 = arith.index_cast %parallel_loop3A_303 : i32 to index
        %parallel_loop3A_394 = arith.constant 64 : index
        %parallel_loop3A_395 = tpu.vector_load %arg8[%parallel_loop3A_393, %parallel_loop3A_394] {strides = array<i32>} : memref<80x160xbf16, #tpu.memory_space<vmem>>, vector<32xbf16>,
        %parallel_loop3A_396 = tpu.unpack_subelements %parallel_loop3A_395, 0 {pack_format = #tpu.pack_format<interleaved>} : vector<32xbf16> -> vector<16xf32>
        %parallel_loop3A_397 = tpu.unpack_subelements %parallel_loop3A_395, 1 {pack_format = #tpu.pack_format<interleaved>} : vector<32xbf16> -> vector<16xf32>
        %parallel_loop3A_398 = arith.constant 0 : i32
        %parallel_loop3A_399 = vector.broadcast %parallel_loop3A_398 : i32 to vector<16xi32>
        %parallel_loop3A_400 = arith.cmpi slt, %broadcast_in_dim3A_13, %parallel_loop3A_399 : vector<16xi32>
        %parallel_loop3A_401 = arith.constant 16 : i32
        %parallel_loop3A_402 = vector.broadcast %parallel_loop3A_401 : i32 to vector<16xi32>
        %parallel_loop3A_403 = arith.addi %broadcast_in_dim3A_13, %parallel_loop3A_402 : vector<16xi32>
        %parallel_loop3A_404 = arith.select %parallel_loop3A_400, %parallel_loop3A_403, %broadcast_in_dim3A_13 : vector<16xi1>, vector<16xi32>
        %parallel_loop3A_405 = vector.shape_cast %parallel_loop3A_404 : vector<16xi32> to vector<16x1xi32>
        %parallel_loop3A_406 = vector.shape_cast %parallel_loop3A_405 : vector<16x1xi32> to vector<16xi32>
        %parallel_loop3A_407 = tpu.dynamic_gather %parallel_loop3A_323[%parallel_loop3A_406] in [0] : vector<16xf32>, vector<16xi32> -> vector<16xf32>
        %parallel_loop3A_408 = arith.constant 0 : i32
        %parallel_loop3A_409 = vector.broadcast %parallel_loop3A_408 : i32 to vector<16xi32>
        %parallel_loop3A_410 = arith.cmpi slt, %broadcast_in_dim3A_15, %parallel_loop3A_409 : vector<16xi32>
        %parallel_loop3A_411 = arith.constant 16 : i32
        %parallel_loop3A_412 = vector.broadcast %parallel_loop3A_411 : i32 to vector<16xi32>
        %parallel_loop3A_413 = arith.addi %broadcast_in_dim3A_15, %parallel_loop3A_412 : vector<16xi32>
        %parallel_loop3A_414 = arith.select %parallel_loop3A_410, %parallel_loop3A_413, %broadcast_in_dim3A_15 : vector<16xi1>, vector<16xi32>
        %parallel_loop3A_415 = vector.shape_cast %parallel_loop3A_414 : vector<16xi32> to vector<16x1xi32>
        %parallel_loop3A_416 = vector.shape_cast %parallel_loop3A_415 : vector<16x1xi32> to vector<16xi32>
        %parallel_loop3A_417 = tpu.dynamic_gather %parallel_loop3A_323[%parallel_loop3A_416] in [0] : vector<16xf32>, vector<16xi32> -> vector<16xf32>
        %parallel_loop3A_418 = arith.mulf %parallel_loop3A_396, %parallel_loop3A_407 : vector<16xf32>
        %parallel_loop3A_419 = arith.index_cast %parallel_loop3A_303 : i32 to index
        %parallel_loop3A_420 = arith.constant 64 : index
        %parallel_loop3A_421 = tpu.vector_load %arg12[%parallel_loop3A_419, %parallel_loop3A_420] {strides = array<i32>} : memref<80x144xf32, #tpu.memory_space<vmem>>, vector<16xf32>,
        tpu.vector_store %arg12[%parallel_loop3A_419, %parallel_loop3A_420], %parallel_loop3A_418 {strides = array<i32>} : memref<80x144xf32, #tpu.memory_space<vmem>>, vector<16xf32>,
        %parallel_loop3A_422 = arith.mulf %parallel_loop3A_397, %parallel_loop3A_417 : vector<16xf32>
        %parallel_loop3A_423 = arith.index_cast %parallel_loop3A_303 : i32 to index
        %parallel_loop3A_424 = arith.constant 80 : index
        %parallel_loop3A_425 = tpu.vector_load %arg12[%parallel_loop3A_423, %parallel_loop3A_424] {strides = array<i32>} : memref<80x144xf32, #tpu.memory_space<vmem>>, vector<16xf32>,
        tpu.vector_store %arg12[%parallel_loop3A_423, %parallel_loop3A_424], %parallel_loop3A_422 {strides = array<i32>} : memref<80x144xf32, #tpu.memory_space<vmem>>, vector<16xf32>,
        %parallel_loop3A_426 = arith.index_cast %parallel_loop3A_303 : i32 to index
        %parallel_loop3A_427 = arith.constant 96 : index
        %parallel_loop3A_428 = tpu.vector_load %arg8[%parallel_loop3A_426, %parallel_loop3A_427] {strides = array<i32>} : memref<80x160xbf16, #tpu.memory_space<vmem>>, vector<32xbf16>,
        %parallel_loop3A_429 = tpu.unpack_subelements %parallel_loop3A_428, 0 {pack_format = #tpu.pack_format<interleaved>} : vector<32xbf16> -> vector<16xf32>
        %parallel_loop3A_430 = tpu.unpack_subelements %parallel_loop3A_428, 1 {pack_format = #tpu.pack_format<interleaved>} : vector<32xbf16> -> vector<16xf32>
        %parallel_loop3A_431 = arith.constant 0 : i32
        %parallel_loop3A_432 = vector.broadcast %parallel_loop3A_431 : i32 to vector<16xi32>
        %parallel_loop3A_433 = arith.cmpi slt, %broadcast_in_dim3A_17, %parallel_loop3A_432 : vector<16xi32>
        %parallel_loop3A_434 = arith.constant 16 : i32
        %parallel_loop3A_435 = vector.broadcast %parallel_loop3A_434 : i32 to vector<16xi32>
        %parallel_loop3A_436 = arith.addi %broadcast_in_dim3A_17, %parallel_loop3A_435 : vector<16xi32>
        %parallel_loop3A_437 = arith.select %parallel_loop3A_433, %parallel_loop3A_436, %broadcast_in_dim3A_17 : vector<16xi1>, vector<16xi32>
        %parallel_loop3A_438 = vector.shape_cast %parallel_loop3A_437 : vector<16xi32> to vector<16x1xi32>
        %parallel_loop3A_439 = vector.shape_cast %parallel_loop3A_438 : vector<16x1xi32> to vector<16xi32>
        %parallel_loop3A_440 = tpu.dynamic_gather %parallel_loop3A_323[%parallel_loop3A_439] in [0] : vector<16xf32>, vector<16xi32> -> vector<16xf32>
        %parallel_loop3A_441 = arith.constant 0 : i32
        %parallel_loop3A_442 = vector.broadcast %parallel_loop3A_441 : i32 to vector<16xi32>
        %parallel_loop3A_443 = arith.cmpi slt, %broadcast_in_dim3A_19, %parallel_loop3A_442 : vector<16xi32>
        %parallel_loop3A_444 = arith.constant 16 : i32
        %parallel_loop3A_445 = vector.broadcast %parallel_loop3A_444 : i32 to vector<16xi32>
        %parallel_loop3A_446 = arith.addi %broadcast_in_dim3A_19, %parallel_loop3A_445 : vector<16xi32>
        %parallel_loop3A_447 = arith.select %parallel_loop3A_443, %parallel_loop3A_446, %broadcast_in_dim3A_19 : vector<16xi1>, vector<16xi32>
        %parallel_loop3A_448 = vector.shape_cast %parallel_loop3A_447 : vector<16xi32> to vector<16x1xi32>
        %parallel_loop3A_449 = vector.shape_cast %parallel_loop3A_448 : vector<16x1xi32> to vector<16xi32>
        %parallel_loop3A_450 = tpu.dynamic_gather %parallel_loop3A_323[%parallel_loop3A_449] in [0] : vector<16xf32>, vector<16xi32> -> vector<16xf32>
        %parallel_loop3A_451 = arith.mulf %parallel_loop3A_429, %parallel_loop3A_440 : vector<16xf32>
        %parallel_loop3A_452 = arith.index_cast %parallel_loop3A_303 : i32 to index
        %parallel_loop3A_453 = arith.constant 96 : index
        %parallel_loop3A_454 = tpu.vector_load %arg12[%parallel_loop3A_452, %parallel_loop3A_453] {strides = array<i32>} : memref<80x144xf32, #tpu.memory_space<vmem>>, vector<16xf32>,
        tpu.vector_store %arg12[%parallel_loop3A_452, %parallel_loop3A_453], %parallel_loop3A_451 {strides = array<i32>} : memref<80x144xf32, #tpu.memory_space<vmem>>, vector<16xf32>,
        %parallel_loop3A_455 = arith.mulf %parallel_loop3A_430, %parallel_loop3A_450 : vector<16xf32>
        %parallel_loop3A_456 = arith.index_cast %parallel_loop3A_303 : i32 to index
        %parallel_loop3A_457 = arith.constant 112 : index
        %parallel_loop3A_458 = tpu.vector_load %arg12[%parallel_loop3A_456, %parallel_loop3A_457] {strides = array<i32>} : memref<80x144xf32, #tpu.memory_space<vmem>>, vector<16xf32>,
        tpu.vector_store %arg12[%parallel_loop3A_456, %parallel_loop3A_457], %parallel_loop3A_455 {strides = array<i32>} : memref<80x144xf32, #tpu.memory_space<vmem>>, vector<16xf32>,
      } {sc.loop_unroll_factor = 4 : i64, sc.parallel_access}
      %gt3A = arith.constant 0 : i32
      %gt3A_178 = arith.cmpi sgt, %scan3A_135, %gt3A : i32
      %convert_element_type3A = arith.extui %gt3A_178 : i1 to i32
      %cond3A = arith.constant 0 : i32
      %cond3A_179 = arith.cmpi ne, %convert_element_type3A, %cond3A : i32
      scf.if %cond3A_179 {
        %dma_wait3A_303 = arith.constant 0 : i32
        %dma_wait3A_304 = arith.constant 0 : i32
        %dma_wait3A_305 = tpu.memref_slice %arg16[%dma_wait3A_303, %dma_wait3A_304] : memref<10240x144xf32, #tpu.memory_space<vmem_shared>> -> memref<10240x144xf32, #tpu.memory_space<vmem_shared>>
        tpu.wait_indirect_dma semaphore(%arg22 : memref<!tpu.dma_semaphore, #tpu.memory_space<semaphore_mem>>) src(%arg13 : memref<80x144xf32, #tpu.memory_space<vmem>>) dst(%dma_wait3A_305 : memref<10240x144xf32, #tpu.memory_space<vmem_shared>>)
      } else {
      }
      %get3A_180 = arith.constant 1 : i32
      %get3A_181 = arith.index_cast %get3A_180 : i32 to index
      %get3A_182 = arith.constant 0 : index
      %get3A_183 = tpu.vector_load %arg6[%get3A_181, %get3A_182] {strides = array<i32>} : memref<2x80xi32, #tpu.memory_space<vmem>>, vector<16xi32>,
      %swap3A_184 = arith.constant 0 : index
      %swap3A_185 = tpu.vector_load %arg14[%swap3A_184] {strides = array<i32>} : memref<80xi32, #tpu.memory_space<vmem>>, vector<16xi32>,
      tpu.vector_store %arg14[%swap3A_184], %get3A_183 {strides = array<i32>} : memref<80xi32, #tpu.memory_space<vmem>>, vector<16xi32>,
      %get3A_186 = arith.constant 1 : i32
      %get3A_187 = arith.index_cast %get3A_186 : i32 to index
      %get3A_188 = arith.constant 16 : index
      %get3A_189 = tpu.vector_load %arg6[%get3A_187, %get3A_188] {strides = array<i32>} : memref<2x80xi32, #tpu.memory_space<vmem>>, vector<16xi32>,
      %swap3A_190 = arith.constant 16 : index
      %swap3A_191 = tpu.vector_load %arg14[%swap3A_190] {strides = array<i32>} : memref<80xi32, #tpu.memory_space<vmem>>, vector<16xi32>,
      tpu.vector_store %arg14[%swap3A_190], %get3A_189 {strides = array<i32>} : memref<80xi32, #tpu.memory_space<vmem>>, vector<16xi32>,
      %get3A_192 = arith.constant 1 : i32
      %get3A_193 = arith.index_cast %get3A_192 : i32 to index
      %get3A_194 = arith.constant 32 : index
      %get3A_195 = tpu.vector_load %arg6[%get3A_193, %get3A_194] {strides = array<i32>} : memref<2x80xi32, #tpu.memory_space<vmem>>, vector<16xi32>,
      %swap3A_196 = arith.constant 32 : index
      %swap3A_197 = tpu.vector_load %arg14[%swap3A_196] {strides = array<i32>} : memref<80xi32, #tpu.memory_space<vmem>>, vector<16xi32>,
      tpu.vector_store %arg14[%swap3A_196], %get3A_195 {strides = array<i32>} : memref<80xi32, #tpu.memory_space<vmem>>, vector<16xi32>,
      %get3A_198 = arith.constant 1 : i32
      %get3A_199 = arith.index_cast %get3A_198 : i32 to index
      %get3A_200 = arith.constant 48 : index
      %get3A_201 = tpu.vector_load %arg6[%get3A_199, %get3A_200] {strides = array<i32>} : memref<2x80xi32, #tpu.memory_space<vmem>>, vector<16xi32>,
      %swap3A_202 = arith.constant 48 : index
      %swap3A_203 = tpu.vector_load %arg14[%swap3A_202] {strides = array<i32>} : memref<80xi32, #tpu.memory_space<vmem>>, vector<16xi32>,
      tpu.vector_store %arg14[%swap3A_202], %get3A_201 {strides = array<i32>} : memref<80xi32, #tpu.memory_space<vmem>>, vector<16xi32>,
      %get3A_204 = arith.constant 1 : i32
      %get3A_205 = arith.index_cast %get3A_204 : i32 to index
      %get3A_206 = arith.constant 64 : index
      %get3A_207 = tpu.vector_load %arg6[%get3A_205, %get3A_206] {strides = array<i32>} : memref<2x80xi32, #tpu.memory_space<vmem>>, vector<16xi32>,
      %swap3A_208 = arith.constant 64 : index
      %swap3A_209 = tpu.vector_load %arg14[%swap3A_208] {strides = array<i32>} : memref<80xi32, #tpu.memory_space<vmem>>, vector<16xi32>,
      tpu.vector_store %arg14[%swap3A_208], %get3A_207 {strides = array<i32>} : memref<80xi32, #tpu.memory_space<vmem>>, vector<16xi32>,
      %dma_start3A_210 = arith.constant 0 : i32
      %dma_start3A_211 = arith.constant 0 : i32
      %dma_start3A_212 = tpu.memref_slice %arg16[%dma_start3A_210, %dma_start3A_211] : memref<10240x144xf32, #tpu.memory_space<vmem_shared>> -> memref<10240x144xf32, #tpu.memory_space<vmem_shared>>
      tpu.enqueue_indirect_dma source(%arg12 : memref<80x144xf32, #tpu.memory_space<vmem>>) target(%dma_start3A_212 : memref<10240x144xf32, #tpu.memory_space<vmem_shared>>) offsets(%arg14 : memref<80xi32, #tpu.memory_space<vmem>>) semaphore(%arg21 : memref<!tpu.dma_semaphore, #tpu.memory_space<semaphore_mem>>) {add = true}
      %add3A_213 = arith.constant 2 : i32
      %add3A_214 = arith.addi %mul3A_137, %add3A_213 : i32
      %mul3A_215 = arith.constant 80 : i32
      %mul3A_216 = arith.muli %add3A_214, %mul3A_215 : i32
      %add3A_217 = arith.addi %mul3A_4, %mul3A_216 : i32
      %dma_start3A_218 = arith.constant 0 : i32
      %dma_start3A_219 = tpu.memref_slice %arg2[%dma_start3A_218, %add3A_217] : memref<2x320000xi32, #tpu.memory_space<hbm>> -> memref<2x80xi32, #tpu.memory_space<hbm>>
      %dma_start3A_220 = arith.constant 0 : i32
      %dma_start3A_221 = tpu.memref_slice %arg2[%dma_start3A_220, %add3A_217] : memref<2x320000xi32, #tpu.memory_space<hbm>> -> memref<2x80xi32, #tpu.memory_space<hbm>>
      tpu.enqueue_dma source(%dma_start3A_221 : memref<2x80xi32, #tpu.memory_space<hbm>>) target(%arg6 : memref<2x80xi32, #tpu.memory_space<vmem>>) target_semaphore(%arg17 : memref<!tpu.dma_semaphore, #tpu.memory_space<semaphore_mem>>)
      %add3A_222 = arith.constant 2 : i32
      %add3A_223 = arith.addi %mul3A_137, %add3A_222 : i32
      %mul3A_224 = arith.constant 80 : i32
      %mul3A_225 = arith.muli %add3A_223, %mul3A_224 : i32
      %add3A_226 = arith.addi %mul3A_4, %mul3A_225 : i32
      %dma_wait3A_227 = arith.constant 0 : i32
      %dma_wait3A_228 = tpu.memref_slice %arg2[%dma_wait3A_227, %add3A_226] : memref<2x320000xi32, #tpu.memory_space<hbm>> -> memref<2x80xi32, #tpu.memory_space<hbm>>
      %dma_wait3A_229 = arith.constant 0 : i32
      %dma_wait3A_230 = tpu.memref_slice %arg2[%dma_wait3A_229, %add3A_226] : memref<2x320000xi32, #tpu.memory_space<hbm>> -> memref<2x80xi32, #tpu.memory_space<hbm>>
      tpu.wait_dma2 semaphore(%arg17 : memref<!tpu.dma_semaphore, #tpu.memory_space<semaphore_mem>>) src(%dma_wait3A_230 : memref<2x80xi32, #tpu.memory_space<hbm>>) dst(%arg6 : memref<2x80xi32, #tpu.memory_space<vmem>>)
      %dma_start3A_231 = arith.constant 0 : i32
      %dma_start3A_232 = arith.constant 0 : i32
      %dma_start3A_233 = tpu.memref_slice %arg6[%dma_start3A_231, %dma_start3A_232] : memref<2x80xi32, #tpu.memory_space<vmem>> -> memref<1x80xi32, #tpu.memory_space<vmem>>
      %dma_start3A_234 = tpu.memref_squeeze %dma_start3A_233 : memref<1x80xi32, #tpu.memory_space<vmem>> -> memref<80xi32, #tpu.memory_space<vmem>>
      %dma_start3A_235 = arith.constant 0 : i32
      %dma_start3A_236 = arith.constant 0 : i32
      %dma_start3A_237 = tpu.memref_slice %arg3[%dma_start3A_235, %dma_start3A_236] : memref<10000x160xbf16, #tpu.memory_space<hbm>> -> memref<10000x160xbf16, #tpu.memory_space<hbm>>
      tpu.enqueue_indirect_dma source(%dma_start3A_237 : memref<10000x160xbf16, #tpu.memory_space<hbm>>) target(%arg8 : memref<80x160xbf16, #tpu.memory_space<vmem>>) offsets(%dma_start3A_234 : memref<80xi32, #tpu.memory_space<vmem>>) semaphore(%arg19 : memref<!tpu.dma_semaphore, #tpu.memory_space<semaphore_mem>>)
      %dma_start3A_238 = arith.constant 1 : i32
      %dma_start3A_239 = arith.constant 0 : i32
      %dma_start3A_240 = tpu.memref_slice %arg6[%dma_start3A_238, %dma_start3A_239] : memref<2x80xi32, #tpu.memory_space<vmem>> -> memref<1x80xi32, #tpu.memory_space<vmem>>
      %dma_start3A_241 = tpu.memref_squeeze %dma_start3A_240 : memref<1x80xi32, #tpu.memory_space<vmem>> -> memref<80xi32, #tpu.memory_space<vmem>>
      %dma_start3A_242 = arith.constant 0 : i32
      %dma_start3A_243 = arith.constant 0 : i32
      %dma_start3A_244 = tpu.memref_slice %arg4[%dma_start3A_242, %dma_start3A_243] : memref<10000x16xf32, #tpu.memory_space<hbm>> -> memref<10000x16xf32, #tpu.memory_space<hbm>>
      tpu.enqueue_indirect_dma source(%dma_start3A_244 : memref<10000x16xf32, #tpu.memory_space<hbm>>) target(%arg9 : memref<80x16xf32, #tpu.memory_space<vmem>>) offsets(%dma_start3A_241 : memref<80xi32, #tpu.memory_space<vmem>>) semaphore(%arg19 : memref<!tpu.dma_semaphore, #tpu.memory_space<semaphore_mem>>)
      %dma_wait3A_245 = arith.constant 0 : i32
      %dma_wait3A_246 = arith.constant 0 : i32
      %dma_wait3A_247 = tpu.memref_slice %arg7[%dma_wait3A_245, %dma_wait3A_246] : memref<2x80xi32, #tpu.memory_space<vmem>> -> memref<1x80xi32, #tpu.memory_space<vmem>>
      %dma_wait3A_248 = tpu.memref_squeeze %dma_wait3A_247 : memref<1x80xi32, #tpu.memory_space<vmem>> -> memref<80xi32, #tpu.memory_space<vmem>>
      %dma_wait3A_249 = arith.constant 0 : i32
      %dma_wait3A_250 = arith.constant 0 : i32
      %dma_wait3A_251 = tpu.memref_slice %arg3[%dma_wait3A_249, %dma_wait3A_250] : memref<10000x160xbf16, #tpu.memory_space<hbm>> -> memref<10000x160xbf16, #tpu.memory_space<hbm>>
      tpu.wait_indirect_dma semaphore(%arg20 : memref<!tpu.dma_semaphore, #tpu.memory_space<semaphore_mem>>) src(%dma_wait3A_251 : memref<10000x160xbf16, #tpu.memory_space<hbm>>) dst(%arg10 : memref<80x160xbf16, #tpu.memory_space<vmem>>)
      %dma_wait3A_252 = arith.constant 1 : i32
      %dma_wait3A_253 = arith.constant 0 : i32
      %dma_wait3A_254 = tpu.memref_slice %arg7[%dma_wait3A_252, %dma_wait3A_253] : memref<2x80xi32, #tpu.memory_space<vmem>> -> memref<1x80xi32, #tpu.memory_space<vmem>>
      %dma_wait3A_255 = tpu.memref_squeeze %dma_wait3A_254 : memref<1x80xi32, #tpu.memory_space<vmem>> -> memref<80xi32, #tpu.memory_space<vmem>>
      %dma_wait3A_256 = arith.constant 0 : i32
      %dma_wait3A_257 = arith.constant 0 : i32
      %dma_wait3A_258 = tpu.memref_slice %arg4[%dma_wait3A_256, %dma_wait3A_257] : memref<10000x16xf32, #tpu.memory_space<hbm>> -> memref<10000x16xf32, #tpu.memory_space<hbm>>
      tpu.wait_indirect_dma semaphore(%arg20 : memref<!tpu.dma_semaphore, #tpu.memory_space<semaphore_mem>>) src(%dma_wait3A_258 : memref<10000x16xf32, #tpu.memory_space<hbm>>) dst(%arg11 : memref<80x16xf32, #tpu.memory_space<vmem>>)
      %parallel_loop3A_259 = arith.constant 0 : i32
      %parallel_loop3A_260 = arith.constant 80 : i32
      %parallel_loop3A_261 = arith.constant 1 : i32
      scf.for %parallel_loop3A_303 = %parallel_loop3A_259 to %parallel_loop3A_260 step %parallel_loop3A_261  : i32 {
        %parallel_loop3A_304 = arith.index_cast %parallel_loop3A_303 : i32 to index
        %parallel_loop3A_305 = arith.constant 128 : index
        %parallel_loop3A_306 = tpu.vector_load %arg10[%parallel_loop3A_304, %parallel_loop3A_305] {strides = array<i32>} : memref<80x160xbf16, #tpu.memory_space<vmem>>, vector<32xbf16>,
        %parallel_loop3A_307 = tpu.unpack_subelements %parallel_loop3A_306, 0 {pack_format = #tpu.pack_format<interleaved>} : vector<32xbf16> -> vector<16xf32>
        %parallel_loop3A_308 = tpu.unpack_subelements %parallel_loop3A_306, 1 {pack_format = #tpu.pack_format<interleaved>} : vector<32xbf16> -> vector<16xf32>
        %parallel_loop3A_309 = arith.index_cast %parallel_loop3A_303 : i32 to index
        %parallel_loop3A_310 = arith.constant 0 : index
        %parallel_loop3A_311 = tpu.vector_load %arg11[%parallel_loop3A_309, %parallel_loop3A_310] {strides = array<i32>} : memref<80x16xf32, #tpu.memory_space<vmem>>, vector<16xf32>,
        %parallel_loop3A_312 = arith.addf %parallel_loop3A_307, %parallel_loop3A_311 : vector<16xf32>
        %parallel_loop3A_313 = arith.constant 0.000000e+00 : f32
        %parallel_loop3A_314 = vector.broadcast %parallel_loop3A_313 : f32 to vector<16xf32>
        %parallel_loop3A_315 = arith.cmpf oge, %parallel_loop3A_312, %parallel_loop3A_314 : vector<16xf32>
        %parallel_loop3A_316 = arith.constant 2.000000e-01 : f32
        %parallel_loop3A_317 = vector.broadcast %parallel_loop3A_316 : f32 to vector<16xf32>
        %parallel_loop3A_318 = arith.mulf %parallel_loop3A_312, %parallel_loop3A_317 : vector<16xf32>
        %parallel_loop3A_319 = arith.select %parallel_loop3A_315, %parallel_loop3A_312, %parallel_loop3A_318 : vector<16xi1>, vector<16xf32>
        %parallel_loop3A_320 = math.exp %parallel_loop3A_319 : vector<16xf32>
        %parallel_loop3A_321 = arith.constant 0.000000e+00 : f32
        %parallel_loop3A_322 = vector.broadcast %parallel_loop3A_321 : f32 to vector<16xf32>
        %parallel_loop3A_323 = arith.select %lt3A_2, %parallel_loop3A_320, %parallel_loop3A_322 : vector<16xi1>, vector<16xf32>
        %parallel_loop3A_324 = arith.index_cast %parallel_loop3A_303 : i32 to index
        %parallel_loop3A_325 = arith.constant 128 : index
        %parallel_loop3A_326 = tpu.vector_load %arg13[%parallel_loop3A_324, %parallel_loop3A_325] {strides = array<i32>} : memref<80x144xf32, #tpu.memory_space<vmem>>, vector<16xf32>,
        tpu.vector_store %arg13[%parallel_loop3A_324, %parallel_loop3A_325], %parallel_loop3A_323 {strides = array<i32>} : memref<80x144xf32, #tpu.memory_space<vmem>>, vector<16xf32>,
        %parallel_loop3A_327 = arith.index_cast %parallel_loop3A_303 : i32 to index
        %parallel_loop3A_328 = arith.constant 0 : index
        %parallel_loop3A_329 = tpu.vector_load %arg10[%parallel_loop3A_327, %parallel_loop3A_328] {strides = array<i32>} : memref<80x160xbf16, #tpu.memory_space<vmem>>, vector<32xbf16>,
        %parallel_loop3A_330 = tpu.unpack_subelements %parallel_loop3A_329, 0 {pack_format = #tpu.pack_format<interleaved>} : vector<32xbf16> -> vector<16xf32>
        %parallel_loop3A_331 = tpu.unpack_subelements %parallel_loop3A_329, 1 {pack_format = #tpu.pack_format<interleaved>} : vector<32xbf16> -> vector<16xf32>
        %parallel_loop3A_332 = arith.constant 0 : i32
        %parallel_loop3A_333 = vector.broadcast %parallel_loop3A_332 : i32 to vector<16xi32>
        %parallel_loop3A_334 = arith.cmpi slt, %broadcast_in_dim3A_5, %parallel_loop3A_333 : vector<16xi32>
        %parallel_loop3A_335 = arith.constant 16 : i32
        %parallel_loop3A_336 = vector.broadcast %parallel_loop3A_335 : i32 to vector<16xi32>
        %parallel_loop3A_337 = arith.addi %broadcast_in_dim3A_5, %parallel_loop3A_336 : vector<16xi32>
        %parallel_loop3A_338 = arith.select %parallel_loop3A_334, %parallel_loop3A_337, %broadcast_in_dim3A_5 : vector<16xi1>, vector<16xi32>
        %parallel_loop3A_339 = vector.shape_cast %parallel_loop3A_338 : vector<16xi32> to vector<16x1xi32>
        %parallel_loop3A_340 = vector.shape_cast %parallel_loop3A_339 : vector<16x1xi32> to vector<16xi32>
        %parallel_loop3A_341 = tpu.dynamic_gather %parallel_loop3A_323[%parallel_loop3A_340] in [0] : vector<16xf32>, vector<16xi32> -> vector<16xf32>
        %parallel_loop3A_342 = arith.constant 0 : i32
        %parallel_loop3A_343 = vector.broadcast %parallel_loop3A_342 : i32 to vector<16xi32>
        %parallel_loop3A_344 = arith.cmpi slt, %broadcast_in_dim3A_7, %parallel_loop3A_343 : vector<16xi32>
        %parallel_loop3A_345 = arith.constant 16 : i32
        %parallel_loop3A_346 = vector.broadcast %parallel_loop3A_345 : i32 to vector<16xi32>
        %parallel_loop3A_347 = arith.addi %broadcast_in_dim3A_7, %parallel_loop3A_346 : vector<16xi32>
        %parallel_loop3A_348 = arith.select %parallel_loop3A_344, %parallel_loop3A_347, %broadcast_in_dim3A_7 : vector<16xi1>, vector<16xi32>
        %parallel_loop3A_349 = vector.shape_cast %parallel_loop3A_348 : vector<16xi32> to vector<16x1xi32>
        %parallel_loop3A_350 = vector.shape_cast %parallel_loop3A_349 : vector<16x1xi32> to vector<16xi32>
        %parallel_loop3A_351 = tpu.dynamic_gather %parallel_loop3A_323[%parallel_loop3A_350] in [0] : vector<16xf32>, vector<16xi32> -> vector<16xf32>
        %parallel_loop3A_352 = arith.mulf %parallel_loop3A_330, %parallel_loop3A_341 : vector<16xf32>
        %parallel_loop3A_353 = arith.index_cast %parallel_loop3A_303 : i32 to index
        %parallel_loop3A_354 = arith.constant 0 : index
        %parallel_loop3A_355 = tpu.vector_load %arg13[%parallel_loop3A_353, %parallel_loop3A_354] {strides = array<i32>} : memref<80x144xf32, #tpu.memory_space<vmem>>, vector<16xf32>,
        tpu.vector_store %arg13[%parallel_loop3A_353, %parallel_loop3A_354], %parallel_loop3A_352 {strides = array<i32>} : memref<80x144xf32, #tpu.memory_space<vmem>>, vector<16xf32>,
        %parallel_loop3A_356 = arith.mulf %parallel_loop3A_331, %parallel_loop3A_351 : vector<16xf32>
        %parallel_loop3A_357 = arith.index_cast %parallel_loop3A_303 : i32 to index
        %parallel_loop3A_358 = arith.constant 16 : index
        %parallel_loop3A_359 = tpu.vector_load %arg13[%parallel_loop3A_357, %parallel_loop3A_358] {strides = array<i32>} : memref<80x144xf32, #tpu.memory_space<vmem>>, vector<16xf32>,
        tpu.vector_store %arg13[%parallel_loop3A_357, %parallel_loop3A_358], %parallel_loop3A_356 {strides = array<i32>} : memref<80x144xf32, #tpu.memory_space<vmem>>, vector<16xf32>,
        %parallel_loop3A_360 = arith.index_cast %parallel_loop3A_303 : i32 to index
        %parallel_loop3A_361 = arith.constant 32 : index
        %parallel_loop3A_362 = tpu.vector_load %arg10[%parallel_loop3A_360, %parallel_loop3A_361] {strides = array<i32>} : memref<80x160xbf16, #tpu.memory_space<vmem>>, vector<32xbf16>,
        %parallel_loop3A_363 = tpu.unpack_subelements %parallel_loop3A_362, 0 {pack_format = #tpu.pack_format<interleaved>} : vector<32xbf16> -> vector<16xf32>
        %parallel_loop3A_364 = tpu.unpack_subelements %parallel_loop3A_362, 1 {pack_format = #tpu.pack_format<interleaved>} : vector<32xbf16> -> vector<16xf32>
        %parallel_loop3A_365 = arith.constant 0 : i32
        %parallel_loop3A_366 = vector.broadcast %parallel_loop3A_365 : i32 to vector<16xi32>
        %parallel_loop3A_367 = arith.cmpi slt, %broadcast_in_dim3A_9, %parallel_loop3A_366 : vector<16xi32>
        %parallel_loop3A_368 = arith.constant 16 : i32
        %parallel_loop3A_369 = vector.broadcast %parallel_loop3A_368 : i32 to vector<16xi32>
        %parallel_loop3A_370 = arith.addi %broadcast_in_dim3A_9, %parallel_loop3A_369 : vector<16xi32>
        %parallel_loop3A_371 = arith.select %parallel_loop3A_367, %parallel_loop3A_370, %broadcast_in_dim3A_9 : vector<16xi1>, vector<16xi32>
        %parallel_loop3A_372 = vector.shape_cast %parallel_loop3A_371 : vector<16xi32> to vector<16x1xi32>
        %parallel_loop3A_373 = vector.shape_cast %parallel_loop3A_372 : vector<16x1xi32> to vector<16xi32>
        %parallel_loop3A_374 = tpu.dynamic_gather %parallel_loop3A_323[%parallel_loop3A_373] in [0] : vector<16xf32>, vector<16xi32> -> vector<16xf32>
        %parallel_loop3A_375 = arith.constant 0 : i32
        %parallel_loop3A_376 = vector.broadcast %parallel_loop3A_375 : i32 to vector<16xi32>
        %parallel_loop3A_377 = arith.cmpi slt, %broadcast_in_dim3A_11, %parallel_loop3A_376 : vector<16xi32>
        %parallel_loop3A_378 = arith.constant 16 : i32
        %parallel_loop3A_379 = vector.broadcast %parallel_loop3A_378 : i32 to vector<16xi32>
        %parallel_loop3A_380 = arith.addi %broadcast_in_dim3A_11, %parallel_loop3A_379 : vector<16xi32>
        %parallel_loop3A_381 = arith.select %parallel_loop3A_377, %parallel_loop3A_380, %broadcast_in_dim3A_11 : vector<16xi1>, vector<16xi32>
        %parallel_loop3A_382 = vector.shape_cast %parallel_loop3A_381 : vector<16xi32> to vector<16x1xi32>
        %parallel_loop3A_383 = vector.shape_cast %parallel_loop3A_382 : vector<16x1xi32> to vector<16xi32>
        %parallel_loop3A_384 = tpu.dynamic_gather %parallel_loop3A_323[%parallel_loop3A_383] in [0] : vector<16xf32>, vector<16xi32> -> vector<16xf32>
        %parallel_loop3A_385 = arith.mulf %parallel_loop3A_363, %parallel_loop3A_374 : vector<16xf32>
        %parallel_loop3A_386 = arith.index_cast %parallel_loop3A_303 : i32 to index
        %parallel_loop3A_387 = arith.constant 32 : index
        %parallel_loop3A_388 = tpu.vector_load %arg13[%parallel_loop3A_386, %parallel_loop3A_387] {strides = array<i32>} : memref<80x144xf32, #tpu.memory_space<vmem>>, vector<16xf32>,
        tpu.vector_store %arg13[%parallel_loop3A_386, %parallel_loop3A_387], %parallel_loop3A_385 {strides = array<i32>} : memref<80x144xf32, #tpu.memory_space<vmem>>, vector<16xf32>,
        %parallel_loop3A_389 = arith.mulf %parallel_loop3A_364, %parallel_loop3A_384 : vector<16xf32>
        %parallel_loop3A_390 = arith.index_cast %parallel_loop3A_303 : i32 to index
        %parallel_loop3A_391 = arith.constant 48 : index
        %parallel_loop3A_392 = tpu.vector_load %arg13[%parallel_loop3A_390, %parallel_loop3A_391] {strides = array<i32>} : memref<80x144xf32, #tpu.memory_space<vmem>>, vector<16xf32>,
        tpu.vector_store %arg13[%parallel_loop3A_390, %parallel_loop3A_391], %parallel_loop3A_389 {strides = array<i32>} : memref<80x144xf32, #tpu.memory_space<vmem>>, vector<16xf32>,
        %parallel_loop3A_393 = arith.index_cast %parallel_loop3A_303 : i32 to index
        %parallel_loop3A_394 = arith.constant 64 : index
        %parallel_loop3A_395 = tpu.vector_load %arg10[%parallel_loop3A_393, %parallel_loop3A_394] {strides = array<i32>} : memref<80x160xbf16, #tpu.memory_space<vmem>>, vector<32xbf16>,
        %parallel_loop3A_396 = tpu.unpack_subelements %parallel_loop3A_395, 0 {pack_format = #tpu.pack_format<interleaved>} : vector<32xbf16> -> vector<16xf32>
        %parallel_loop3A_397 = tpu.unpack_subelements %parallel_loop3A_395, 1 {pack_format = #tpu.pack_format<interleaved>} : vector<32xbf16> -> vector<16xf32>
        %parallel_loop3A_398 = arith.constant 0 : i32
        %parallel_loop3A_399 = vector.broadcast %parallel_loop3A_398 : i32 to vector<16xi32>
        %parallel_loop3A_400 = arith.cmpi slt, %broadcast_in_dim3A_13, %parallel_loop3A_399 : vector<16xi32>
        %parallel_loop3A_401 = arith.constant 16 : i32
        %parallel_loop3A_402 = vector.broadcast %parallel_loop3A_401 : i32 to vector<16xi32>
        %parallel_loop3A_403 = arith.addi %broadcast_in_dim3A_13, %parallel_loop3A_402 : vector<16xi32>
        %parallel_loop3A_404 = arith.select %parallel_loop3A_400, %parallel_loop3A_403, %broadcast_in_dim3A_13 : vector<16xi1>, vector<16xi32>
        %parallel_loop3A_405 = vector.shape_cast %parallel_loop3A_404 : vector<16xi32> to vector<16x1xi32>
        %parallel_loop3A_406 = vector.shape_cast %parallel_loop3A_405 : vector<16x1xi32> to vector<16xi32>
        %parallel_loop3A_407 = tpu.dynamic_gather %parallel_loop3A_323[%parallel_loop3A_406] in [0] : vector<16xf32>, vector<16xi32> -> vector<16xf32>
        %parallel_loop3A_408 = arith.constant 0 : i32
        %parallel_loop3A_409 = vector.broadcast %parallel_loop3A_408 : i32 to vector<16xi32>
        %parallel_loop3A_410 = arith.cmpi slt, %broadcast_in_dim3A_15, %parallel_loop3A_409 : vector<16xi32>
        %parallel_loop3A_411 = arith.constant 16 : i32
        %parallel_loop3A_412 = vector.broadcast %parallel_loop3A_411 : i32 to vector<16xi32>
        %parallel_loop3A_413 = arith.addi %broadcast_in_dim3A_15, %parallel_loop3A_412 : vector<16xi32>
        %parallel_loop3A_414 = arith.select %parallel_loop3A_410, %parallel_loop3A_413, %broadcast_in_dim3A_15 : vector<16xi1>, vector<16xi32>
        %parallel_loop3A_415 = vector.shape_cast %parallel_loop3A_414 : vector<16xi32> to vector<16x1xi32>
        %parallel_loop3A_416 = vector.shape_cast %parallel_loop3A_415 : vector<16x1xi32> to vector<16xi32>
        %parallel_loop3A_417 = tpu.dynamic_gather %parallel_loop3A_323[%parallel_loop3A_416] in [0] : vector<16xf32>, vector<16xi32> -> vector<16xf32>
        %parallel_loop3A_418 = arith.mulf %parallel_loop3A_396, %parallel_loop3A_407 : vector<16xf32>
        %parallel_loop3A_419 = arith.index_cast %parallel_loop3A_303 : i32 to index
        %parallel_loop3A_420 = arith.constant 64 : index
        %parallel_loop3A_421 = tpu.vector_load %arg13[%parallel_loop3A_419, %parallel_loop3A_420] {strides = array<i32>} : memref<80x144xf32, #tpu.memory_space<vmem>>, vector<16xf32>,
        tpu.vector_store %arg13[%parallel_loop3A_419, %parallel_loop3A_420], %parallel_loop3A_418 {strides = array<i32>} : memref<80x144xf32, #tpu.memory_space<vmem>>, vector<16xf32>,
        %parallel_loop3A_422 = arith.mulf %parallel_loop3A_397, %parallel_loop3A_417 : vector<16xf32>
        %parallel_loop3A_423 = arith.index_cast %parallel_loop3A_303 : i32 to index
        %parallel_loop3A_424 = arith.constant 80 : index
        %parallel_loop3A_425 = tpu.vector_load %arg13[%parallel_loop3A_423, %parallel_loop3A_424] {strides = array<i32>} : memref<80x144xf32, #tpu.memory_space<vmem>>, vector<16xf32>,
        tpu.vector_store %arg13[%parallel_loop3A_423, %parallel_loop3A_424], %parallel_loop3A_422 {strides = array<i32>} : memref<80x144xf32, #tpu.memory_space<vmem>>, vector<16xf32>,
        %parallel_loop3A_426 = arith.index_cast %parallel_loop3A_303 : i32 to index
        %parallel_loop3A_427 = arith.constant 96 : index
        %parallel_loop3A_428 = tpu.vector_load %arg10[%parallel_loop3A_426, %parallel_loop3A_427] {strides = array<i32>} : memref<80x160xbf16, #tpu.memory_space<vmem>>, vector<32xbf16>,
        %parallel_loop3A_429 = tpu.unpack_subelements %parallel_loop3A_428, 0 {pack_format = #tpu.pack_format<interleaved>} : vector<32xbf16> -> vector<16xf32>
        %parallel_loop3A_430 = tpu.unpack_subelements %parallel_loop3A_428, 1 {pack_format = #tpu.pack_format<interleaved>} : vector<32xbf16> -> vector<16xf32>
        %parallel_loop3A_431 = arith.constant 0 : i32
        %parallel_loop3A_432 = vector.broadcast %parallel_loop3A_431 : i32 to vector<16xi32>
        %parallel_loop3A_433 = arith.cmpi slt, %broadcast_in_dim3A_17, %parallel_loop3A_432 : vector<16xi32>
        %parallel_loop3A_434 = arith.constant 16 : i32
        %parallel_loop3A_435 = vector.broadcast %parallel_loop3A_434 : i32 to vector<16xi32>
        %parallel_loop3A_436 = arith.addi %broadcast_in_dim3A_17, %parallel_loop3A_435 : vector<16xi32>
        %parallel_loop3A_437 = arith.select %parallel_loop3A_433, %parallel_loop3A_436, %broadcast_in_dim3A_17 : vector<16xi1>, vector<16xi32>
        %parallel_loop3A_438 = vector.shape_cast %parallel_loop3A_437 : vector<16xi32> to vector<16x1xi32>
        %parallel_loop3A_439 = vector.shape_cast %parallel_loop3A_438 : vector<16x1xi32> to vector<16xi32>
        %parallel_loop3A_440 = tpu.dynamic_gather %parallel_loop3A_323[%parallel_loop3A_439] in [0] : vector<16xf32>, vector<16xi32> -> vector<16xf32>
        %parallel_loop3A_441 = arith.constant 0 : i32
        %parallel_loop3A_442 = vector.broadcast %parallel_loop3A_441 : i32 to vector<16xi32>
        %parallel_loop3A_443 = arith.cmpi slt, %broadcast_in_dim3A_19, %parallel_loop3A_442 : vector<16xi32>
        %parallel_loop3A_444 = arith.constant 16 : i32
        %parallel_loop3A_445 = vector.broadcast %parallel_loop3A_444 : i32 to vector<16xi32>
        %parallel_loop3A_446 = arith.addi %broadcast_in_dim3A_19, %parallel_loop3A_445 : vector<16xi32>
        %parallel_loop3A_447 = arith.select %parallel_loop3A_443, %parallel_loop3A_446, %broadcast_in_dim3A_19 : vector<16xi1>, vector<16xi32>
        %parallel_loop3A_448 = vector.shape_cast %parallel_loop3A_447 : vector<16xi32> to vector<16x1xi32>
        %parallel_loop3A_449 = vector.shape_cast %parallel_loop3A_448 : vector<16x1xi32> to vector<16xi32>
        %parallel_loop3A_450 = tpu.dynamic_gather %parallel_loop3A_323[%parallel_loop3A_449] in [0] : vector<16xf32>, vector<16xi32> -> vector<16xf32>
        %parallel_loop3A_451 = arith.mulf %parallel_loop3A_429, %parallel_loop3A_440 : vector<16xf32>
        %parallel_loop3A_452 = arith.index_cast %parallel_loop3A_303 : i32 to index
        %parallel_loop3A_453 = arith.constant 96 : index
        %parallel_loop3A_454 = tpu.vector_load %arg13[%parallel_loop3A_452, %parallel_loop3A_453] {strides = array<i32>} : memref<80x144xf32, #tpu.memory_space<vmem>>, vector<16xf32>,
        tpu.vector_store %arg13[%parallel_loop3A_452, %parallel_loop3A_453], %parallel_loop3A_451 {strides = array<i32>} : memref<80x144xf32, #tpu.memory_space<vmem>>, vector<16xf32>,
        %parallel_loop3A_455 = arith.mulf %parallel_loop3A_430, %parallel_loop3A_450 : vector<16xf32>
        %parallel_loop3A_456 = arith.index_cast %parallel_loop3A_303 : i32 to index
        %parallel_loop3A_457 = arith.constant 112 : index
        %parallel_loop3A_458 = tpu.vector_load %arg13[%parallel_loop3A_456, %parallel_loop3A_457] {strides = array<i32>} : memref<80x144xf32, #tpu.memory_space<vmem>>, vector<16xf32>,
        tpu.vector_store %arg13[%parallel_loop3A_456, %parallel_loop3A_457], %parallel_loop3A_455 {strides = array<i32>} : memref<80x144xf32, #tpu.memory_space<vmem>>, vector<16xf32>,
      } {sc.loop_unroll_factor = 4 : i64, sc.parallel_access}
      %dma_wait3A_262 = arith.constant 0 : i32
      %dma_wait3A_263 = arith.constant 0 : i32
      %dma_wait3A_264 = tpu.memref_slice %arg16[%dma_wait3A_262, %dma_wait3A_263] : memref<10240x144xf32, #tpu.memory_space<vmem_shared>> -> memref<10240x144xf32, #tpu.memory_space<vmem_shared>>
      tpu.wait_indirect_dma semaphore(%arg21 : memref<!tpu.dma_semaphore, #tpu.memory_space<semaphore_mem>>) src(%arg12 : memref<80x144xf32, #tpu.memory_space<vmem>>) dst(%dma_wait3A_264 : memref<10240x144xf32, #tpu.memory_space<vmem_shared>>)
      %get3A_265 = arith.constant 1 : i32
      %get3A_266 = arith.index_cast %get3A_265 : i32 to index
      %get3A_267 = arith.constant 0 : index
      %get3A_268 = tpu.vector_load %arg7[%get3A_266, %get3A_267] {strides = array<i32>} : memref<2x80xi32, #tpu.memory_space<vmem>>, vector<16xi32>,
      %swap3A_269 = arith.constant 0 : index
      %swap3A_270 = tpu.vector_load %arg15[%swap3A_269] {strides = array<i32>} : memref<80xi32, #tpu.memory_space<vmem>>, vector<16xi32>,
      tpu.vector_store %arg15[%swap3A_269], %get3A_268 {strides = array<i32>} : memref<80xi32, #tpu.memory_space<vmem>>, vector<16xi32>,
      %get3A_271 = arith.constant 1 : i32
      %get3A_272 = arith.index_cast %get3A_271 : i32 to index
      %get3A_273 = arith.constant 16 : index
      %get3A_274 = tpu.vector_load %arg7[%get3A_272, %get3A_273] {strides = array<i32>} : memref<2x80xi32, #tpu.memory_space<vmem>>, vector<16xi32>,
      %swap3A_275 = arith.constant 16 : index
      %swap3A_276 = tpu.vector_load %arg15[%swap3A_275] {strides = array<i32>} : memref<80xi32, #tpu.memory_space<vmem>>, vector<16xi32>,
      tpu.vector_store %arg15[%swap3A_275], %get3A_274 {strides = array<i32>} : memref<80xi32, #tpu.memory_space<vmem>>, vector<16xi32>,
      %get3A_277 = arith.constant 1 : i32
      %get3A_278 = arith.index_cast %get3A_277 : i32 to index
      %get3A_279 = arith.constant 32 : index
      %get3A_280 = tpu.vector_load %arg7[%get3A_278, %get3A_279] {strides = array<i32>} : memref<2x80xi32, #tpu.memory_space<vmem>>, vector<16xi32>,
      %swap3A_281 = arith.constant 32 : index
      %swap3A_282 = tpu.vector_load %arg15[%swap3A_281] {strides = array<i32>} : memref<80xi32, #tpu.memory_space<vmem>>, vector<16xi32>,
      tpu.vector_store %arg15[%swap3A_281], %get3A_280 {strides = array<i32>} : memref<80xi32, #tpu.memory_space<vmem>>, vector<16xi32>,
      %get3A_283 = arith.constant 1 : i32
      %get3A_284 = arith.index_cast %get3A_283 : i32 to index
      %get3A_285 = arith.constant 48 : index
      %get3A_286 = tpu.vector_load %arg7[%get3A_284, %get3A_285] {strides = array<i32>} : memref<2x80xi32, #tpu.memory_space<vmem>>, vector<16xi32>,
      %swap3A_287 = arith.constant 48 : index
      %swap3A_288 = tpu.vector_load %arg15[%swap3A_287] {strides = array<i32>} : memref<80xi32, #tpu.memory_space<vmem>>, vector<16xi32>,
      tpu.vector_store %arg15[%swap3A_287], %get3A_286 {strides = array<i32>} : memref<80xi32, #tpu.memory_space<vmem>>, vector<16xi32>,
      %get3A_289 = arith.constant 1 : i32
      %get3A_290 = arith.index_cast %get3A_289 : i32 to index
      %get3A_291 = arith.constant 64 : index
      %get3A_292 = tpu.vector_load %arg7[%get3A_290, %get3A_291] {strides = array<i32>} : memref<2x80xi32, #tpu.memory_space<vmem>>, vector<16xi32>,
      %swap3A_293 = arith.constant 64 : index
      %swap3A_294 = tpu.vector_load %arg15[%swap3A_293] {strides = array<i32>} : memref<80xi32, #tpu.memory_space<vmem>>, vector<16xi32>,
      tpu.vector_store %arg15[%swap3A_293], %get3A_292 {strides = array<i32>} : memref<80xi32, #tpu.memory_space<vmem>>, vector<16xi32>,
      %dma_start3A_295 = arith.constant 0 : i32
      %dma_start3A_296 = arith.constant 0 : i32
      %dma_start3A_297 = tpu.memref_slice %arg16[%dma_start3A_295, %dma_start3A_296] : memref<10240x144xf32, #tpu.memory_space<vmem_shared>> -> memref<10240x144xf32, #tpu.memory_space<vmem_shared>>
      tpu.enqueue_indirect_dma source(%arg13 : memref<80x144xf32, #tpu.memory_space<vmem>>) target(%dma_start3A_297 : memref<10240x144xf32, #tpu.memory_space<vmem_shared>>) offsets(%arg15 : memref<80xi32, #tpu.memory_space<vmem>>) semaphore(%arg22 : memref<!tpu.dma_semaphore, #tpu.memory_space<semaphore_mem>>) {add = true}
      %lt3A_298 = arith.constant 61 : i32
      %lt3A_299 = arith.cmpi slt, %scan3A_135, %lt3A_298 : i32
      %convert_element_type3A_300 = arith.extui %lt3A_299 : i1 to i32
      %cond3A_301 = arith.constant 0 : i32
      %cond3A_302 = arith.cmpi ne, %convert_element_type3A_300, %cond3A_301 : i32
      scf.if %cond3A_302 {
        %add3A_303 = arith.constant 3 : i32
        %add3A_304 = arith.addi %mul3A_137, %add3A_303 : i32
        %mul3A_305 = arith.constant 80 : i32
        %mul3A_306 = arith.muli %add3A_304, %mul3A_305 : i32
        %add3A_307 = arith.addi %mul3A_4, %mul3A_306 : i32
        %dma_start3A_308 = arith.constant 0 : i32
        %dma_start3A_309 = tpu.memref_slice %arg2[%dma_start3A_308, %add3A_307] : memref<2x320000xi32, #tpu.memory_space<hbm>> -> memref<2x80xi32, #tpu.memory_space<hbm>>
        %dma_start3A_310 = arith.constant 0 : i32
        %dma_start3A_311 = tpu.memref_slice %arg2[%dma_start3A_310, %add3A_307] : memref<2x320000xi32, #tpu.memory_space<hbm>> -> memref<2x80xi32, #tpu.memory_space<hbm>>
        tpu.enqueue_dma source(%dma_start3A_311 : memref<2x80xi32, #tpu.memory_space<hbm>>) target(%arg7 : memref<2x80xi32, #tpu.memory_space<vmem>>) target_semaphore(%arg18 : memref<!tpu.dma_semaphore, #tpu.memory_space<semaphore_mem>>)
      } else {
      }
    }
    %scan3A_80 = arith.constant 62 : i32
    %dma_wait3A_81 = arith.constant 0 : i32
    %dma_wait3A_82 = arith.constant 0 : i32
    %dma_wait3A_83 = tpu.memref_slice %arg6[%dma_wait3A_81, %dma_wait3A_82] : memref<2x80xi32, #tpu.memory_space<vmem>> -> memref<1x80xi32, #tpu.memory_space<vmem>>
    %dma_wait3A_84 = tpu.memref_squeeze %dma_wait3A_83 : memref<1x80xi32, #tpu.memory_space<vmem>> -> memref<80xi32, #tpu.memory_space<vmem>>
    %dma_wait3A_85 = arith.constant 0 : i32
    %dma_wait3A_86 = arith.constant 0 : i32
    %dma_wait3A_87 = tpu.memref_slice %arg3[%dma_wait3A_85, %dma_wait3A_86] : memref<10000x160xbf16, #tpu.memory_space<hbm>> -> memref<10000x160xbf16, #tpu.memory_space<hbm>>
    tpu.wait_indirect_dma semaphore(%arg19 : memref<!tpu.dma_semaphore, #tpu.memory_space<semaphore_mem>>) src(%dma_wait3A_87 : memref<10000x160xbf16, #tpu.memory_space<hbm>>) dst(%arg8 : memref<80x160xbf16, #tpu.memory_space<vmem>>)
    %dma_wait3A_88 = arith.constant 1 : i32
    %dma_wait3A_89 = arith.constant 0 : i32
    %dma_wait3A_90 = tpu.memref_slice %arg6[%dma_wait3A_88, %dma_wait3A_89] : memref<2x80xi32, #tpu.memory_space<vmem>> -> memref<1x80xi32, #tpu.memory_space<vmem>>
    %dma_wait3A_91 = tpu.memref_squeeze %dma_wait3A_90 : memref<1x80xi32, #tpu.memory_space<vmem>> -> memref<80xi32, #tpu.memory_space<vmem>>
    %dma_wait3A_92 = arith.constant 0 : i32
    %dma_wait3A_93 = arith.constant 0 : i32
    %dma_wait3A_94 = tpu.memref_slice %arg4[%dma_wait3A_92, %dma_wait3A_93] : memref<10000x16xf32, #tpu.memory_space<hbm>> -> memref<10000x16xf32, #tpu.memory_space<hbm>>
    tpu.wait_indirect_dma semaphore(%arg19 : memref<!tpu.dma_semaphore, #tpu.memory_space<semaphore_mem>>) src(%dma_wait3A_94 : memref<10000x16xf32, #tpu.memory_space<hbm>>) dst(%arg9 : memref<80x16xf32, #tpu.memory_space<vmem>>)
    %parallel_loop3A = arith.constant 0 : i32
    %parallel_loop3A_95 = arith.constant 80 : i32
    %parallel_loop3A_96 = arith.constant 1 : i32
    scf.for %parallel_loop3A_135 = %parallel_loop3A to %parallel_loop3A_95 step %parallel_loop3A_96  : i32 {
      %parallel_loop3A_136 = arith.index_cast %parallel_loop3A_135 : i32 to index
      %parallel_loop3A_137 = arith.constant 128 : index
      %parallel_loop3A_138 = tpu.vector_load %arg8[%parallel_loop3A_136, %parallel_loop3A_137] {strides = array<i32>} : memref<80x160xbf16, #tpu.memory_space<vmem>>, vector<32xbf16>,
      %parallel_loop3A_139 = tpu.unpack_subelements %parallel_loop3A_138, 0 {pack_format = #tpu.pack_format<interleaved>} : vector<32xbf16> -> vector<16xf32>
      %parallel_loop3A_140 = tpu.unpack_subelements %parallel_loop3A_138, 1 {pack_format = #tpu.pack_format<interleaved>} : vector<32xbf16> -> vector<16xf32>
      %parallel_loop3A_141 = arith.index_cast %parallel_loop3A_135 : i32 to index
      %parallel_loop3A_142 = arith.constant 0 : index
      %parallel_loop3A_143 = tpu.vector_load %arg9[%parallel_loop3A_141, %parallel_loop3A_142] {strides = array<i32>} : memref<80x16xf32, #tpu.memory_space<vmem>>, vector<16xf32>,
      %parallel_loop3A_144 = arith.addf %parallel_loop3A_139, %parallel_loop3A_143 : vector<16xf32>
      %parallel_loop3A_145 = arith.constant 0.000000e+00 : f32
      %parallel_loop3A_146 = vector.broadcast %parallel_loop3A_145 : f32 to vector<16xf32>
      %parallel_loop3A_147 = arith.cmpf oge, %parallel_loop3A_144, %parallel_loop3A_146 : vector<16xf32>
      %parallel_loop3A_148 = arith.constant 2.000000e-01 : f32
      %parallel_loop3A_149 = vector.broadcast %parallel_loop3A_148 : f32 to vector<16xf32>
      %parallel_loop3A_150 = arith.mulf %parallel_loop3A_144, %parallel_loop3A_149 : vector<16xf32>
      %parallel_loop3A_151 = arith.select %parallel_loop3A_147, %parallel_loop3A_144, %parallel_loop3A_150 : vector<16xi1>, vector<16xf32>
      %parallel_loop3A_152 = math.exp %parallel_loop3A_151 : vector<16xf32>
      %parallel_loop3A_153 = arith.constant 0.000000e+00 : f32
      %parallel_loop3A_154 = vector.broadcast %parallel_loop3A_153 : f32 to vector<16xf32>
      %parallel_loop3A_155 = arith.select %lt3A_2, %parallel_loop3A_152, %parallel_loop3A_154 : vector<16xi1>, vector<16xf32>
      %parallel_loop3A_156 = arith.index_cast %parallel_loop3A_135 : i32 to index
      %parallel_loop3A_157 = arith.constant 128 : index
      %parallel_loop3A_158 = tpu.vector_load %arg12[%parallel_loop3A_156, %parallel_loop3A_157] {strides = array<i32>} : memref<80x144xf32, #tpu.memory_space<vmem>>, vector<16xf32>,
      tpu.vector_store %arg12[%parallel_loop3A_156, %parallel_loop3A_157], %parallel_loop3A_155 {strides = array<i32>} : memref<80x144xf32, #tpu.memory_space<vmem>>, vector<16xf32>,
      %parallel_loop3A_159 = arith.index_cast %parallel_loop3A_135 : i32 to index
      %parallel_loop3A_160 = arith.constant 0 : index
      %parallel_loop3A_161 = tpu.vector_load %arg8[%parallel_loop3A_159, %parallel_loop3A_160] {strides = array<i32>} : memref<80x160xbf16, #tpu.memory_space<vmem>>, vector<32xbf16>,
      %parallel_loop3A_162 = tpu.unpack_subelements %parallel_loop3A_161, 0 {pack_format = #tpu.pack_format<interleaved>} : vector<32xbf16> -> vector<16xf32>
      %parallel_loop3A_163 = tpu.unpack_subelements %parallel_loop3A_161, 1 {pack_format = #tpu.pack_format<interleaved>} : vector<32xbf16> -> vector<16xf32>
      %parallel_loop3A_164 = arith.constant 0 : i32
      %parallel_loop3A_165 = vector.broadcast %parallel_loop3A_164 : i32 to vector<16xi32>
      %parallel_loop3A_166 = arith.cmpi slt, %broadcast_in_dim3A_5, %parallel_loop3A_165 : vector<16xi32>
      %parallel_loop3A_167 = arith.constant 16 : i32
      %parallel_loop3A_168 = vector.broadcast %parallel_loop3A_167 : i32 to vector<16xi32>
      %parallel_loop3A_169 = arith.addi %broadcast_in_dim3A_5, %parallel_loop3A_168 : vector<16xi32>
      %parallel_loop3A_170 = arith.select %parallel_loop3A_166, %parallel_loop3A_169, %broadcast_in_dim3A_5 : vector<16xi1>, vector<16xi32>
      %parallel_loop3A_171 = vector.shape_cast %parallel_loop3A_170 : vector<16xi32> to vector<16x1xi32>
      %parallel_loop3A_172 = vector.shape_cast %parallel_loop3A_171 : vector<16x1xi32> to vector<16xi32>
      %parallel_loop3A_173 = tpu.dynamic_gather %parallel_loop3A_155[%parallel_loop3A_172] in [0] : vector<16xf32>, vector<16xi32> -> vector<16xf32>
      %parallel_loop3A_174 = arith.constant 0 : i32
      %parallel_loop3A_175 = vector.broadcast %parallel_loop3A_174 : i32 to vector<16xi32>
      %parallel_loop3A_176 = arith.cmpi slt, %broadcast_in_dim3A_7, %parallel_loop3A_175 : vector<16xi32>
      %parallel_loop3A_177 = arith.constant 16 : i32
      %parallel_loop3A_178 = vector.broadcast %parallel_loop3A_177 : i32 to vector<16xi32>
      %parallel_loop3A_179 = arith.addi %broadcast_in_dim3A_7, %parallel_loop3A_178 : vector<16xi32>
      %parallel_loop3A_180 = arith.select %parallel_loop3A_176, %parallel_loop3A_179, %broadcast_in_dim3A_7 : vector<16xi1>, vector<16xi32>
      %parallel_loop3A_181 = vector.shape_cast %parallel_loop3A_180 : vector<16xi32> to vector<16x1xi32>
      %parallel_loop3A_182 = vector.shape_cast %parallel_loop3A_181 : vector<16x1xi32> to vector<16xi32>
      %parallel_loop3A_183 = tpu.dynamic_gather %parallel_loop3A_155[%parallel_loop3A_182] in [0] : vector<16xf32>, vector<16xi32> -> vector<16xf32>
      %parallel_loop3A_184 = arith.mulf %parallel_loop3A_162, %parallel_loop3A_173 : vector<16xf32>
      %parallel_loop3A_185 = arith.index_cast %parallel_loop3A_135 : i32 to index
      %parallel_loop3A_186 = arith.constant 0 : index
      %parallel_loop3A_187 = tpu.vector_load %arg12[%parallel_loop3A_185, %parallel_loop3A_186] {strides = array<i32>} : memref<80x144xf32, #tpu.memory_space<vmem>>, vector<16xf32>,
      tpu.vector_store %arg12[%parallel_loop3A_185, %parallel_loop3A_186], %parallel_loop3A_184 {strides = array<i32>} : memref<80x144xf32, #tpu.memory_space<vmem>>, vector<16xf32>,
      %parallel_loop3A_188 = arith.mulf %parallel_loop3A_163, %parallel_loop3A_183 : vector<16xf32>
      %parallel_loop3A_189 = arith.index_cast %parallel_loop3A_135 : i32 to index
      %parallel_loop3A_190 = arith.constant 16 : index
      %parallel_loop3A_191 = tpu.vector_load %arg12[%parallel_loop3A_189, %parallel_loop3A_190] {strides = array<i32>} : memref<80x144xf32, #tpu.memory_space<vmem>>, vector<16xf32>,
      tpu.vector_store %arg12[%parallel_loop3A_189, %parallel_loop3A_190], %parallel_loop3A_188 {strides = array<i32>} : memref<80x144xf32, #tpu.memory_space<vmem>>, vector<16xf32>,
      %parallel_loop3A_192 = arith.index_cast %parallel_loop3A_135 : i32 to index
      %parallel_loop3A_193 = arith.constant 32 : index
      %parallel_loop3A_194 = tpu.vector_load %arg8[%parallel_loop3A_192, %parallel_loop3A_193] {strides = array<i32>} : memref<80x160xbf16, #tpu.memory_space<vmem>>, vector<32xbf16>,
      %parallel_loop3A_195 = tpu.unpack_subelements %parallel_loop3A_194, 0 {pack_format = #tpu.pack_format<interleaved>} : vector<32xbf16> -> vector<16xf32>
      %parallel_loop3A_196 = tpu.unpack_subelements %parallel_loop3A_194, 1 {pack_format = #tpu.pack_format<interleaved>} : vector<32xbf16> -> vector<16xf32>
      %parallel_loop3A_197 = arith.constant 0 : i32
      %parallel_loop3A_198 = vector.broadcast %parallel_loop3A_197 : i32 to vector<16xi32>
      %parallel_loop3A_199 = arith.cmpi slt, %broadcast_in_dim3A_9, %parallel_loop3A_198 : vector<16xi32>
      %parallel_loop3A_200 = arith.constant 16 : i32
      %parallel_loop3A_201 = vector.broadcast %parallel_loop3A_200 : i32 to vector<16xi32>
      %parallel_loop3A_202 = arith.addi %broadcast_in_dim3A_9, %parallel_loop3A_201 : vector<16xi32>
      %parallel_loop3A_203 = arith.select %parallel_loop3A_199, %parallel_loop3A_202, %broadcast_in_dim3A_9 : vector<16xi1>, vector<16xi32>
      %parallel_loop3A_204 = vector.shape_cast %parallel_loop3A_203 : vector<16xi32> to vector<16x1xi32>
      %parallel_loop3A_205 = vector.shape_cast %parallel_loop3A_204 : vector<16x1xi32> to vector<16xi32>
      %parallel_loop3A_206 = tpu.dynamic_gather %parallel_loop3A_155[%parallel_loop3A_205] in [0] : vector<16xf32>, vector<16xi32> -> vector<16xf32>
      %parallel_loop3A_207 = arith.constant 0 : i32
      %parallel_loop3A_208 = vector.broadcast %parallel_loop3A_207 : i32 to vector<16xi32>
      %parallel_loop3A_209 = arith.cmpi slt, %broadcast_in_dim3A_11, %parallel_loop3A_208 : vector<16xi32>
      %parallel_loop3A_210 = arith.constant 16 : i32
      %parallel_loop3A_211 = vector.broadcast %parallel_loop3A_210 : i32 to vector<16xi32>
      %parallel_loop3A_212 = arith.addi %broadcast_in_dim3A_11, %parallel_loop3A_211 : vector<16xi32>
      %parallel_loop3A_213 = arith.select %parallel_loop3A_209, %parallel_loop3A_212, %broadcast_in_dim3A_11 : vector<16xi1>, vector<16xi32>
      %parallel_loop3A_214 = vector.shape_cast %parallel_loop3A_213 : vector<16xi32> to vector<16x1xi32>
      %parallel_loop3A_215 = vector.shape_cast %parallel_loop3A_214 : vector<16x1xi32> to vector<16xi32>
      %parallel_loop3A_216 = tpu.dynamic_gather %parallel_loop3A_155[%parallel_loop3A_215] in [0] : vector<16xf32>, vector<16xi32> -> vector<16xf32>
      %parallel_loop3A_217 = arith.mulf %parallel_loop3A_195, %parallel_loop3A_206 : vector<16xf32>
      %parallel_loop3A_218 = arith.index_cast %parallel_loop3A_135 : i32 to index
      %parallel_loop3A_219 = arith.constant 32 : index
      %parallel_loop3A_220 = tpu.vector_load %arg12[%parallel_loop3A_218, %parallel_loop3A_219] {strides = array<i32>} : memref<80x144xf32, #tpu.memory_space<vmem>>, vector<16xf32>,
      tpu.vector_store %arg12[%parallel_loop3A_218, %parallel_loop3A_219], %parallel_loop3A_217 {strides = array<i32>} : memref<80x144xf32, #tpu.memory_space<vmem>>, vector<16xf32>,
      %parallel_loop3A_221 = arith.mulf %parallel_loop3A_196, %parallel_loop3A_216 : vector<16xf32>
      %parallel_loop3A_222 = arith.index_cast %parallel_loop3A_135 : i32 to index
      %parallel_loop3A_223 = arith.constant 48 : index
      %parallel_loop3A_224 = tpu.vector_load %arg12[%parallel_loop3A_222, %parallel_loop3A_223] {strides = array<i32>} : memref<80x144xf32, #tpu.memory_space<vmem>>, vector<16xf32>,
      tpu.vector_store %arg12[%parallel_loop3A_222, %parallel_loop3A_223], %parallel_loop3A_221 {strides = array<i32>} : memref<80x144xf32, #tpu.memory_space<vmem>>, vector<16xf32>,
      %parallel_loop3A_225 = arith.index_cast %parallel_loop3A_135 : i32 to index
      %parallel_loop3A_226 = arith.constant 64 : index
      %parallel_loop3A_227 = tpu.vector_load %arg8[%parallel_loop3A_225, %parallel_loop3A_226] {strides = array<i32>} : memref<80x160xbf16, #tpu.memory_space<vmem>>, vector<32xbf16>,
      %parallel_loop3A_228 = tpu.unpack_subelements %parallel_loop3A_227, 0 {pack_format = #tpu.pack_format<interleaved>} : vector<32xbf16> -> vector<16xf32>
      %parallel_loop3A_229 = tpu.unpack_subelements %parallel_loop3A_227, 1 {pack_format = #tpu.pack_format<interleaved>} : vector<32xbf16> -> vector<16xf32>
      %parallel_loop3A_230 = arith.constant 0 : i32
      %parallel_loop3A_231 = vector.broadcast %parallel_loop3A_230 : i32 to vector<16xi32>
      %parallel_loop3A_232 = arith.cmpi slt, %broadcast_in_dim3A_13, %parallel_loop3A_231 : vector<16xi32>
      %parallel_loop3A_233 = arith.constant 16 : i32
      %parallel_loop3A_234 = vector.broadcast %parallel_loop3A_233 : i32 to vector<16xi32>
      %parallel_loop3A_235 = arith.addi %broadcast_in_dim3A_13, %parallel_loop3A_234 : vector<16xi32>
      %parallel_loop3A_236 = arith.select %parallel_loop3A_232, %parallel_loop3A_235, %broadcast_in_dim3A_13 : vector<16xi1>, vector<16xi32>
      %parallel_loop3A_237 = vector.shape_cast %parallel_loop3A_236 : vector<16xi32> to vector<16x1xi32>
      %parallel_loop3A_238 = vector.shape_cast %parallel_loop3A_237 : vector<16x1xi32> to vector<16xi32>
      %parallel_loop3A_239 = tpu.dynamic_gather %parallel_loop3A_155[%parallel_loop3A_238] in [0] : vector<16xf32>, vector<16xi32> -> vector<16xf32>
      %parallel_loop3A_240 = arith.constant 0 : i32
      %parallel_loop3A_241 = vector.broadcast %parallel_loop3A_240 : i32 to vector<16xi32>
      %parallel_loop3A_242 = arith.cmpi slt, %broadcast_in_dim3A_15, %parallel_loop3A_241 : vector<16xi32>
      %parallel_loop3A_243 = arith.constant 16 : i32
      %parallel_loop3A_244 = vector.broadcast %parallel_loop3A_243 : i32 to vector<16xi32>
      %parallel_loop3A_245 = arith.addi %broadcast_in_dim3A_15, %parallel_loop3A_244 : vector<16xi32>
      %parallel_loop3A_246 = arith.select %parallel_loop3A_242, %parallel_loop3A_245, %broadcast_in_dim3A_15 : vector<16xi1>, vector<16xi32>
      %parallel_loop3A_247 = vector.shape_cast %parallel_loop3A_246 : vector<16xi32> to vector<16x1xi32>
      %parallel_loop3A_248 = vector.shape_cast %parallel_loop3A_247 : vector<16x1xi32> to vector<16xi32>
      %parallel_loop3A_249 = tpu.dynamic_gather %parallel_loop3A_155[%parallel_loop3A_248] in [0] : vector<16xf32>, vector<16xi32> -> vector<16xf32>
      %parallel_loop3A_250 = arith.mulf %parallel_loop3A_228, %parallel_loop3A_239 : vector<16xf32>
      %parallel_loop3A_251 = arith.index_cast %parallel_loop3A_135 : i32 to index
      %parallel_loop3A_252 = arith.constant 64 : index
      %parallel_loop3A_253 = tpu.vector_load %arg12[%parallel_loop3A_251, %parallel_loop3A_252] {strides = array<i32>} : memref<80x144xf32, #tpu.memory_space<vmem>>, vector<16xf32>,
      tpu.vector_store %arg12[%parallel_loop3A_251, %parallel_loop3A_252], %parallel_loop3A_250 {strides = array<i32>} : memref<80x144xf32, #tpu.memory_space<vmem>>, vector<16xf32>,
      %parallel_loop3A_254 = arith.mulf %parallel_loop3A_229, %parallel_loop3A_249 : vector<16xf32>
      %parallel_loop3A_255 = arith.index_cast %parallel_loop3A_135 : i32 to index
      %parallel_loop3A_256 = arith.constant 80 : index
      %parallel_loop3A_257 = tpu.vector_load %arg12[%parallel_loop3A_255, %parallel_loop3A_256] {strides = array<i32>} : memref<80x144xf32, #tpu.memory_space<vmem>>, vector<16xf32>,
      tpu.vector_store %arg12[%parallel_loop3A_255, %parallel_loop3A_256], %parallel_loop3A_254 {strides = array<i32>} : memref<80x144xf32, #tpu.memory_space<vmem>>, vector<16xf32>,
      %parallel_loop3A_258 = arith.index_cast %parallel_loop3A_135 : i32 to index
      %parallel_loop3A_259 = arith.constant 96 : index
      %parallel_loop3A_260 = tpu.vector_load %arg8[%parallel_loop3A_258, %parallel_loop3A_259] {strides = array<i32>} : memref<80x160xbf16, #tpu.memory_space<vmem>>, vector<32xbf16>,
      %parallel_loop3A_261 = tpu.unpack_subelements %parallel_loop3A_260, 0 {pack_format = #tpu.pack_format<interleaved>} : vector<32xbf16> -> vector<16xf32>
      %parallel_loop3A_262 = tpu.unpack_subelements %parallel_loop3A_260, 1 {pack_format = #tpu.pack_format<interleaved>} : vector<32xbf16> -> vector<16xf32>
      %parallel_loop3A_263 = arith.constant 0 : i32
      %parallel_loop3A_264 = vector.broadcast %parallel_loop3A_263 : i32 to vector<16xi32>
      %parallel_loop3A_265 = arith.cmpi slt, %broadcast_in_dim3A_17, %parallel_loop3A_264 : vector<16xi32>
      %parallel_loop3A_266 = arith.constant 16 : i32
      %parallel_loop3A_267 = vector.broadcast %parallel_loop3A_266 : i32 to vector<16xi32>
      %parallel_loop3A_268 = arith.addi %broadcast_in_dim3A_17, %parallel_loop3A_267 : vector<16xi32>
      %parallel_loop3A_269 = arith.select %parallel_loop3A_265, %parallel_loop3A_268, %broadcast_in_dim3A_17 : vector<16xi1>, vector<16xi32>
      %parallel_loop3A_270 = vector.shape_cast %parallel_loop3A_269 : vector<16xi32> to vector<16x1xi32>
      %parallel_loop3A_271 = vector.shape_cast %parallel_loop3A_270 : vector<16x1xi32> to vector<16xi32>
      %parallel_loop3A_272 = tpu.dynamic_gather %parallel_loop3A_155[%parallel_loop3A_271] in [0] : vector<16xf32>, vector<16xi32> -> vector<16xf32>
      %parallel_loop3A_273 = arith.constant 0 : i32
      %parallel_loop3A_274 = vector.broadcast %parallel_loop3A_273 : i32 to vector<16xi32>
      %parallel_loop3A_275 = arith.cmpi slt, %broadcast_in_dim3A_19, %parallel_loop3A_274 : vector<16xi32>
      %parallel_loop3A_276 = arith.constant 16 : i32
      %parallel_loop3A_277 = vector.broadcast %parallel_loop3A_276 : i32 to vector<16xi32>
      %parallel_loop3A_278 = arith.addi %broadcast_in_dim3A_19, %parallel_loop3A_277 : vector<16xi32>
      %parallel_loop3A_279 = arith.select %parallel_loop3A_275, %parallel_loop3A_278, %broadcast_in_dim3A_19 : vector<16xi1>, vector<16xi32>
      %parallel_loop3A_280 = vector.shape_cast %parallel_loop3A_279 : vector<16xi32> to vector<16x1xi32>
      %parallel_loop3A_281 = vector.shape_cast %parallel_loop3A_280 : vector<16x1xi32> to vector<16xi32>
      %parallel_loop3A_282 = tpu.dynamic_gather %parallel_loop3A_155[%parallel_loop3A_281] in [0] : vector<16xf32>, vector<16xi32> -> vector<16xf32>
      %parallel_loop3A_283 = arith.mulf %parallel_loop3A_261, %parallel_loop3A_272 : vector<16xf32>
      %parallel_loop3A_284 = arith.index_cast %parallel_loop3A_135 : i32 to index
      %parallel_loop3A_285 = arith.constant 96 : index
      %parallel_loop3A_286 = tpu.vector_load %arg12[%parallel_loop3A_284, %parallel_loop3A_285] {strides = array<i32>} : memref<80x144xf32, #tpu.memory_space<vmem>>, vector<16xf32>,
      tpu.vector_store %arg12[%parallel_loop3A_284, %parallel_loop3A_285], %parallel_loop3A_283 {strides = array<i32>} : memref<80x144xf32, #tpu.memory_space<vmem>>, vector<16xf32>,
      %parallel_loop3A_287 = arith.mulf %parallel_loop3A_262, %parallel_loop3A_282 : vector<16xf32>
      %parallel_loop3A_288 = arith.index_cast %parallel_loop3A_135 : i32 to index
      %parallel_loop3A_289 = arith.constant 112 : index
      %parallel_loop3A_290 = tpu.vector_load %arg12[%parallel_loop3A_288, %parallel_loop3A_289] {strides = array<i32>} : memref<80x144xf32, #tpu.memory_space<vmem>>, vector<16xf32>,
      tpu.vector_store %arg12[%parallel_loop3A_288, %parallel_loop3A_289], %parallel_loop3A_287 {strides = array<i32>} : memref<80x144xf32, #tpu.memory_space<vmem>>, vector<16xf32>,
    } {sc.loop_unroll_factor = 4 : i64, sc.parallel_access}
    %dma_wait3A_97 = arith.constant 0 : i32
    %dma_wait3A_98 = arith.constant 0 : i32
    %dma_wait3A_99 = tpu.memref_slice %arg16[%dma_wait3A_97, %dma_wait3A_98] : memref<10240x144xf32, #tpu.memory_space<vmem_shared>> -> memref<10240x144xf32, #tpu.memory_space<vmem_shared>>
    tpu.wait_indirect_dma semaphore(%arg22 : memref<!tpu.dma_semaphore, #tpu.memory_space<semaphore_mem>>) src(%arg13 : memref<80x144xf32, #tpu.memory_space<vmem>>) dst(%dma_wait3A_99 : memref<10240x144xf32, #tpu.memory_space<vmem_shared>>)
    %get3A = arith.constant 1 : i32
    %get3A_100 = arith.index_cast %get3A : i32 to index
    %get3A_101 = arith.constant 0 : index
    %get3A_102 = tpu.vector_load %arg6[%get3A_100, %get3A_101] {strides = array<i32>} : memref<2x80xi32, #tpu.memory_space<vmem>>, vector<16xi32>,
    %swap3A = arith.constant 0 : index
    %swap3A_103 = tpu.vector_load %arg14[%swap3A] {strides = array<i32>} : memref<80xi32, #tpu.memory_space<vmem>>, vector<16xi32>,
    tpu.vector_store %arg14[%swap3A], %get3A_102 {strides = array<i32>} : memref<80xi32, #tpu.memory_space<vmem>>, vector<16xi32>,
    %get3A_104 = arith.constant 1 : i32
    %get3A_105 = arith.index_cast %get3A_104 : i32 to index
    %get3A_106 = arith.constant 16 : index
    %get3A_107 = tpu.vector_load %arg6[%get3A_105, %get3A_106] {strides = array<i32>} : memref<2x80xi32, #tpu.memory_space<vmem>>, vector<16xi32>,
    %swap3A_108 = arith.constant 16 : index
    %swap3A_109 = tpu.vector_load %arg14[%swap3A_108] {strides = array<i32>} : memref<80xi32, #tpu.memory_space<vmem>>, vector<16xi32>,
    tpu.vector_store %arg14[%swap3A_108], %get3A_107 {strides = array<i32>} : memref<80xi32, #tpu.memory_space<vmem>>, vector<16xi32>,
    %get3A_110 = arith.constant 1 : i32
    %get3A_111 = arith.index_cast %get3A_110 : i32 to index
    %get3A_112 = arith.constant 32 : index
    %get3A_113 = tpu.vector_load %arg6[%get3A_111, %get3A_112] {strides = array<i32>} : memref<2x80xi32, #tpu.memory_space<vmem>>, vector<16xi32>,
    %swap3A_114 = arith.constant 32 : index
    %swap3A_115 = tpu.vector_load %arg14[%swap3A_114] {strides = array<i32>} : memref<80xi32, #tpu.memory_space<vmem>>, vector<16xi32>,
    tpu.vector_store %arg14[%swap3A_114], %get3A_113 {strides = array<i32>} : memref<80xi32, #tpu.memory_space<vmem>>, vector<16xi32>,
    %get3A_116 = arith.constant 1 : i32
    %get3A_117 = arith.index_cast %get3A_116 : i32 to index
    %get3A_118 = arith.constant 48 : index
    %get3A_119 = tpu.vector_load %arg6[%get3A_117, %get3A_118] {strides = array<i32>} : memref<2x80xi32, #tpu.memory_space<vmem>>, vector<16xi32>,
    %swap3A_120 = arith.constant 48 : index
    %swap3A_121 = tpu.vector_load %arg14[%swap3A_120] {strides = array<i32>} : memref<80xi32, #tpu.memory_space<vmem>>, vector<16xi32>,
    tpu.vector_store %arg14[%swap3A_120], %get3A_119 {strides = array<i32>} : memref<80xi32, #tpu.memory_space<vmem>>, vector<16xi32>,
    %get3A_122 = arith.constant 1 : i32
    %get3A_123 = arith.index_cast %get3A_122 : i32 to index
    %get3A_124 = arith.constant 64 : index
    %get3A_125 = tpu.vector_load %arg6[%get3A_123, %get3A_124] {strides = array<i32>} : memref<2x80xi32, #tpu.memory_space<vmem>>, vector<16xi32>,
    %swap3A_126 = arith.constant 64 : index
    %swap3A_127 = tpu.vector_load %arg14[%swap3A_126] {strides = array<i32>} : memref<80xi32, #tpu.memory_space<vmem>>, vector<16xi32>,
    tpu.vector_store %arg14[%swap3A_126], %get3A_125 {strides = array<i32>} : memref<80xi32, #tpu.memory_space<vmem>>, vector<16xi32>,
    %dma_start3A_128 = arith.constant 0 : i32
    %dma_start3A_129 = arith.constant 0 : i32
    %dma_start3A_130 = tpu.memref_slice %arg16[%dma_start3A_128, %dma_start3A_129] : memref<10240x144xf32, #tpu.memory_space<vmem_shared>> -> memref<10240x144xf32, #tpu.memory_space<vmem_shared>>
    tpu.enqueue_indirect_dma source(%arg12 : memref<80x144xf32, #tpu.memory_space<vmem>>) target(%dma_start3A_130 : memref<10240x144xf32, #tpu.memory_space<vmem_shared>>) offsets(%arg14 : memref<80xi32, #tpu.memory_space<vmem>>) semaphore(%arg21 : memref<!tpu.dma_semaphore, #tpu.memory_space<semaphore_mem>>) {add = true}
    %dma_wait3A_131 = arith.constant 0 : i32
    %dma_wait3A_132 = arith.constant 0 : i32
    %dma_wait3A_133 = tpu.memref_slice %arg16[%dma_wait3A_131, %dma_wait3A_132] : memref<10240x144xf32, #tpu.memory_space<vmem_shared>> -> memref<10240x144xf32, #tpu.memory_space<vmem_shared>>
    tpu.wait_indirect_dma semaphore(%arg21 : memref<!tpu.dma_semaphore, #tpu.memory_space<semaphore_mem>>) src(%arg12 : memref<80x144xf32, #tpu.memory_space<vmem>>) dst(%dma_wait3A_133 : memref<10240x144xf32, #tpu.memory_space<vmem_shared>>)
    %barrier3A_134 = arith.constant 0 : index
    tpu.barrier barrier_id(%barrier3A_134)
    "tpu.region"() ({
      %run_scoped3A = tpu.sem_alloc : memref<!tpu.dma_semaphore, #tpu.memory_space<semaphore_mem>>
      %dma_start3A_135 = arith.constant 0 : i32
      %dma_start3A_136 = tpu.memref_slice %arg5[%arg0, %mul3A_58, %dma_start3A_135] : memref<2x10240x144xf32, #tpu.memory_space<hbm>> -> memref<1x640x144xf32, #tpu.memory_space<hbm>>
      %dma_start3A_137 = tpu.memref_squeeze %dma_start3A_136 : memref<1x640x144xf32, #tpu.memory_space<hbm>> -> memref<640x144xf32, #tpu.memory_space<hbm>>
      %dma_start3A_138 = arith.constant 0 : i32
      %dma_start3A_139 = tpu.memref_slice %arg16[%mul3A_58, %dma_start3A_138] : memref<10240x144xf32, #tpu.memory_space<vmem_shared>> -> memref<640x144xf32, #tpu.memory_space<vmem_shared>>
      tpu.enqueue_dma source(%dma_start3A_139 : memref<640x144xf32, #tpu.memory_space<vmem_shared>>) target(%dma_start3A_137 : memref<640x144xf32, #tpu.memory_space<hbm>>) target_semaphore(%run_scoped3A : memref<!tpu.dma_semaphore, #tpu.memory_space<semaphore_mem>>)
      %dma_wait3A_140 = arith.constant 0 : i32
      %dma_wait3A_141 = tpu.memref_slice %arg5[%arg0, %mul3A_58, %dma_wait3A_140] : memref<2x10240x144xf32, #tpu.memory_space<hbm>> -> memref<1x640x144xf32, #tpu.memory_space<hbm>>
      %dma_wait3A_142 = tpu.memref_squeeze %dma_wait3A_141 : memref<1x640x144xf32, #tpu.memory_space<hbm>> -> memref<640x144xf32, #tpu.memory_space<hbm>>
      %dma_wait3A_143 = arith.constant 0 : i32
      %dma_wait3A_144 = tpu.memref_slice %arg16[%mul3A_58, %dma_wait3A_143] : memref<10240x144xf32, #tpu.memory_space<vmem_shared>> -> memref<640x144xf32, #tpu.memory_space<vmem_shared>>
      tpu.wait_dma2 semaphore(%run_scoped3A : memref<!tpu.dma_semaphore, #tpu.memory_space<semaphore_mem>>) src(%dma_wait3A_144 : memref<640x144xf32, #tpu.memory_space<vmem_shared>>) dst(%dma_wait3A_142 : memref<640x144xf32, #tpu.memory_space<hbm>>)
      tpu.yield
    }) : () -> ()
    return
  }
}

module attributes {stable_mosaic.version = 14 : i64} {
  func.func @_proj_body(%arg0: memref<10000x128xf32, #tpu.memory_space<vmem>>, %arg1: memref<128x128xf32, #tpu.memory_space<vmem>>, %arg2: memref<128x16xf32, #tpu.memory_space<vmem>>, %arg3: memref<128x16xf32, #tpu.memory_space<vmem>>, %arg4: memref<128x128xf32, #tpu.memory_space<vmem>>, %arg5: memref<16x32xf32, #tpu.memory_space<vmem>>, %arg6: memref<10000x160xbf16, #tpu.memory_space<vmem>>, %arg7: memref<10000x16xf32, #tpu.memory_space<vmem>>) attributes {dimension_semantics = [], scalar_prefetch = 0 : i64, scratch_operands = 0 : i64, tpu.core_type = #tpu.core_type<tc>} {
    %get3A = arith.constant 0 : index
    %get3A_0 = arith.constant 0 : index
    %get3A_1 = vector.load %arg0[%get3A, %get3A_0] : memref<10000x128xf32, #tpu.memory_space<vmem>>, vector<10000x128xf32>
    %get3A_2 = arith.constant 0 : index
    %get3A_3 = arith.constant 0 : index
    %get3A_4 = vector.load %arg1[%get3A_2, %get3A_3] : memref<128x128xf32, #tpu.memory_space<vmem>>, vector<128x128xf32>
    %dot_general3A = arith.constant dense<0.000000e+00> : vector<10000x128xf32>
    %dot_general3A_5 = tpu.matmul %get3A_1, %get3A_4, %dot_general3A {dimension_numbers = #tpu.dot_dimension_numbers<[1], [0], [0], [1], [0, 0, 1, 1], [], []>, transpose_lhs_hint = false} : vector<10000x128xf32>, vector<128x128xf32>, vector<10000x128xf32> -> vector<10000x128xf32>
    %get3A_6 = arith.constant 0 : index
    %get3A_7 = arith.constant 0 : index
    %get3A_8 = vector.load %arg4[%get3A_6, %get3A_7] : memref<128x128xf32, #tpu.memory_space<vmem>>, vector<128x128xf32>
    %dot_general3A_9 = arith.constant dense<0.000000e+00> : vector<10000x128xf32>
    %dot_general3A_10 = tpu.matmul %dot_general3A_5, %get3A_8, %dot_general3A_9 {dimension_numbers = #tpu.dot_dimension_numbers<[1], [0], [0], [1], [0, 0, 1, 1], [], []>, transpose_lhs_hint = false} : vector<10000x128xf32>, vector<128x128xf32>, vector<10000x128xf32> -> vector<10000x128xf32>
    %convert_element_type3A = arith.truncf %dot_general3A_10 : vector<10000x128xf32> to vector<10000x128xbf16>
    %swap3A = arith.constant 0 : index
    %swap3A_11 = arith.constant 0 : index
    %swap3A_12 = vector.load %arg6[%swap3A, %swap3A_11] : memref<10000x160xbf16, #tpu.memory_space<vmem>>, vector<10000x128xbf16>
    tpu.vector_store %arg6[%swap3A, %swap3A_11], %convert_element_type3A {strides = array<i32>} : memref<10000x160xbf16, #tpu.memory_space<vmem>>, vector<10000x128xbf16>,
    %get3A_13 = arith.constant 0 : index
    %get3A_14 = arith.constant 0 : index
    %get3A_15 = vector.load %arg2[%get3A_13, %get3A_14] : memref<128x16xf32, #tpu.memory_space<vmem>>, vector<128x16xf32>
    %dot_general3A_16 = arith.constant dense<0.000000e+00> : vector<10000x16xf32>
    %dot_general3A_17 = tpu.matmul %dot_general3A_5, %get3A_15, %dot_general3A_16 {dimension_numbers = #tpu.dot_dimension_numbers<[1], [0], [0], [1], [0, 0, 1, 1], [], []>, transpose_lhs_hint = false} : vector<10000x128xf32>, vector<128x16xf32>, vector<10000x16xf32> -> vector<10000x16xf32>
    %get3A_18 = arith.constant 0 : index
    %get3A_19 = arith.constant 0 : index
    %get3A_20 = vector.load %arg5[%get3A_18, %get3A_19] : memref<16x32xf32, #tpu.memory_space<vmem>>, vector<16x32xf32>
    %dot_general3A_21 = arith.constant dense<0.000000e+00> : vector<10000x32xf32>
    %dot_general3A_22 = tpu.matmul %dot_general3A_17, %get3A_20, %dot_general3A_21 {dimension_numbers = #tpu.dot_dimension_numbers<[1], [0], [0], [1], [0, 0, 1, 1], [], []>, transpose_lhs_hint = false} : vector<10000x16xf32>, vector<16x32xf32>, vector<10000x32xf32> -> vector<10000x32xf32>
    %convert_element_type3A_23 = arith.truncf %dot_general3A_22 : vector<10000x32xf32> to vector<10000x32xbf16>
    %swap3A_24 = arith.constant 0 : index
    %swap3A_25 = arith.constant 128 : index
    %swap3A_26 = vector.load %arg6[%swap3A_24, %swap3A_25] : memref<10000x160xbf16, #tpu.memory_space<vmem>>, vector<10000x32xbf16>
    tpu.vector_store %arg6[%swap3A_24, %swap3A_25], %convert_element_type3A_23 {strides = array<i32>} : memref<10000x160xbf16, #tpu.memory_space<vmem>>, vector<10000x32xbf16>,
    %get3A_27 = arith.constant 0 : index
    %get3A_28 = arith.constant 0 : index
    %get3A_29 = vector.load %arg3[%get3A_27, %get3A_28] : memref<128x16xf32, #tpu.memory_space<vmem>>, vector<128x16xf32>
    %dot_general3A_30 = arith.constant dense<0.000000e+00> : vector<10000x16xf32>
    %dot_general3A_31 = tpu.matmul %dot_general3A_5, %get3A_29, %dot_general3A_30 {dimension_numbers = #tpu.dot_dimension_numbers<[1], [0], [0], [1], [0, 0, 1, 1], [], []>, transpose_lhs_hint = false} : vector<10000x128xf32>, vector<128x16xf32>, vector<10000x16xf32> -> vector<10000x16xf32>
    %swap3A_32 = arith.constant 0 : index
    %swap3A_33 = arith.constant 0 : index
    %swap3A_34 = vector.load %arg7[%swap3A_32, %swap3A_33] : memref<10000x16xf32, #tpu.memory_space<vmem>>, vector<10000x16xf32>
    tpu.vector_store %arg7[%swap3A_32, %swap3A_33], %dot_general3A_31 {strides = array<i32>} : memref<10000x16xf32, #tpu.memory_space<vmem>>, vector<10000x16xf32>,
    return
  }
}

module attributes {stable_mosaic.version = 14 : i64} {
  func.func @_merge_body(%arg0: memref<2x10240x144xf32, #tpu.memory_space<vmem>>, %arg1: memref<16x128xf32, #tpu.memory_space<vmem>>, %arg2: memref<1x128xf32, #tpu.memory_space<vmem>>, %arg3: memref<1x128xf32, #tpu.memory_space<vmem>>, %arg4: memref<1x128xf32, #tpu.memory_space<vmem>>, %arg5: memref<10000x128xf32, #tpu.memory_space<vmem>>) attributes {dimension_semantics = [], scalar_prefetch = 0 : i64, scratch_operands = 0 : i64, tpu.core_type = #tpu.core_type<tc>} {
    %get3A = arith.constant 0 : index
    %get3A_0 = arith.constant 0 : index
    %get3A_1 = arith.constant 0 : index
    %get3A_2 = vector.load %arg0[%get3A, %get3A_0, %get3A_1] : memref<2x10240x144xf32, #tpu.memory_space<vmem>>, vector<1x10000x144xf32>
    %get3A_3 = vector.shape_cast %get3A_2 : vector<1x10000x144xf32> to vector<10000x144xf32>
    %get3A_4 = arith.constant 1 : index
    %get3A_5 = arith.constant 0 : index
    %get3A_6 = arith.constant 0 : index
    %get3A_7 = vector.load %arg0[%get3A_4, %get3A_5, %get3A_6] : memref<2x10240x144xf32, #tpu.memory_space<vmem>>, vector<1x10000x144xf32>
    %get3A_8 = vector.shape_cast %get3A_7 : vector<1x10000x144xf32> to vector<10000x144xf32>
    %add3A = arith.addf %get3A_3, %get3A_8 : vector<10000x144xf32>
    %slice3A = vector.extract_strided_slice %add3A {offsets = [0, 0], sizes = [10000, 128], strides = [1, 1]} : vector<10000x144xf32> to vector<10000x128xf32>
    %slice3A_9 = vector.extract_strided_slice %add3A {offsets = [0, 128], sizes = [10000, 16], strides = [1, 1]} : vector<10000x144xf32> to vector<10000x16xf32>
    %get3A_10 = arith.constant 0 : index
    %get3A_11 = arith.constant 0 : index
    %get3A_12 = vector.load %arg1[%get3A_10, %get3A_11] : memref<16x128xf32, #tpu.memory_space<vmem>>, vector<16x128xf32>
    %dot_general3A = arith.constant dense<0.000000e+00> : vector<10000x128xf32>
    %dot_general3A_13 = tpu.matmul %slice3A_9, %get3A_12, %dot_general3A {dimension_numbers = #tpu.dot_dimension_numbers<[1], [0], [0], [1], [0, 0, 1, 1], [], []>, transpose_lhs_hint = false} : vector<10000x16xf32>, vector<16x128xf32>, vector<10000x128xf32> -> vector<10000x128xf32>
    %eq3A = arith.constant 0.000000e+00 : f32
    %eq3A_14 = vector.broadcast %eq3A : f32 to vector<10000x128xf32>
    %eq3A_15 = arith.cmpf oeq, %dot_general3A_13, %eq3A_14 : vector<10000x128xf32>
    %jit3A = arith.constant 1.000000e+00 : f32
    %broadcast_in_dim3A = vector.broadcast %jit3A : f32 to vector<10000x128xf32>
    %select_n3A = arith.select %eq3A_15, %broadcast_in_dim3A, %dot_general3A_13 : vector<10000x128xi1>, vector<10000x128xf32>
    %div3A = arith.divf %slice3A, %select_n3A : vector<10000x128xf32>
    %get3A_16 = arith.constant 0 : index
    %get3A_17 = arith.constant 0 : index
    %get3A_18 = vector.load %arg2[%get3A_16, %get3A_17] : memref<1x128xf32, #tpu.memory_space<vmem>>, vector<1x128xf32>
    %add3A_19 = vector.broadcast %get3A_18 : vector<1x128xf32> to vector<10000x128xf32>
    %add3A_20 = arith.addf %div3A, %add3A_19 : vector<10000x128xf32>
    %reduce_sum3A = arith.constant dense<0.000000e+00> : vector<128xf32>
    %reduce_sum3A_21 = vector.multi_reduction <add>, %add3A_20, %reduce_sum3A [0] : vector<10000x128xf32> to vector<128xf32>
    %broadcast_in_dim3A_22 = vector.shape_cast %reduce_sum3A_21 : vector<128xf32> to vector<1x128xf32>
    %div3A_23 = arith.constant 1.000000e+04 : f32
    %div3A_24 = vector.broadcast %div3A_23 : f32 to vector<1x128xf32>
    %div3A_25 = arith.divf %broadcast_in_dim3A_22, %div3A_24 : vector<1x128xf32>
    %sub3A = vector.broadcast %div3A_25 : vector<1x128xf32> to vector<10000x128xf32>
    %sub3A_26 = arith.subf %add3A_20, %sub3A : vector<10000x128xf32>
    %integer_pow3A = arith.mulf %sub3A_26, %sub3A_26 : vector<10000x128xf32>
    %reduce_sum3A_27 = arith.constant dense<0.000000e+00> : vector<128xf32>
    %reduce_sum3A_28 = vector.multi_reduction <add>, %integer_pow3A, %reduce_sum3A_27 [0] : vector<10000x128xf32> to vector<128xf32>
    %broadcast_in_dim3A_29 = vector.shape_cast %reduce_sum3A_28 : vector<128xf32> to vector<1x128xf32>
    %div3A_30 = arith.constant 1.000000e+04 : f32
    %div3A_31 = vector.broadcast %div3A_30 : f32 to vector<1x128xf32>
    %div3A_32 = arith.divf %broadcast_in_dim3A_29, %div3A_31 : vector<1x128xf32>
    %sub3A_33 = vector.broadcast %div3A_25 : vector<1x128xf32> to vector<10000x128xf32>
    %sub3A_34 = arith.subf %add3A_20, %sub3A_33 : vector<10000x128xf32>
    %add3A_35 = arith.constant 9.99999974E-6 : f32
    %add3A_36 = vector.broadcast %add3A_35 : f32 to vector<1x128xf32>
    %add3A_37 = arith.addf %div3A_32, %add3A_36 : vector<1x128xf32>
    %sqrt3A = math.sqrt %add3A_37 : vector<1x128xf32>
    %div3A_38 = vector.broadcast %sqrt3A : vector<1x128xf32> to vector<10000x128xf32>
    %div3A_39 = arith.divf %sub3A_34, %div3A_38 : vector<10000x128xf32>
    %get3A_40 = arith.constant 0 : index
    %get3A_41 = arith.constant 0 : index
    %get3A_42 = vector.load %arg3[%get3A_40, %get3A_41] : memref<1x128xf32, #tpu.memory_space<vmem>>, vector<1x128xf32>
    %mul3A = vector.broadcast %get3A_42 : vector<1x128xf32> to vector<10000x128xf32>
    %mul3A_43 = arith.mulf %div3A_39, %mul3A : vector<10000x128xf32>
    %get3A_44 = arith.constant 0 : index
    %get3A_45 = arith.constant 0 : index
    %get3A_46 = vector.load %arg4[%get3A_44, %get3A_45] : memref<1x128xf32, #tpu.memory_space<vmem>>, vector<1x128xf32>
    %add3A_47 = vector.broadcast %get3A_46 : vector<1x128xf32> to vector<10000x128xf32>
    %add3A_48 = arith.addf %mul3A_43, %add3A_47 : vector<10000x128xf32>
    %gt3A = arith.constant 0.000000e+00 : f32
    %gt3A_49 = vector.broadcast %gt3A : f32 to vector<10000x128xf32>
    %gt3A_50 = arith.cmpf ogt, %add3A_48, %gt3A_49 : vector<10000x128xf32>
    %exp3A = math.exp %add3A_48 : vector<10000x128xf32>
    %sub3A_51 = arith.constant 1.000000e+00 : f32
    %sub3A_52 = vector.broadcast %sub3A_51 : f32 to vector<10000x128xf32>
    %sub3A_53 = arith.subf %exp3A, %sub3A_52 : vector<10000x128xf32>
    %select_n3A_54 = arith.select %gt3A_50, %add3A_48, %sub3A_53 : vector<10000x128xi1>, vector<10000x128xf32>
    %swap3A = arith.constant 0 : index
    %swap3A_55 = arith.constant 0 : index
    %swap3A_56 = vector.load %arg5[%swap3A, %swap3A_55] : memref<10000x128xf32, #tpu.memory_space<vmem>>, vector<10000x128xf32>
    tpu.vector_store %arg5[%swap3A, %swap3A_55], %select_n3A_54 {strides = array<i32>} : memref<10000x128xf32, #tpu.memory_space<vmem>>, vector<10000x128xf32>,
    return
  }
}

</mosaic_0001>

<sc_bundles>
// kernel: kernel.5.cloned.1.call-start
scs
__scs_entry_jumppad:
0x0: {  	(pc) =	sbr.rel $0x88, $3  }
0x1: {  	(tag) =	ssettag $0x0;
	lr =	simm.s32 $0x1  }
0x2: {  	[smem:$0x3F99] =	sst lr;
	_ =	strace $0xD0000000  }
0x3: {  	_ = 	snop  }
0x4: {  	_ = 	snop  }
0x5: {  	_ = 	snop  }
0x6: {  	_ = 	snop  }
0x7: {  	_ = 	snop  }
__scs_overlays_trampoline_lowered:
0x8: {  	[smem:$0x3FA8] =	sst s0  }
0x9: {  	[smem:$0x3FA9] =	sst s1  }
0xa: {  	[smem:$0x3FAA] =	sst s2  }
0xb: {  	[smem:$0x3FAB] =	sst s3  }
0xc: {  	[smem:$0x3FAC] =	sst s4  }
0xd: {  	[smem:$0x3FAD] =	sst s5  }
0xe: {  	[smem:$0x3FAE] =	sst s6  }
0xf: {  	[smem:$0x3FAF] =	sst s7  }
0x10: {  	[smem:$0x3FB0] =	sst s8  }
0x11: {  	[smem:$0x3FB1] =	sst s9;
	s0 =	simm.s32 @!p0 $0x0  }
0x12: {  	s1 =	sld [smem:$0x3F97];
	s0 =	simm.s32 @p0 $0x1  }
0x13: {  	[smem:$0x3FB2] =	sst s0;
	s0 =	simm.s32 @!p1 $0x0  }
0x14: {  	s2 =	sld [smem:$0x3F96];
	s0 =	simm.s32 @p1 $0x1  }
0x15: {  	[smem:$0x3FB3] =	sst s0;
	s0 =	simm.s32 @!p2 $0x0  }
0x16: {  	s3 =	sld [smem:$0x3FDB];
	s0 =	simm.s32 @p2 $0x1  }
0x17: {  	s4 =	simm.s32 $0x1BF5;
	[smem:$0x3FB5] =	sst s0  }
0x18: {  	s0 =	sld [smem:$0x3F98];
	_ =	swait.ge [sflag:s4], $0x0  }
0x19: {  	s7 =	sld [smem:$0x3F99]  }
0x1a: {  	s8 =	sadd.s32 $0xFFFFE003, lr  }
0x1b: {  	s9 =	sadd.s32 $0xFFFFFEF7, lr;
	s5 =	simm.s32 $0xFFFFFFFF;
	p2 =	slt.u32 s8, $0xFFFFF086  }
0x1c: {  	p1 =	slt.u32 s9, $0xF7A;
	s5 =	simm.s32 @!p2 $0x0  }
0x1d: {  	s5 =	simm.s32 @p1 $0x1;
	p0 =	seq.s32 s7, s2  }
0x1e: {  	s7 =	smul.u32 @!p0 $0xF7A, s2;
	p2 =	seq.s32 @!p0 s5, $0x0  }
0x1f: {  	s9 =	smul.u32 $0xF7A, s1;
	s8 =	simm.s32 @!p0 $0x1BF5;
	p2 =	por !p2, p0  }
0x20: {  	[sflag:s8] =	ssyncset.s32 @!p0 $0xFFFFF086;
	s6 =	sadd.s32 @!p0 s3, s7;
	s7 =	simm.s32 @!p0 $0x108  }
0x21: {  	s3 =	sadd.s32 s3, s9;
	s6 =	sadd.s32 @!p0 $0x88, s6;
	s7 =	simm.s32 @p2 $0x1082  }
0x22: {  	[simem:s7], [sflag:s8] =	dma.local @!p0 [hbm:s6], $0xF7A  }
0x23: {  	s9 =	sor.u32 $0xD0000000, s2;
	s6 =	simm.s32 $0x108;
	_ =	swait.ge @!p0 [sflag:s8], $0x0  }
0x24: {  	s3 =	sadd.s32 $0x88, s3;
	s6 =	simm.s32 @!p1 $0x1082;
	[sflag:s4] =	ssyncset.s32 $0xFFFFF086  }
0x25: {  	[simem:s6], [sflag:s4] =	dma.local [hbm:s3], $0xF7A  }
0x26: {  	[smem:$0x3F99] =	sst s1;
	(tag) =	ssettag s2;
	_ =	strace s9  }
0x27: {  	s1 =	sld [smem:$0x3FA9]  }
0x28: {  	s2 =	sld [smem:$0x3FAA]  }
0x29: {  	s4 =	sld [smem:$0x3FAC]  }
0x2a: {  	p0 =	seq.s32 s5, $0x0;
	s5 =	sld [smem:$0x3FAD]  }
0x2b: {  	s6 =	sld [smem:$0x3FAE]  }
0x2c: {  	s7 =	sld [smem:$0x3FAF]  }
0x2d: {  	s3 =	simm.s32 $0x108;
	s8 =	sld [smem:$0x3FB0]  }
0x2e: {  	s3 =	simm.s32 @!p0 $0x1082;
	s9 =	sld [smem:$0x3FB1]  }
0x2f: {  	lr =	sadd.s32 s0, s3;
	s0 =	sld [smem:$0x3FA8]  }
0x30: {  	s3 =	sld [smem:$0x3FAB]  }
0x31: {  	[smem:$0x3FB4] =	sst s10  }
0x32: {  	s10 =	sld [smem:$0x3FB2];
	_ =	sdelay $0x3  }
0x33: {  	p0 =	seq.s32 s10, $0x1;
	s10 =	sld [smem:$0x3FB4];
	_ =	sdelay $0x3  }
0x34: {  	[smem:$0x3FB4] =	sst s10  }
0x35: {  	s10 =	sld [smem:$0x3FB3];
	_ =	sdelay $0x3  }
0x36: {  	p1 =	seq.s32 s10, $0x1;
	s10 =	sld [smem:$0x3FB4];
	_ =	sdelay $0x3  }
0x37: {  	[smem:$0x3FB4] =	sst s10  }
0x38: {  	s10 =	sld [smem:$0x3FB5]  }
0x39: {  	_ = 	snop;
	(pc) =	sbr.ind lr, $3  }
0x3a: {  	_ = 	snop  }
0x3b: {  	_ = 	snop  }
0x3c: {  	p2 =	seq.s32 s10, $0x1;
	s10 =	sld [smem:$0x3FB4]  }
0x3d: {  	_ =	shalt  }
0x3e: {  	_ =	shalt  }
0x3f: {  	_ =	shalt  }
0x40: {  	_ =	shalt  }
0x41: {  	_ =	shalt  }
0x42: {  	_ =	shalt  }
0x43: {  	_ =	shalt  }
0x44: {  	_ =	shalt  }
0x45: {  	_ =	shalt  }
0x46: {  	_ =	shalt  }
0x47: {  	_ =	shalt  }
0x48: {  	_ =	shalt  }
0x49: {  	_ =	shalt  }
0x4a: {  	_ =	shalt  }
0x4b: {  	_ =	shalt  }
0x4c: {  	_ =	shalt  }
0x4d: {  	_ =	shalt  }
0x4e: {  	_ =	shalt  }
0x4f: {  	_ =	shalt  }
0x50: {  	_ =	shalt  }
0x51: {  	_ =	shalt  }
0x52: {  	_ =	shalt  }
0x53: {  	_ =	shalt  }
0x54: {  	_ =	shalt  }
0x55: {  	_ =	shalt  }
0x56: {  	_ =	shalt  }
0x57: {  	_ =	shalt  }
0x58: {  	_ =	shalt  }
0x59: {  	_ =	shalt  }
0x5a: {  	_ =	shalt  }
0x5b: {  	_ =	shalt  }
0x5c: {  	_ =	shalt  }
0x5d: {  	_ =	shalt  }
0x5e: {  	_ =	shalt  }
0x5f: {  	_ =	shalt  }
0x60: {  	_ =	shalt  }
0x61: {  	_ =	shalt  }
0x62: {  	_ =	shalt  }
0x63: {  	_ =	shalt  }
0x64: {  	_ =	shalt  }
0x65: {  	_ =	shalt  }
0x66: {  	_ =	shalt  }
0x67: {  	_ =	shalt  }
0x68: {  	_ =	shalt  }
0x69: {  	_ =	shalt  }
0x6a: {  	_ =	shalt  }
0x6b: {  	_ =	shalt  }
0x6c: {  	_ =	shalt  }
0x6d: {  	_ =	shalt  }
0x6e: {  	_ =	shalt  }
0x6f: {  	_ =	shalt  }
0x70: {  	_ =	shalt  }
0x71: {  	_ =	shalt  }
0x72: {  	_ =	shalt  }
0x73: {  	_ =	shalt  }
0x74: {  	_ =	shalt  }
0x75: {  	_ =	shalt  }
0x76: {  	_ =	shalt  }
0x77: {  	_ =	shalt  }
0x78: {  	_ =	shalt  }
0x79: {  	_ =	shalt  }
0x7a: {  	_ =	shalt  }
0x7b: {  	_ =	shalt  }
0x7c: {  	_ =	shalt  }
0x7d: {  	_ =	shalt  }
0x7e: {  	_ =	shalt  }
0x7f: {  	_ =	shalt  }
0x80: {  	_ =	shalt  }
0x81: {  	_ =	shalt  }
0x82: {  	_ =	shalt  }
0x83: {  	_ =	shalt  }
0x84: {  	_ =	shalt  }
0x85: {  	_ =	shalt  }
0x86: {  	_ =	shalt  }
0x87: {  	_ =	shalt  }
.Lfunc_end0:
.L_simem_size_0:
called_computation_lowered:
.L_overlay_start_0:
0x88: {  	s2 =	sld [smem:$0x3FD9]  }
0x89: {  	s3 =	sld [smem:$0x3FFE];
	_ =	sdelay $0x1  }
0x8a: {  	s1 =	srdreg.scid  }
0x8b: {  	s0 =	sand.u32 $0x1, s1  }
0x8c: {  	s17 =	sshll.u32 s0, $0xA;
	s2 =	sadd.s32 s3, s2  }
0x8d: {  	s2 =	sadd.s32 s2, s17  }
0x8e: {  	[smem:$0x3FC0] =	sst s2  }
0x8f: {  	_ = 	snop  }
0x90: {  	s2 =	sld [smem:$0x3FD0];
	(tm) =	ssettm $0x1  }
0x91: {  	s18 =	sld [smem:$0x3FFB];
	_ =	sdelay $0x3  }
0x92: {  	_ =	strace s18  }
0x93: {  	s3 =	sld [smem:$0x3FFC];
	_ =	sdelay $0x3  }
0x94: {  	_ =	strace s3  }
0x95: {  	s3 =	sld [smem:$0x3FFD];
	_ =	sdelay $0x3  }
0x96: {  	_ =	strace s3  }
0x97: {  	_ =	strace $0x8FFFFFFF  }
0x98: {  	s19 =	sld [smem:$0x3FDB];
	_ =	sdelay $0x1  }
0x99: {  	s4 =	simm.s32 $_scs_section_size  }
0x9a: {  	s5 =	simm.s32 $_size__tile_overlayer_lowered;
	s6 =	simm.s32 $_tile_overlayer_lowered  }
0x9b: {  	s22 =	simm.s32 $0x1BFF;
	s21 =	sshll.u32 s6, $0x1;
	s3 =	sadd.s32 s4, s19  }
0x9c: {  	s7 =	simm.s32 $0x0;
	s20 =	sshll.u32 s5, $0x1;
	s5 =	sadd.s32 s21, s3  }
0x9d: {  	[timem:s7], [sflag:s22] =	dma.local [hbm:s5], s20  }
0x9e: {  	_ =	swait.ge [sflag:s22], s20  }
0x9f: {  	s4 =	ssub.s32 $0x0, s20;
	[sflag:s22] =	ssyncset.done $0x0  }
0xa0: {  	[sflag:s22] =	ssyncadd.s32 s4;
	_ =	sdelay $0x1  }
0xa1: {  	s23 =	simm.s32 $0x1B8B  }
0xa2: {  	_ =	swait.ge [sflag:s23], $0x1  }
0xa3: {  	[sflag:s23] =	ssyncset.done $0x0  }
0xa4: {  	s25 =	simm.s32 $0x1B8E;
	s24 =	sld [smem:$0x3FFE];
	[sflag:s23] =	ssyncadd.s32 $0xFFFFFFFF  }
0xa5: {  	s26 =	simm.s32 $execute0_lowered;
	[smem:$0x3FD2] =	sst s25  }
0xa6: {  	s5 =	sshll.u32 s26, $0x1;
	_ =	strace $0x80000046;
	[dreg:$0x1] =	wrdreg $0xFFFFFFFF  }
0xa7: {  	s28 =	simm.s32 $_size_execute0_lowered;
	s3 =	sadd.s32 s3, s5;
	[dreg:$0x0] =	wrdreg $0x0  }
0xa8: {  	s5 =	sshll.u32 s28, $0x1;
	[dreg:$0x2] =	wrdreg s3  }
0xa9: {  	[dreg:$0x3] =	wrdreg s5  }
0xaa: {  	[dreg:$0x4] =	wrdreg $0xC0  }
0xab: {  	_ =	task [dreg:s7], $0x5FFFF  }
0xac: {  	[dreg:$0x1] =	wrdreg $0xFFFFFFFF  }
0xad: {  	[dreg:$0x0] =	wrdreg $0x60  }
0xae: {  	[dreg:$0x2] =	wrdreg s24  }
0xaf: {  	[dreg:$0x3] =	wrdreg s2  }
0xb0: {  	[dreg:$0x4] =	wrdreg $0x97E00  }
0xb1: {  	[dreg:$0x5] =	wrdreg $0x9  }
0xb2: {  	_ =	task.clear_ibuf [dreg:s7], $0x6FFFF;
	_ =	strace $0x90000046  }
0xb3: {  	s29 =	simm.s32 $0x9;
	_ =	strace $0x80000048  }
0xb4: {  	_ =	swait.ge [sflag:s29], $0x1  }
0xb5: {  	[sflag:s29] =	ssyncadd.s32 $0xFFFFFFFF  }
0xb6: {  	_ =	strace $0x90000048  }
0xb7: {  	_ =	sfence  }
0xb8: {  	s30 =	sld [smem:$0x0];
	_ =	sdelay $0x2  }
0xb9: {  	s31 =	sshll.u32 s1, $0xD;
	s1 =	sshrl.u32 s1, $0x2  }
0xba: {  	s3 =	sand.u32 $0x4000, s31;
	s1 =	sadd.s32 s1, s30  }
0xbb: {  	s0 =	sor.u32 s3, s0;
	s1 =	sshll.u32 s1, $0x11  }
0xbc: {  	s0 =	sor.u32 s1, s0  }
0xbd: {  	s0 =	sadd.s32 $0x8F2B, s0  }
0xbe: {  	[sflag:s0] =	ssyncadd.remote.s32 $0x1  }
0xbf: {  	_ =	sfence.sel $0xFFFF  }
0xc0: {  	[dreg:$0x0] =	wrdreg $0xFFFFFFFF;
	(pc) =	sbr.abs _section_cstart, $3  }
0xc1: {  	[dreg:$0x1] =	wrdreg $0xFFFFFFFF  }
0xc2: {  	_ =	task.clear_ibuf [dreg:s7], $0x2FFFF;
	_ =	strace $0x9FFFFFFF  }
0xc3: {  	(tm) =	ssettm $0x7FFFFFFF  }
tec
execute0_lowered:
.L_overlay_start_1:
0x0: {  	(tag) =	ssettag $0x1  }
0x1: {  	s0 =	rddreg [dreg:$0x0]  }
0x2: {  	s2 =	rddreg [dreg:$0x1]  }
0x3: {  	s3 =	rddreg [dreg:$0x2]  }
0x4: {  	s1 =	srdreg.scid;
	s10 =	stileid.u32  }
0x5: {  	s4 =	simm.s32 $0x0;
	s28 =	simm.s32 $0x3D40;
	s30 =	simm.s32 $0x2  }
0x6: {  	s12 =	simm.s32 $0x5;
	s13 =	simm.s32 $0x9790;
	s7 =	smul.u32 $0x16800, s10  }
0x7: {  	s1 =	sand.u32 $0x1, s1;
	s6 =	sshll.u32 s10, $0x1;
	s10 =	smul.u32 $0x5A000, s10  }
0x8: {  	s14 =	simm.s32 $0x6A40;
	[smem:$0x7FF] =	sst s4;
	s5 =	smul.u32 $0x168000, s1  }
0x9: {  	s6 =	sor.u32 s1, s6;
	_ =	strace $0x80000047;
	s1 =	ssub.s32 $0x2, s1  }
0xa: {  	s9 =	smul.u32 $0x2710, s6;
	s6 =	sadd.s32 $0x1400, s0;
	s19 =	sshrl.u32 s1, $0x1  }
0xb: {  	s10 =	sshrl.u32 s10, $0x2;
	s8 =	sadd.s32 s7, s5;
	s5 =	sadd.s32 $0x6400, s0  }
0xc: {  	s1 =	ssub.s32 s1, s19;
	s20 =	sadd.s32 s10, s3;
	s7 =	sadd.s32 s7, s3  }
0xd: {  	s10 =	simm.s32 $0x9740;
	s8 =	sshrl.u32 s8, $0x3;
	s11 =	sshrl.u32 s9, $0x3  }
0xe: {  	s22 =	sadd.s32 $0x2D00, s20;
	s23 =	sadd.s32 $0x5A00, s20;
	[dreg:$0x6] =	wrdreg s7  }
0xf: {  	s24 =	sadd.s32 $0x8700, s20;
	s25 =	sadd.s32 $0xB400, s20;
	[dreg:$0x7] =	wrdreg s22  }
0x10: {  	s26 =	sadd.s32 $0xE100, s20;
	s29 =	sadd.s32 $0x10E00, s20;
	[dreg:$0x8] =	wrdreg s23  }
0x11: {  	s17 =	sadd.s32 $0xA0, s9;
	s18 =	sadd.s32 $0xF0, s9;
	[dreg:$0x9] =	wrdreg s24  }
0x12: {  	s31 =	smax.u32 s1, $0x1;
	s9 =	simm.s32 $0x7;
	[dreg:$0xa] =	wrdreg s25  }
0x13: {  	s1 =	simm.s32 $0x0;
	s0 =	sadd.s32 s8, s0;
	[dreg:$0xb] =	wrdreg s26  }
0x14: {  	s11 =	sadd.s32 s5, s11;
	[dreg:$0xc] =	wrdreg s29;
	s8 =	sadd.s32 $0x13B00, s20  }
0x15: {  	[dreg:$0xf] =	wrdreg s31;
	s22 =	simm.s32 $0x4E200;
	s23 =	simm.s32 $0x1  }
0x16: {  	v0 =	vimm.f32 $0.0e+00;
	s24 =	simm.s32 $0x140;
	s25 =	simm.s32 $0x1A40;
	[dreg:$0x4] =	wrdreg s11  }
0x17: {  	vm0 =	vmmov $0xff;
	v61 =	vimm.s32 $0x0;
	v60 =	vimm.s32 $0x1;
	s26 =	simm.s32 $0xA0;
	s21 =	sadd.s32 $0xA, s11;
	[dreg:$0xd] =	wrdreg s8  }
0x18: {  	v4 =	vimm.s32 $0x2;
	v5 =	vimm.s32 $0x3;
	v6 =	vimm.s32 $0x4;
	s0 =	sadd.s32 $0x19E00, s0;
	s8 =	simm.s32 $0x3;
	[dreg:$0x5] =	wrdreg s21  }
0x19: {  	v7 =	vimm.s32 $0x5;
	v8 =	vimm.s32 $0x6;
	v62 =	vimm.s32 $0x7;
	s11 =	simm.s32 $0x4;
	[dreg:$0xe] =	wrdreg s0;
	s21 =	simm.s32 $0x50  }
.LBB2_1:
0x1a: {  	[dreg:$0x10] =	wrdreg s1  }
0x1b: {  	s0 =	rddreg [dreg:$0x4]  }
0x1c: {  	[tilespmem:s4], [sflag:$0x1] =	stream.strided.gather [hbm4b:s0+s21], $0xA0, s22, s21, $0x38;
	v63 =	vld [tilespmem:$0x0]  }
0x1d: {  	_ =	swait.ge [sflag:s23], $0xA0  }
0x1e: {  	[sflag:s23] =	ssyncset.done $0x0  }
0x1f: {  	[sflag:s23] =	ssyncadd.s32 $0xFFFFFF60  }
0x20: {  	[tilespmem:s24], [sflag:$0x3] =	stream.indirect.gather [hbm4b:s2+s21], $0x50, s4, s21, $0xb8;
	v63 =	vld [tilespmem:$0x0]  }
0x21: {  	_ = 	snop  }
0x22: {  	[tilespmem:s25], [sflag:$0x3] =	stream.indirect.gather [hbm4b:s6+s21], $0x10, s21, s21, $0xb8;
	v63 =	vld [tilespmem:$0x0]  }
0x23: {  	s1 =	simm.s32 $0x240;
	s0 =	simm.s32 $0x0;
	s31 =	rddreg [dreg:$0x5]  }
0x24: {  	[tilespmem:s26], [sflag:$0x2] =	stream.strided.gather [hbm4b:s31+s21], $0xA0, s22, s21, $0x38;
	v63 =	vld [tilespmem:$0x0]  }
.LBB2_2:
0x25: {  	p0 =	sne.s32 s1, $0xB1C0;
	[tilespmem:s0+$0x3DC0] =	vst v0  }
0x26: {  	[tilespmem:s0+$0x3D40] =	vst v0  }
0x27: {  	[tilespmem:s0+$0x3D50] =	vst v0  }
0x28: {  	[tilespmem:s0+$0x3D60] =	vst v0  }
.Ltmp0:
0x29: {  	[tilespmem:s0+$0x3D70] =	vst v0;
	(pc) =	sbr.rel @p0 .LBB2_2-.Ltmp0, $4  }
0x2a: {  	[tilespmem:s0+$0x3D80] =	vst v0  }
0x2b: {  	[tilespmem:s0+$0x3D90] =	vst v0  }
0x2c: {  	[tilespmem:s0+$0x3DA0] =	vst v0  }
0x2d: {  	[tilespmem:s0+$0x3DB0] =	vst v0;
	s0 =	sshra.s32 s1, $0x2;
	s1 =	sadd.s32 $0x240, s1  }
0x2e: {  	[tilespmem:s0+$0x3DC0] =	vst v0  }
0x2f: {  	[tilespmem:s0+$0x3D40] =	vst v0  }
0x30: {  	[tilespmem:s0+$0x3D50] =	vst v0  }
0x31: {  	[tilespmem:s0+$0x3D60] =	vst v0  }
0x32: {  	[tilespmem:s0+$0x3D70] =	vst v0  }
0x33: {  	[tilespmem:s0+$0x3D80] =	vst v0  }
0x34: {  	[tilespmem:s0+$0x3D90] =	vst v0  }
0x35: {  	[tilespmem:s0+$0x3DA0] =	vst v0  }
0x36: {  	[tilespmem:s0+$0x3DB0] =	vst v0  }
0x37: {  	[spmem:s7] =	stream.linear.scatter [tilespmem:s28], [sflag:$0x7], $0x2D00, $0x38;
	v63 =	vld [tilespmem:$0x0]  }
0x38: {  	_ =	swait.ge [sflag:s9], $0x2D00  }
0x39: {  	[sflag:s9] =	ssyncset.done $0x0  }
0x3a: {  	s7 =	rddreg [dreg:$0x7];
	[sflag:s9] =	ssyncadd.s32 $0xFFFFD300  }
0x3b: {  	[spmem:s7] =	stream.linear.scatter [tilespmem:s28], [sflag:$0x7], $0x2D00, $0x38;
	v63 =	vld [tilespmem:$0x0]  }
0x3c: {  	_ =	swait.ge [sflag:s9], $0x2D00  }
0x3d: {  	[sflag:s9] =	ssyncset.done $0x0  }
0x3e: {  	s15 =	rddreg [dreg:$0x8];
	[sflag:s9] =	ssyncadd.s32 $0xFFFFD300  }
0x3f: {  	[spmem:s15] =	stream.linear.scatter [tilespmem:s28], [sflag:$0x7], $0x2D00, $0x38;
	v63 =	vld [tilespmem:$0x0]  }
0x40: {  	_ =	swait.ge [sflag:s9], $0x2D00  }
0x41: {  	[sflag:s9] =	ssyncset.done $0x0  }
0x42: {  	s16 =	rddreg [dreg:$0x9];
	[sflag:s9] =	ssyncadd.s32 $0xFFFFD300  }
0x43: {  	[spmem:s16] =	stream.linear.scatter [tilespmem:s28], [sflag:$0x7], $0x2D00, $0x38;
	v63 =	vld [tilespmem:$0x0]  }
0x44: {  	_ =	swait.ge [sflag:s9], $0x2D00  }
0x45: {  	[sflag:s9] =	ssyncset.done $0x0  }
0x46: {  	s19 =	rddreg [dreg:$0xa];
	[sflag:s9] =	ssyncadd.s32 $0xFFFFD300  }
0x47: {  	[spmem:s19] =	stream.linear.scatter [tilespmem:s28], [sflag:$0x7], $0x2D00, $0x38;
	v63 =	vld [tilespmem:$0x0]  }
0x48: {  	_ =	swait.ge [sflag:s9], $0x2D00  }
0x49: {  	[sflag:s9] =	ssyncset.done $0x0  }
0x4a: {  	s20 =	rddreg [dreg:$0xb];
	[sflag:s9] =	ssyncadd.s32 $0xFFFFD300  }
0x4b: {  	[spmem:s20] =	stream.linear.scatter [tilespmem:s28], [sflag:$0x7], $0x2D00, $0x38;
	v63 =	vld [tilespmem:$0x0]  }
0x4c: {  	_ =	swait.ge [sflag:s9], $0x2D00  }
0x4d: {  	[sflag:s9] =	ssyncset.done $0x0  }
0x4e: {  	s29 =	rddreg [dreg:$0xc];
	[sflag:s9] =	ssyncadd.s32 $0xFFFFD300  }
0x4f: {  	[spmem:s29] =	stream.linear.scatter [tilespmem:s28], [sflag:$0x7], $0x2D00, $0x38;
	v63 =	vld [tilespmem:$0x0]  }
0x50: {  	_ =	swait.ge [sflag:s9], $0x2D00  }
0x51: {  	[sflag:s9] =	ssyncset.done $0x0  }
0x52: {  	s31 =	rddreg [dreg:$0xd];
	[sflag:s9] =	ssyncadd.s32 $0xFFFFD300  }
0x53: {  	[spmem:s31] =	stream.linear.scatter [tilespmem:s28], [sflag:$0x7], $0x2D00, $0x38;
	v63 =	vld [tilespmem:$0x0]  }
0x54: {  	_ =	swait.ge [sflag:s9], $0x2D00  }
0x55: {  	[sflag:s9] =	ssyncset.done $0x0  }
0x56: {  	[sflag:s9] =	ssyncadd.s32 $0xFFFFD300  }
0x57: {  	s19 =	simm.s32 $0x0;
	[bflag:$0x0] =	sbarrier.arrive $0xFFFF  }
.LBB2_4:
0x58: {  	_ =	swait.ge [sflag:s30], $0xA0  }
0x59: {  	[sflag:s30] =	ssyncset.done $0x0  }
0x5a: {  	s0 =	simm.s32 $0x1F40;
	[sflag:s30] =	ssyncadd.s32 $0xFFFFFF60  }
0x5b: {  	[tilespmem:s0], [sflag:$0x4] =	stream.indirect.gather [hbm4b:s2+s21], $0x50, s26, s21, $0xb8;
	v63 =	vld [tilespmem:$0x0]  }
0x5c: {  	s9 =	simm.s32 $0xF0;
	s1 =	simm.s32 $0x3840  }
0x5d: {  	[tilespmem:s1], [sflag:$0x4] =	stream.indirect.gather [hbm4b:s6+s21], $0x10, s9, s21, $0xb8;
	v63 =	vld [tilespmem:$0x0]  }
0x5e: {  	_ =	swait.ge [sflag:s8], $0x1900  }
0x5f: {  	[sflag:s8] =	ssyncset.done $0x0  }
0x60: {  	[sflag:s8] =	ssyncadd.s32 $0xFFFFE700  }
0x61: {  	_ =	swait.ge [sflag:s8], $0x500  }
0x62: {  	[sflag:s8] =	ssyncset.done $0x0  }
0x63: {  	s31 =	simm.s32 $0x1E0;
	[sflag:s8] =	ssyncadd.s32 $0xFFFFFB00  }
0x64: {  	s15 =	simm.s32 $0x1A60;
	v10 =	vld [tilespmem:s31+$0xFFFFFFF0]  }
0x65: {  	v11 =	vld [tilespmem:s15+$0xFFFFFFF0]  }
0x66: {  	v9 =	vld [tilespmem:s31+$0x90]  }
0x67: {  	v12 =	vld [tilespmem:s15+$0x10];
	_ =	sdelay $0x1  }
0x68: {  	v13 =	vld [tilespmem:s31+$0x40];
	v10 =	vunpack.i.l.bf16.f32 v10  }
0x69: {  	v14 =	vld [tilespmem:s31+$0xFFFFFFA0];
	v10 =	vadd.f32 v11, v10  }
0x6a: {  	v16 =	vld [tilespmem:s15+$0x0];
	v9 =	vunpack.i.l.bf16.f32 v9  }
0x6b: {  	v15 =	vld [tilespmem:s15+$0xFFFFFFE0];
	v9 =	vadd.f32 v12, v9;
	v12 =	vmul.f32 $2.000000030e-01, v10  }
0x6c: {  	s20 =	simm.s32 $0x320;
	vm1 =	vge.f32 v10, $0.0e+00  }
0x6d: {  	v18 =	vld [tilespmem:s20+$0x90];
	v10 =	vsel vm1, v10, v12  }
0x6e: {  	s16 =	simm.s32 $0x1AA0;
	v11 =	vunpack.i.l.bf16.f32 v13;
	v13 =	vmul.f32 $2.000000030e-01, v9;
	v10 =	vmul.f32 $1.442695020e+00, v10  }
0x6f: {  	v25 =	vld [tilespmem:s16+$0x10];
	v14 =	vunpack.i.l.bf16.f32 v14;
	v11 =	vadd.f32 v16, v11;
	vm2 =	vge.f32 v9, $0.0e+00  }
0x70: {  	v35 =	vld [tilespmem:s20+$0x40];
	v12 =	vadd.f32 v15, v14;
	v9 =	vsel vm2, v9, v13;
	(erf) = vpow2.f32 v10  }
0x71: {  	v19 =	vld [tilespmem:s16+$0x0];
	v9 =	vmul.f32 $1.442695020e+00, v9  }
0x72: {  	v18 =	vunpack.i.l.bf16.f32 v18;
	v14 =	vmul.f32 $2.000000030e-01, v11;
	v13 =	vmul.f32 $2.000000030e-01, v12  }
0x73: {  	vm2 =	vge.f32 v11, $0.0e+00;
	vm1 =	vge.f32 v12, $0.0e+00;
	(erf) = vpow2.f32 v9  }
0x74: {  	v18 =	vadd.f32 v25, v18;
	v10 =	vsel vm1, v12, v13;
	v9 =	vsel vm2, v11, v14  }
0x75: {  	v25 =	vunpack.i.l.bf16.f32 v35;
	v10 =	vmul.f32 $1.442695020e+00, v10;
	v9 =	vmul.f32 $1.442695020e+00, v9  }
0x76: {  	v19 =	vadd.f32 v19, v25  }
0x77: {  	(erf) = vpow2.f32 v10  }
0x78: {  	v59 =	vmul.f32 $2.000000030e-01, v19  }
0x79: {  	vm2 =	vge.f32 v19, $0.0e+00;
	(erf) = vpow2.f32 v9;
	v9 =	vpop (erf)  }
0x7a: {  	v43 =	vmul.f32 $2.000000030e-01, v18;
	v19 =	vsel vm2, v19, v59;
	v9 =	vnsel vm0, $0x0, v9  }
0x7b: {  	s9 =	simm.s32 $0x3E60;
	v19 =	vmul.f32 $1.442695020e+00, v19;
	v11 =	vperm.xlane v9, v60  }
0x7c: {  	v10 =	vpop (erf);
	[tilespmem:s9+$0xFFFFFFF0] =	vst v9;
	v27 =	vperm.xlane v9, v8;
	v12 =	vperm.xlane v9, v62  }
0x7d: {  	v10 =	vnsel vm0, $0x0, v10;
	v41 =	vperm.xlane v9, v7;
	v42 =	vperm.xlane v9, v4;
	v13 =	vld [tilespmem:s31+$0xFFFFFFB0]  }
0x7e: {  	v21 =	vld [tilespmem:s20+$0xFFFFFFF0];
	v2 =	vperm.xlane v9, v6;
	v31 =	vperm.xlane v10, v6  }
0x7f: {  	v22 =	vld [tilespmem:s16+$0xFFFFFFF0];
	v30 =	vperm.xlane v10, v7;
	v26 =	vperm.xlane v10, v62  }
0x80: {  	v20 =	vperm.xlane v10, v61;
	v29 =	vperm.xlane v10, v8;
	v14 =	vpop (erf)  }
0x81: {  	v39 =	vld [tilespmem:s20+$0xFFFFFFA0];
	v28 =	vperm.xlane v10, v60;
	v33 =	vnsel vm0, $0x0, v14;
	v14 =	vperm.xlane v9, v61  }
0x82: {  	v38 =	vperm.xlane v10, v5;
	v37 =	vunpack.i.u.bf16.f32 v13;
	v13 =	vunpack.i.l.bf16.f32 v13  }
0x83: {  	[tilespmem:s9+$0x110] =	vst v10;
	v15 =	vpop (erf);
	v32 =	vperm.xlane v33, v7;
	v13 =	vmul.f32 v14, v13;
	v14 =	vunpack.i.l.bf16.f32 v21;
	v21 =	vld [tilespmem:s16+$0xFFFFFFE0]  }
0x84: {  	v17 =	vld [tilespmem:s31+$0x50];
	v34 =	vnsel vm0, $0x0, v15;
	v24 =	vperm.xlane v33, v8;
	v14 =	vadd.f32 v22, v14  }
0x85: {  	v36 =	vperm.xlane v33, v5;
	v15 =	vperm.xlane v34, v62  }
0x86: {  	v39 =	vunpack.i.l.bf16.f32 v39;
	v23 =	vperm.xlane v34, v61;
	[tilespmem:s9+$0x80] =	vst v34;
	v58 =	vmul.f32 $2.000000030e-01, v14  }
0x87: {  	v16 =	vperm.xlane v34, v8;
	v40 =	vperm.xlane v34, v60;
	v25 =	vld [tilespmem:s31+$0x0];
	vm1 =	vge.f32 v14, $0.0e+00  }
0x88: {  	v11 =	vmul.f32 v11, v37;
	v14 =	vsel vm1, v14, v58;
	v21 =	vadd.f32 v21, v39  }
0x89: {  	v22 =	vunpack.i.u.bf16.f32 v17;
	[tilespmem:s9+$0xFFFFFF70] =	vst v13;
	vm1 =	vge.f32 v18, $0.0e+00;
	v14 =	vmul.f32 $1.442695020e+00, v14  }
0x8a: {  	[tilespmem:s9+$0xFFFFFF80] =	vst v11;
	v11 =	vmul.f32 v28, v22;
	v18 =	vsel vm1, v18, v43;
	v0 =	vmul.f32 $2.000000030e-01, v21  }
0x8b: {  	[tilespmem:s9+$0xFFFFFF60] =	vst v33;
	v17 =	vunpack.i.l.bf16.f32 v17;
	v13 =	vmul.f32 $1.442695020e+00, v18;
	v18 =	vld [tilespmem:s31+$0xFFFFFFC0];
	(erf) = vpow2.f32 v14  }
0x8c: {  	s15 =	simm.s32 $0x460;
	v17 =	vmul.f32 v20, v17;
	v20 =	vld [tilespmem:s31+$0xFFFFFF60];
	[tilespmem:s9+$0xA0] =	vst v11;
	v11 =	vunpack.i.u.bf16.f32 v25;
	vm1 =	vge.f32 v21, $0.0e+00  }
0x8d: {  	v37 =	vld [tilespmem:s15+$0x90];
	v1 =	vmul.f32 v40, v11;
	v14 =	vsel vm1, v21, v0;
	(erf) = vpow2.f32 v13  }
0x8e: {  	[tilespmem:s9+$0x90] =	vst v17;
	v43 =	vperm.xlane v33, v4;
	v13 =	vunpack.i.l.bf16.f32 v25;
	v14 =	vmul.f32 $1.442695020e+00, v14  }
0x8f: {  	v3 =	vimm.s32 $0x6;
	v11 =	vld [tilespmem:s31+$0x60];
	v28 =	vmul.f32 v23, v13;
	v13 =	vperm.xlane v9, v5  }
0x90: {  	v9 =	vperm.xlane v33, v60;
	(erf) = vpow2.f32 v14;
	v17 =	vunpack.i.l.bf16.f32 v18  }
0x91: {  	v18 =	vunpack.i.u.bf16.f32 v18;
	(erf) = vpow2.f32 v19;
	v19 =	vunpack.i.l.bf16.f32 v20  }
0x92: {  	s29 =	simm.s32 $0x1AE0;
	v37 =	vunpack.i.l.bf16.f32 v37;
	v14 =	vperm.xlane v33, v61;
	v13 =	vmul.f32 v13, v18  }
0x93: {  	v39 =	vld [tilespmem:s29+$0x10];
	[tilespmem:s9+$0x10] =	vst v1;
	v0 =	vperm.xlane v10, v4;
	v17 =	vmul.f32 v42, v17;
	v18 =	vunpack.i.u.bf16.f32 v20  }
0x94: {  	v10 =	vunpack.i.u.bf16.f32 v11;
	v14 =	vmul.f32 v14, v19;
	v21 =	vmul.f32 v9, v18;
	[tilespmem:s9+$0xFFFFFFA0] =	vst v13;
	v19 =	vpop (erf)  }
0x95: {  	v49 =	vunpack.i.l.bf16.f32 v11;
	v45 =	vmul.f32 v38, v10;
	[tilespmem:s9+$0xFFFFFF90] =	vst v17;
	v42 =	vnsel vm0, $0x0, v19  }
0x96: {  	v1 =	vimm.s32 $0x7;
	v40 =	vmul.f32 v0, v49;
	v25 =	vld [tilespmem:s31+$0xFFFFFFD0];
	[tilespmem:s9+$0xFFFFFEF0] =	vst v21;
	v13 =	vpop (erf);
	v44 =	vperm.xlane v42, v60  }
0x97: {  	[tilespmem:s9+$0xFFFFFEE0] =	vst v14;
	v19 =	vperm.xlane v42, v8;
	v9 =	vperm.xlane v42, v62;
	v35 =	vnsel vm0, $0x0, v13  }
0x98: {  	v37 =	vadd.f32 v39, v37;
	v50 =	vld [tilespmem:s31+$0xFFFFFF70];
	v46 =	vperm.xlane v42, v61;
	v20 =	vperm.xlane v35, v6  }
0x99: {  	v0 =	vimm.s32 $0x0;
	v18 =	vperm.xlane v35, v7;
	v48 =	vperm.xlane v35, v61  }
0x9a: {  	s7 =	simm.s32 $0x40A0;
	vm1 =	vge.f32 v37, $0.0e+00;
	v14 =	vperm.xlane v35, v8;
	v55 =	vperm.xlane v35, v60  }
0x9b: {  	[tilespmem:s7+$0xFFFFFFF0] =	vst v42;
	v38 =	vperm.xlane v35, v5;
	v6 =	vimm.s32 $0x3;
	v13 =	vpop (erf);
	v51 =	vunpack.i.u.bf16.f32 v25  }
0x9c: {  	[tilespmem:s9+$0x0] =	vst v28;
	v47 =	vld [tilespmem:s20+$0xFFFFFFB0];
	v28 =	vunpack.i.l.bf16.f32 v25;
	v17 =	vnsel vm0, $0x0, v13;
	v13 =	vperm.xlane v35, v62  }
0x9d: {  	[tilespmem:s7+$0x110] =	vst v35;
	v49 =	vunpack.i.l.bf16.f32 v50;
	v41 =	vmul.f32 v41, v51;
	v23 =	vperm.xlane v17, v7  }
0x9e: {  	v54 =	vld [tilespmem:s20+$0x50];
	v10 =	vpop (erf);
	v50 =	vunpack.i.u.bf16.f32 v50;
	v21 =	vperm.xlane v17, v8;
	v25 =	vperm.xlane v17, v5  }
0x9f: {  	v22 =	vnsel vm0, $0x0, v10;
	v43 =	vmul.f32 v43, v49;
	v36 =	vmul.f32 v36, v50  }
0xa0: {  	v5 =	vimm.s32 $0x2;
	v10 =	vperm.xlane v22, v62;
	v53 =	vperm.xlane v22, v61  }
0xa1: {  	[tilespmem:s7+$0x80] =	vst v22;
	v11 =	vperm.xlane v22, v8;
	v57 =	vperm.xlane v22, v60;
	v61 =	vld [tilespmem:s15+$0x40];
	v56 =	vunpack.i.l.bf16.f32 v47  }
0xa2: {  	v60 =	vperm.xlane v42, v5;
	v52 =	vld [tilespmem:s20+$0x0];
	v47 =	vunpack.i.u.bf16.f32 v47;
	v46 =	vmul.f32 v46, v56  }
0xa3: {  	[tilespmem:s9+$0xC0] =	vst v45;
	v56 =	vmul.f32 v2, v28;
	v62 =	vunpack.i.l.bf16.f32 v54;
	v44 =	vmul.f32 v44, v47  }
0xa4: {  	v59 =	vld [tilespmem:s15+$0xFFFFFFF0];
	[tilespmem:s9+$0xB0] =	vst v40;
	v28 =	vperm.xlane v42, v7;
	v7 =	vimm.s32 $0x4;
	v48 =	vmul.f32 v48, v62  }
0xa5: {  	v2 =	vimm.s32 $0x1;
	v47 =	vld [tilespmem:s29+$0x0];
	v40 =	vperm.xlane v33, v7;
	v33 =	vperm.xlane v33, v1;
	[tilespmem:s7+$0xFFFFFF80] =	vst v44  }
0xa6: {  	v50 =	vld [tilespmem:s31+$0x70];
	v8 =	vimm.s32 $0x5;
	v44 =	vperm.xlane v34, v5;
	[tilespmem:s9+$0xFFFFFFB0] =	vst v56;
	v56 =	vperm.xlane v17, v2  }
0xa7: {  	v58 =	vld [tilespmem:s31+$0x10];
	v39 =	vunpack.i.l.bf16.f32 v61;
	v61 =	vperm.xlane v34, v8;
	v51 =	vunpack.i.l.bf16.f32 v52  }
0xa8: {  	[tilespmem:s9+$0xFFFFFF00] =	vst v43;
	v52 =	vunpack.i.u.bf16.f32 v52;
	v51 =	vmul.f32 v53, v51;
	v53 =	vperm.xlane v42, v6  }
0xa9: {  	[tilespmem:s9+$0xFFFFFF10] =	vst v36;
	v49 =	vmul.f32 v57, v52;
	v52 =	vunpack.i.u.bf16.f32 v54;
	v54 =	vld [tilespmem:s29+$0xFFFFFFF0];
	v57 =	vunpack.i.l.bf16.f32 v59  }
0xaa: {  	v59 =	vmul.f32 $2.000000030e-01, v37;
	v47 =	vadd.f32 v47, v39;
	v39 =	vperm.xlane v42, v7;
	v42 =	vld [tilespmem:s31+$0xFFFFFF80]  }
0xab: {  	[tilespmem:s7+$0xFFFFFF70] =	vst v46;
	v62 =	vunpack.i.l.bf16.f32 v50;
	v46 =	vmul.f32 v55, v52;
	v52 =	vperm.xlane v34, v6  }
0xac: {  	v45 =	vunpack.i.u.bf16.f32 v58;
	[tilespmem:s7+$0x90] =	vst v48;
	v48 =	vperm.xlane v17, v0;
	v31 =	vmul.f32 v31, v62;
	v55 =	vld [tilespmem:s15+$0xFFFFFFA0]  }
0xad: {  	v36 =	vld [tilespmem:s29+$0xFFFFFFE0];
	v34 =	vperm.xlane v34, v7;
	v37 =	vsel vm1, v37, v59;
	v45 =	vmul.f32 v52, v45  }
0xae: {  	v43 =	vld [tilespmem:s20+$0xFFFFFFC0];
	v37 =	vmul.f32 $1.442695020e+00, v37;
	v52 =	vunpack.i.u.bf16.f32 v50;
	v54 =	vadd.f32 v54, v57  }
0xaf: {  	v57 =	vunpack.i.l.bf16.f32 v58;
	v0 =	vunpack.i.u.bf16.f32 v42;
	[tilespmem:s9+$0x30] =	vst v45;
	v45 =	vperm.xlane v17, v5  }
0xb0: {  	[tilespmem:s9+$0xFFFFFFC0] =	vst v41;
	v42 =	vunpack.i.l.bf16.f32 v42;
	v41 =	vmul.f32 v44, v57;
	v1 =	vmul.f32 $2.000000030e-01, v54  }
0xb1: {  	[tilespmem:s7+$0xFFFFFF60] =	vst v17;
	v44 =	vmul.f32 $2.000000030e-01, v47;
	v55 =	vunpack.i.l.bf16.f32 v55;
	vm2 =	vge.f32 v54, $0.0e+00  }
0xb2: {  	v40 =	vmul.f32 v40, v42;
	v58 =	vadd.f32 v36, v55;
	v36 =	vld [tilespmem:s31+$0xFFFFFFE0];
	[tilespmem:s9+$0x20] =	vst v41;
	v1 =	vsel vm2, v54, v1  }
0xb3: {  	[tilespmem:s7+$0xA0] =	vst v46;
	v57 =	vunpack.i.l.bf16.f32 v43;
	v32 =	vmul.f32 v32, v0;
	v55 =	vld [tilespmem:s31+$0x20];
	v46 =	vmul.f32 $1.442695020e+00, v1  }
0xb4: {  	v43 =	vunpack.i.u.bf16.f32 v43;
	v57 =	vmul.f32 v60, v57;
	vm2 =	vge.f32 v47, $0.0e+00;
	v54 =	vld [tilespmem:s20+$0xFFFFFF60]  }
0xb5: {  	[tilespmem:s7+$0x0] =	vst v51;
	v41 =	vsel vm2, v47, v44;
	v44 =	vld [tilespmem:s20+$0x60];
	v1 =	vmul.f32 $2.000000030e-01, v58;
	(erf) = vpow2.f32 v46  }
0xb6: {  	v43 =	vmul.f32 v53, v43;
	[tilespmem:s9+$0xFFFFFF20] =	vst v40;
	vm2 =	vge.f32 v58, $0.0e+00;
	v60 =	vmul.f32 $1.442695020e+00, v41  }
0xb7: {  	[tilespmem:s9+$0xFFFFFF30] =	vst v32;
	v51 =	vsel vm2, v58, v1;
	v59 =	vunpack.i.l.bf16.f32 v36;
	(erf) = vpow2.f32 v37  }
0xb8: {  	v32 =	vld [tilespmem:s31+$0xFFFFFF90];
	[tilespmem:s7+$0xFFFFFFA0] =	vst v43;
	v1 =	vimm.s32 $0x7;
	v46 =	vperm.xlane v35, v5;
	v27 =	vmul.f32 v27, v59  }
0xb9: {  	[tilespmem:s7+$0xFFFFFF90] =	vst v57;
	v58 =	vmul.f32 $1.442695020e+00, v51;
	v62 =	vunpack.i.l.bf16.f32 v55;
	v0 =	vunpack.i.u.bf16.f32 v54  }
0xba: {  	v53 =	vunpack.i.l.bf16.f32 v54;
	v47 =	vunpack.i.u.bf16.f32 v44;
	[tilespmem:s9+$0xFFFFFFD0] =	vst v27;
	v27 =	vmul.f32 v30, v52  }
0xbb: {  	[tilespmem:s9+$0xD0] =	vst v31;
	v50 =	vld [tilespmem:s20+$0xFFFFFFD0];
	(erf) = vpow2.f32 v58;
	v30 =	vunpack.i.u.bf16.f32 v55;
	v55 =	vmul.f32 v56, v0  }
0xbc: {  	v42 =	vunpack.i.l.bf16.f32 v44;
	(erf) = vpow2.f32 v60;
	v30 =	vmul.f32 v61, v30;
	[tilespmem:s9+$0xE0] =	vst v27  }
0xbd: {  	[tilespmem:s7+$0x10] =	vst v49;
	v54 =	vmul.f32 v48, v53;
	v56 =	vunpack.i.u.bf16.f32 v32;
	v0 =	vimm.s32 $0x0;
	v57 =	vld [tilespmem:s31+$0x80]  }
0xbe: {  	v58 =	vunpack.i.l.bf16.f32 v32;
	v59 =	vmul.f32 v33, v56;
	v51 =	vmul.f32 v38, v47;
	[tilespmem:s7+$0xFFFFFEF0] =	vst v55;
	v31 =	vpop (erf)  }
0xbf: {  	v60 =	vmul.f32 v24, v58;
	[tilespmem:s7+$0xFFFFFEE0] =	vst v54;
	v37 =	vnsel vm0, $0x0, v31;
	v31 =	vmul.f32 v34, v62  }
0xc0: {  	v48 =	vunpack.i.u.bf16.f32 v50;
	[tilespmem:s9+$0x50] =	vst v30;
	v30 =	vpop (erf);
	v44 =	vperm.xlane v37, v2;
	v27 =	vperm.xlane v37, v3  }
0xc1: {  	[tilespmem:s9+$0xFFFFFF40] =	vst v60;
	v33 =	vperm.xlane v37, v1;
	v32 =	vnsel vm0, $0x0, v30;
	v53 =	vperm.xlane v37, v0  }
0xc2: {  	s16 =	simm.s32 $0x42E0;
	v61 =	vunpack.i.u.bf16.f32 v57;
	[tilespmem:s9+$0x40] =	vst v31;
	v31 =	vperm.xlane v32, v7;
	v24 =	vperm.xlane v32, v1  }
0xc3: {  	[tilespmem:s16+$0xFFFFFFF0] =	vst v37;
	v41 =	vunpack.i.l.bf16.f32 v57;
	v43 =	vmul.f32 v26, v61;
	v49 =	vperm.xlane v32, v0;
	v52 =	vld [tilespmem:s31+$0x30]  }
0xc4: {  	[tilespmem:s9+$0xFFFFFF50] =	vst v59;
	v59 =	vunpack.i.l.bf16.f32 v50;
	v30 =	vpop (erf);
	v60 =	vmul.f32 v29, v41;
	v57 =	vld [tilespmem:s15+$0xFFFFFFB0];
	v26 =	vperm.xlane v32, v3  }
0xc5: {  	[tilespmem:s16+$0x110] =	vst v32;
	v50 =	vperm.xlane v32, v2;
	v34 =	vnsel vm0, $0x0, v30;
	v30 =	vperm.xlane v32, v8;
	v62 =	vpop (erf)  }
0xc6: {  	v47 =	vld [tilespmem:s20+$0xFFFFFF70];
	v35 =	vperm.xlane v34, v8;
	v40 =	vnsel vm0, $0x0, v62;
	v29 =	vperm.xlane v34, v3;
	[tilespmem:s9+$0x100] =	vst v43  }
0xc7: {  	v55 =	vld [tilespmem:s15+$0x50];
	[tilespmem:s16+$0x80] =	vst v40;
	v38 =	vperm.xlane v40, v1;
	v56 =	vperm.xlane v40, v0  }
0xc8: {  	s0 =	simm.s32 $0x8;
	s31 =	simm.s32 $0x5A0;
	[tilespmem:s9+$0xF0] =	vst v60;
	v41 =	vperm.xlane v40, v3;
	v54 =	vld [tilespmem:s15+$0x0];
	v58 =	vunpack.i.l.bf16.f32 v52;
	v52 =	vunpack.i.u.bf16.f32 v52  }
.LBB2_5:
0xc9: {  	v61 =	vperm.xlane v34, v6;
	v62 =	vunpack.i.u.bf16.f32 v57  }
0xca: {  	v60 =	vld [tilespmem:s31+$0x90];
	s0 =	sadd.s32 $0x4, s0;
	v43 =	vperm.xlane v32, v6;
	s29 =	sadd.s32 $0x40, s29;
	v4 =	vimm.s32 $0x1;
	v42 =	vmul.f32 v46, v42  }
0xcb: {  	v57 =	vunpack.i.l.bf16.f32 v57;
	v39 =	vmul.f32 v39, v59;
	p0 =	slt.u32 s0, $0x4C;
	v0 =	vperm.xlane v40, v4;
	v1 =	vld [tilespmem:s20+$0x10]  }
0xcc: {  	v48 =	vmul.f32 v28, v48;
	v53 =	vmul.f32 v53, v57;
	v57 =	vunpack.i.l.bf16.f32 v47;
	v46 =	vld [tilespmem:s29+$0x0];
	[tilespmem:s7+$0xC0] =	vst v51  }
0xcd: {  	v28 =	vperm.xlane v37, v8;
	v45 =	vmul.f32 v45, v57;
	v51 =	vld [tilespmem:s29+$0x10];
	v59 =	vunpack.i.u.bf16.f32 v54  }
0xce: {  	v54 =	vunpack.i.l.bf16.f32 v54;
	v2 =	vld [tilespmem:s31+$0x40];
	v3 =	vunpack.i.u.bf16.f32 v55;
	[tilespmem:s7+$0xFFFFFFB0] =	vst v39;
	v39 =	vmul.f32 v16, v58;
	v16 =	vmovc v11;
	v11 =	vmovc v41  }
0xcf: {  	v36 =	vunpack.i.u.bf16.f32 v36;
	v58 =	vperm.xlane v37, v5;
	v54 =	vmul.f32 v56, v54;
	v41 =	vld [tilespmem:s31+$0xFFFFFFF0];
	[tilespmem:s7+$0xFFFFFFC0] =	vst v48  }
0xd0: {  	v55 =	vunpack.i.l.bf16.f32 v55;
	v0 =	vmul.f32 v0, v59;
	v48 =	vld [tilespmem:s29+$0xFFFFFFF0];
	[tilespmem:s16+$0xFFFFFF70] =	vst v53;
	v53 =	vperm.xlane v37, v6  }
0xd1: {  	v56 =	vmul.f32 v12, v36;
	v49 =	vmul.f32 v49, v55;
	v55 =	vld [tilespmem:s20+$0xFFFFFFE0];
	[tilespmem:s9+$0x60] =	vst v39  }
0xd2: {  	v39 =	vmul.f32 v44, v62;
	v62 =	vimm.s32 $0x7;
	v44 =	vunpack.i.u.bf16.f32 v1;
	[tilespmem:s7+$0xB0] =	vst v42  }
0xd3: {  	v12 =	vmovc v9;
	v42 =	vunpack.i.u.bf16.f32 v47;
	v47 =	vunpack.i.l.bf16.f32 v60;
	[tilespmem:s7+$0xFFFFFF00] =	vst v45;
	v45 =	vperm.xlane v17, v7  }
0xd4: {  	v9 =	vmovc v33;
	v60 =	vimm.s32 $0x0;
	v41 =	vunpack.i.l.bf16.f32 v41;
	[tilespmem:s16+$0xFFFFFF80] =	vst v39;
	v39 =	vmul.f32 v25, v42;
	v25 =	vmovc v61  }
0xd5: {  	v57 =	vmul.f32 v15, v52;
	v3 =	vmul.f32 v50, v3;
	v33 =	vadd.f32 v51, v47;
	v47 =	vld [tilespmem:s20+$0x70];
	[tilespmem:s9+$0xFFFFFFE0] =	vst v56  }
0xd6: {  	v50 =	vperm.xlane v22, v5;
	v2 =	vunpack.i.l.bf16.f32 v2;
	v51 =	vperm.xlane v22, v6;
	v42 =	vld [tilespmem:s15+$0xFFFFFFC0];
	[tilespmem:s7+$0xFFFFFF10] =	vst v39;
	v36 =	vmovc v55  }
0xd7: {  	v15 =	vmovc v10;
	v10 =	vmovc v38;
	vm1 =	vge.f32 v33, $0.0e+00;
	v56 =	vperm.xlane v22, v8;
	v55 =	vmul.f32 $2.000000030e-01, v33;
	v52 =	vld [tilespmem:s31+$0xFFFFFFA0];
	[tilespmem:s9+$0x70] =	vst v57;
	s9 =	smov.u32 s7;
	s7 =	smov.u32 s16  }
0xd8: {  	v2 =	vadd.f32 v46, v2;
	v41 =	vadd.f32 v48, v41;
	v48 =	vperm.xlane v22, v7;
	v38 =	vld [tilespmem:s29+$0xFFFFFFE0];
	[tilespmem:s16+$0x0] =	vst v54  }
0xd9: {  	v1 =	vunpack.i.l.bf16.f32 v1;
	v39 =	vperm.xlane v37, v7;
	v54 =	vperm.xlane v17, v62;
	v17 =	vmovc v34;
	[tilespmem:s16+$0xA0] =	vst v3;
	v3 =	vld [tilespmem:s20+$0xFFFFFF80]  }
0xda: {  	v22 =	vmovc v40;
	v34 =	vmul.f32 $2.000000030e-01, v41;
	v37 =	vperm.xlane v17, v4;
	[tilespmem:s16+$0x90] =	vst v49;
	v46 =	vunpack.i.l.bf16.f32 v47  }
0xdb: {  	v40 =	vmul.f32 $2.000000030e-01, v2;
	vm2 =	vge.f32 v41, $0.0e+00;
	[tilespmem:s16+$0x10] =	vst v0;
	v0 =	vmul.f32 v50, v1  }
0xdc: {  	v34 =	vsel vm2, v41, v34;
	v41 =	vmul.f32 v51, v44;
	v1 =	vunpack.i.l.bf16.f32 v52  }
0xdd: {  	vm2 =	vge.f32 v2, $0.0e+00;
	v44 =	vperm.xlane v17, v60;
	v49 =	vunpack.i.l.bf16.f32 v42;
	[tilespmem:s9+$0x20] =	vst v0  }
0xde: {  	v0 =	vadd.f32 v38, v1;
	v1 =	vsel vm2, v2, v40;
	v2 =	vld [tilespmem:s15+$0x60];
	v38 =	vunpack.i.u.bf16.f32 v3;
	[tilespmem:s9+$0x30] =	vst v41  }
0xdf: {  	v34 =	vmul.f32 $1.442695020e+00, v34;
	v40 =	vunpack.i.u.bf16.f32 v42;
	v3 =	vunpack.i.l.bf16.f32 v3;
	v41 =	vld [tilespmem:s20+$0x20]  }
0xe0: {  	vm2 =	vge.f32 v0, $0.0e+00;
	v42 =	vmul.f32 $2.000000030e-01, v0;
	v3 =	vmul.f32 v45, v3;
	[tilespmem:s16+$0xFFFFFF60] =	vst v17  }
0xe1: {  	v33 =	vsel vm1, v33, v55;
	s16 =	sadd.s32 $0x240, s16;
	(erf) = vpow2.f32 v34;
	v34 =	vmul.f32 v58, v49  }
0xe2: {  	v33 =	vmul.f32 $1.442695020e+00, v33;
	v0 =	vsel vm2, v0, v42;
	v45 =	vld [tilespmem:s15+$0xFFFFFF60];
	[tilespmem:s9+$0xFFFFFF20] =	vst v3;
	v3 =	vmul.f32 v23, v38;
	v23 =	vmovc v35  }
0xe3: {  	v0 =	vmul.f32 $1.442695020e+00, v0;
	v35 =	vmul.f32 v53, v40;
	v38 =	vunpack.i.u.bf16.f32 v2  }
0xe4: {  	v42 =	vunpack.i.l.bf16.f32 v2;
	v2 =	vmul.f32 v20, v46;
	v20 =	vmovc v31;
	(erf) = vpow2.f32 v33;
	[tilespmem:s9+$0xFFFFFF30] =	vst v3  }
0xe5: {  	v3 =	vunpack.i.l.bf16.f32 v36;
	v31 =	vunpack.i.l.bf16.f32 v41;
	(erf) = vpow2.f32 v0;
	[tilespmem:s7+$0xFFFFFFA0] =	vst v35;
	v0 =	vld [tilespmem:s20+$0xFFFFFF90]  }
0xe6: {  	v1 =	vmul.f32 $1.442695020e+00, v1;
	v33 =	vunpack.i.u.bf16.f32 v41;
	v3 =	vmul.f32 v19, v3;
	v19 =	vmovc v27;
	[tilespmem:s7+$0xFFFFFF90] =	vst v34  }
0xe7: {  	v35 =	vunpack.i.u.bf16.f32 v47;
	v27 =	vunpack.i.u.bf16.f32 v45;
	v34 =	vunpack.i.l.bf16.f32 v45;
	v41 =	vld [tilespmem:s15+$0xFFFFFFD0]  }
0xe8: {  	(erf) = vpow2.f32 v1;
	[tilespmem:s9+$0xFFFFFFD0] =	vst v3;
	v1 =	vmul.f32 v18, v35;
	v18 =	vmov v30  }
0xe9: {  	v50 =	vimm.s32 $0x6;
	v3 =	vmul.f32 v44, v34;
	v27 =	vmul.f32 v37, v27;
	[tilespmem:s9+$0xD0] =	vst v2  }
0xea: {  	v46 =	vperm.xlane v32, v5;
	v32 =	vmul.f32 v56, v33;
	v2 =	vpop (erf);
	v30 =	vunpack.i.u.bf16.f32 v0;
	[tilespmem:s9+$0xE0] =	vst v1  }
0xeb: {  	v31 =	vmul.f32 v48, v31;
	v45 =	vperm.xlane v17, v5;
	v37 =	vnsel vm0, $0x0, v2;
	[tilespmem:s7+$0xFFFFFEF0] =	vst v27;
	v2 =	vld [tilespmem:s20+$0x80]  }
0xec: {  	v0 =	vunpack.i.l.bf16.f32 v0;
	v40 =	vmul.f32 v54, v30;
	v44 =	vperm.xlane v37, v4;
	[tilespmem:s9+$0x50] =	vst v32  }
0xed: {  	v27 =	vperm.xlane v37, v50;
	v33 =	vperm.xlane v37, v62;
	v48 =	vunpack.i.u.bf16.f32 v41;
	v30 =	vpop (erf);
	[tilespmem:s9+$0x40] =	vst v31  }
0xee: {  	v51 =	vmul.f32 v43, v38;
	v0 =	vmul.f32 v21, v0;
	[tilespmem:s16+$0xFFFFFFF0] =	vst v37;
	v32 =	vnsel vm0, $0x0, v30;
	v1 =	vpop (erf)  }
0xef: {  	v21 =	vmovc v29;
	v34 =	vnsel vm0, $0x0, v1;
	v31 =	vperm.xlane v32, v7;
	v30 =	vperm.xlane v32, v8;
	[tilespmem:s7+$0xFFFFFEE0] =	vst v3;
	v1 =	vld [tilespmem:s20+$0x30];
	s20 =	smov.u32 s15;
	s15 =	smov.u32 s31  }
0xf0: {  	v53 =	vperm.xlane v37, v60;
	v3 =	vperm.xlane v32, v62;
	v47 =	vld [tilespmem:s20+$0xFFFFFF70];
	[tilespmem:s9+$0xFFFFFF40] =	vst v0;
	v0 =	vunpack.i.u.bf16.f32 v2  }
.Ltmp1:
0xf1: {  	v35 =	vperm.xlane v34, v8;
	v2 =	vunpack.i.l.bf16.f32 v2;
	v57 =	vld [tilespmem:s31+$0xFFFFFFB0];
	v29 =	vpop (erf);
	[tilespmem:s9+$0xFFFFFF50] =	vst v40;
	v0 =	vmul.f32 v13, v0;
	(pc) =	sbr.rel @p0 .LBB2_5-.Ltmp1, $4  }
0xf2: {  	v49 =	vperm.xlane v32, v60;
	v2 =	vmul.f32 v14, v2;
	v13 =	vmovc v24;
	v40 =	vnsel vm0, $0x0, v29;
	[tilespmem:s16+$0x110] =	vst v32  }
0xf3: {  	v59 =	vunpack.i.l.bf16.f32 v41;
	v43 =	vperm.xlane v32, v50;
	v24 =	vmovc v3;
	[tilespmem:s16+$0x80] =	vst v40;
	v38 =	vperm.xlane v40, v62  }
0xf4: {  	v14 =	vmovc v26;
	v29 =	vperm.xlane v34, v50;
	v56 =	vperm.xlane v40, v60;
	v54 =	vld [tilespmem:s31+$0x0];
	v58 =	vunpack.i.l.bf16.f32 v1;
	[tilespmem:s9+$0x100] =	vst v0  }
0xf5: {  	v26 =	vmovc v43;
	v41 =	vperm.xlane v40, v50;
	v50 =	vperm.xlane v32, v4;
	s31 =	sadd.s32 $0x140, s31;
	v52 =	vunpack.i.u.bf16.f32 v1;
	v55 =	vld [tilespmem:s15+$0x50];
	[tilespmem:s9+$0xF0] =	vst v2  }
0xf6: {  	v0 =	vmul.f32 v39, v59;
	[tilespmem:s7+$0xC0] =	vst v51  }
0xf7: {  	v1 =	vunpack.i.l.bf16.f32 v57;
	v2 =	vmul.f32 v28, v48;
	[tilespmem:s16+$0xFFFFFF60] =	vst v34  }
0xf8: {  	v1 =	vmul.f32 v53, v1;
	[tilespmem:s7+$0xFFFFFFB0] =	vst v0  }
0xf9: {  	v53 =	vmul.f32 v16, v58;
	[tilespmem:s7+$0xFFFFFFC0] =	vst v2  }
0xfa: {  	v3 =	vunpack.i.l.bf16.f32 v47;
	v58 =	vmul.f32 v46, v42;
	[tilespmem:s16+$0xFFFFFF70] =	vst v1  }
0xfb: {  	v59 =	vunpack.i.u.bf16.f32 v57;
	v3 =	vmul.f32 v45, v3;
	[tilespmem:s9+$0x60] =	vst v53  }
0xfc: {  	v39 =	vunpack.i.u.bf16.f32 v47;
	v61 =	vmul.f32 v44, v59;
	[tilespmem:s7+$0xB0] =	vst v58  }
0xfd: {  	v42 =	vmul.f32 v25, v39;
	[tilespmem:s7+$0xFFFFFF00] =	vst v3  }
0xfe: {  	v36 =	vunpack.i.u.bf16.f32 v36;
	v43 =	vld [tilespmem:s20+$0x10];
	v44 =	vmul.f32 v15, v52;
	[tilespmem:s16+$0xFFFFFF80] =	vst v61  }
0xff: {  	v1 =	vmul.f32 v12, v36;
	v3 =	vunpack.i.l.bf16.f32 v54;
	[tilespmem:s7+$0xFFFFFF10] =	vst v42  }
0x100: {  	[tilespmem:s9+$0x70] =	vst v44;
	v61 =	vimm.s32 $0x1;
	v3 =	vmul.f32 v56, v3;
	v45 =	vunpack.i.u.bf16.f32 v55;
	v46 =	vld [tilespmem:s20+$0xFFFFFF80]  }
0x101: {  	v12 =	vperm.xlane v40, v61;
	v15 =	vunpack.i.l.bf16.f32 v55;
	[tilespmem:s9+$0xFFFFFFE0] =	vst v1;
	v0 =	vmul.f32 v50, v45  }
0x102: {  	v25 =	vperm.xlane v22, v5;
	v16 =	vld [tilespmem:s15+$0xFFFFFFC0];
	v15 =	vmul.f32 v49, v15;
	[tilespmem:s16+$0x0] =	vst v3;
	v3 =	vunpack.i.u.bf16.f32 v54  }
0x103: {  	v28 =	vld [tilespmem:s15+$0xFFFFFF60];
	v47 =	vunpack.i.l.bf16.f32 v43;
	v3 =	vmul.f32 v12, v3;
	v12 =	vperm.xlane v22, v6;
	[tilespmem:s16+$0xA0] =	vst v0  }
0x104: {  	v48 =	vperm.xlane v17, v7;
	v2 =	vunpack.i.u.bf16.f32 v43;
	[tilespmem:s16+$0x90] =	vst v15;
	v0 =	vmul.f32 v25, v47  }
0x105: {  	[tilespmem:s16+$0x10] =	vst v3;
	v2 =	vmul.f32 v12, v2;
	v3 =	vunpack.i.l.bf16.f32 v46  }
0x106: {  	v15 =	vld [tilespmem:s20+$0xFFFFFFE0];
	v12 =	vperm.xlane v37, v6;
	[tilespmem:s7+$0x20] =	vst v0;
	v49 =	vunpack.i.u.bf16.f32 v46;
	v50 =	vmul.f32 v48, v3  }
0x107: {  	v25 =	vperm.xlane v34, v61;
	v51 =	vunpack.i.u.bf16.f32 v16;
	v3 =	vld [tilespmem:s20+$0x70];
	v0 =	vmul.f32 v23, v49;
	[tilespmem:s7+$0x30] =	vst v2  }
0x108: {  	v53 =	vunpack.i.u.bf16.f32 v28;
	v23 =	vperm.xlane v34, v60;
	v52 =	vmul.f32 v12, v51;
	[tilespmem:s7+$0xFFFFFF20] =	vst v50  }
0x109: {  	v55 =	vunpack.i.l.bf16.f32 v28;
	v12 =	vperm.xlane v37, v5;
	v2 =	vmul.f32 v25, v53;
	v54 =	vld [tilespmem:s20+$0x20];
	[tilespmem:s7+$0xFFFFFF30] =	vst v0  }
0x10a: {  	v16 =	vunpack.i.l.bf16.f32 v16;
	v0 =	vmul.f32 v23, v55;
	[tilespmem:s16+$0xFFFFFFA0] =	vst v52  }
0x10b: {  	v56 =	vmul.f32 v12, v16;
	v12 =	vld [tilespmem:s20+$0xFFFFFF90];
	v16 =	vunpack.i.l.bf16.f32 v15;
	[tilespmem:s16+$0xFFFFFEF0] =	vst v2  }
0x10c: {  	v16 =	vmul.f32 v19, v16;
	[tilespmem:s16+$0xFFFFFEE0] =	vst v0;
	v57 =	vunpack.i.l.bf16.f32 v3  }
0x10d: {  	v58 =	vperm.xlane v22, v8;
	[tilespmem:s16+$0xFFFFFF90] =	vst v56;
	v59 =	vunpack.i.u.bf16.f32 v3;
	v3 =	vld [tilespmem:s15+$0xFFFFFF70];
	v2 =	vmul.f32 v20, v57  }
0x10e: {  	v19 =	vperm.xlane v22, v7;
	[tilespmem:s7+$0xFFFFFFD0] =	vst v16;
	v1 =	vmul.f32 v18, v59;
	v20 =	vunpack.i.u.bf16.f32 v54  }
0x10f: {  	v16 =	vld [tilespmem:s15+$0x60];
	v18 =	vunpack.i.l.bf16.f32 v54;
	[tilespmem:s7+$0xD0] =	vst v2;
	v0 =	vmul.f32 v58, v20  }
0x110: {  	v39 =	vperm.xlane v17, v62;
	[tilespmem:s7+$0xE0] =	vst v1;
	v42 =	vmul.f32 v19, v18;
	v17 =	vunpack.i.l.bf16.f32 v12  }
0x111: {  	v12 =	vunpack.i.u.bf16.f32 v12;
	v18 =	vperm.xlane v34, v5;
	v43 =	vmul.f32 v21, v17;
	v17 =	vld [tilespmem:s15+$0x10];
	[tilespmem:s7+$0x50] =	vst v0  }
0x112: {  	v19 =	vperm.xlane v34, v6;
	v2 =	vmul.f32 v39, v12;
	[tilespmem:s7+$0x40] =	vst v42;
	v44 =	vunpack.i.l.bf16.f32 v3  }
0x113: {  	v12 =	vperm.xlane v32, v6;
	v20 =	vld [tilespmem:s20+$0x80];
	v46 =	vunpack.i.u.bf16.f32 v3;
	[tilespmem:s7+$0xFFFFFF40] =	vst v43;
	v45 =	vmul.f32 v18, v44  }
0x114: {  	v3 =	vunpack.i.u.bf16.f32 v16;
	v18 =	vperm.xlane v32, v5;
	[tilespmem:s7+$0xFFFFFF50] =	vst v2;
	v1 =	vmul.f32 v19, v46  }
0x115: {  	v48 =	vperm.xlane v40, v5;
	v47 =	vunpack.i.l.bf16.f32 v16;
	v16 =	vld [tilespmem:s15+$0xFFFFFFD0];
	v3 =	vmul.f32 v12, v3;
	[tilespmem:s16+$0xFFFFFF00] =	vst v45  }
0x116: {  	v49 =	vperm.xlane v40, v6;
	v2 =	vmul.f32 v18, v47;
	[tilespmem:s16+$0xFFFFFF10] =	vst v1;
	v12 =	vunpack.i.l.bf16.f32 v17  }
0x117: {  	[tilespmem:s16+$0xC0] =	vst v3;
	v3 =	vunpack.i.u.bf16.f32 v17;
	v17 =	vld [tilespmem:s15+$0xFFFFFF80];
	v0 =	vmul.f32 v48, v12  }
0x118: {  	v12 =	vunpack.i.u.bf16.f32 v20;
	[tilespmem:s16+$0xB0] =	vst v2;
	v1 =	vmul.f32 v49, v3  }
0x119: {  	v50 =	vperm.xlane v37, v7;
	v3 =	vunpack.i.l.bf16.f32 v20;
	v12 =	vmul.f32 v13, v12;
	v13 =	vld [tilespmem:s15+$0x70];
	[tilespmem:s16+$0x20] =	vst v0  }
0x11a: {  	v51 =	vperm.xlane v37, v8;
	v3 =	vmul.f32 v14, v3;
	v14 =	vunpack.i.l.bf16.f32 v16;
	[tilespmem:s16+$0x30] =	vst v1  }
0x11b: {  	v52 =	vunpack.i.u.bf16.f32 v16;
	v2 =	vmul.f32 v50, v14;
	[tilespmem:s7+$0x100] =	vst v12;
	v12 =	vperm.xlane v34, v7;
	v14 =	vld [tilespmem:s15+$0x20]  }
0x11c: {  	v0 =	vmul.f32 v51, v52;
	[tilespmem:s7+$0xF0] =	vst v3;
	v53 =	vunpack.i.l.bf16.f32 v17  }
0x11d: {  	v3 =	vld [tilespmem:s20+$0x30];
	[tilespmem:s16+$0xFFFFFFB0] =	vst v2;
	v54 =	vunpack.i.u.bf16.f32 v17;
	v1 =	vmul.f32 v12, v53  }
0x11e: {  	[tilespmem:s16+$0xFFFFFFC0] =	vst v0;
	v2 =	vmul.f32 v35, v54;
	v55 =	vunpack.i.l.bf16.f32 v13  }
0x11f: {  	v12 =	vperm.xlane v40, v8;
	v56 =	vunpack.i.u.bf16.f32 v13;
	[tilespmem:s16+$0xFFFFFF20] =	vst v1;
	v0 =	vmul.f32 v31, v55  }
0x120: {  	v16 =	vperm.xlane v40, v7;
	v13 =	vld [tilespmem:s15+$0xFFFFFFE0];
	[tilespmem:s16+$0xFFFFFF30] =	vst v2;
	v1 =	vmul.f32 v30, v56;
	v57 =	vunpack.i.u.bf16.f32 v14  }
0x121: {  	v17 =	vld [tilespmem:s15+$0xFFFFFF90];
	v14 =	vunpack.i.l.bf16.f32 v14;
	[tilespmem:s16+$0xD0] =	vst v0;
	v58 =	vmul.f32 v12, v57  }
0x122: {  	v59 =	vunpack.i.l.bf16.f32 v3;
	[tilespmem:s16+$0xE0] =	vst v1;
	v32 =	vmul.f32 v16, v14  }
0x123: {  	v2 =	vmul.f32 v11, v59;
	v11 =	vunpack.i.u.bf16.f32 v15;
	v12 =	vld [tilespmem:s15+$0x80];
	[tilespmem:s16+$0x50] =	vst v58  }
0x124: {  	v35 =	vunpack.i.u.bf16.f32 v3;
	v3 =	vmul.f32 v9, v11;
	[tilespmem:s16+$0x40] =	vst v32  }
0x125: {  	v0 =	vmul.f32 v10, v35;
	[tilespmem:s7+$0x60] =	vst v2;
	v36 =	vunpack.i.l.bf16.f32 v13;
	v37 =	vld [tilespmem:s15+$0x30]  }
0x126: {  	[tilespmem:s7+$0xFFFFFFE0] =	vst v3;
	v3 =	vperm.xlane v34, v62;
	v1 =	vmul.f32 v27, v36;
	v9 =	vunpack.i.l.bf16.f32 v17  }
0x127: {  	[tilespmem:s7+$0x70] =	vst v0;
	v39 =	vunpack.i.u.bf16.f32 v17;
	v9 =	vmul.f32 v29, v9  }
0x128: {  	[tilespmem:s16+$0xFFFFFFD0] =	vst v1;
	v0 =	vmul.f32 v3, v39;
	v40 =	vunpack.i.u.bf16.f32 v12  }
0x129: {  	v3 =	vunpack.i.l.bf16.f32 v12;
	[tilespmem:s16+$0xFFFFFF40] =	vst v9;
	v1 =	vmul.f32 v24, v40  }
0x12a: {  	[tilespmem:s16+$0xFFFFFF50] =	vst v0;
	v42 =	vmul.f32 v26, v3;
	v3 =	vunpack.i.l.bf16.f32 v37  }
0x12b: {  	v2 =	vunpack.i.u.bf16.f32 v37;
	[tilespmem:s16+$0x100] =	vst v1;
	v43 =	vmul.f32 v41, v3  }
0x12c: {  	v3 =	vunpack.i.u.bf16.f32 v13;
	[tilespmem:s16+$0xF0] =	vst v42;
	v45 =	vmul.f32 v38, v2  }
0x12d: {  	v44 =	vmul.f32 v33, v3;
	[tilespmem:s16+$0x60] =	vst v43  }
0x12e: {  	p0 =	seq.s32 s19, $0x0;
	[tilespmem:s16+$0x70] =	vst v45  }
0x12f: {  	s0 =	simm.s32 @!p0 $0x6;
	[tilespmem:s16+$0xFFFFFFE0] =	vst v44  }
0x130: {  	_ =	swait.ge @!p0 [sflag:s0], $0x2D00  }
0x131: {  	[sflag:s0] =	ssyncset.done @!p0 $0x0  }
0x132: {  	[sflag:s0] =	ssyncadd.s32 @!p0 $0xFFFFD300  }
0x133: {  	v46 =	vld [tilespmem:$0x50]  }
0x134: {  	v47 =	vld [tilespmem:$0x60]  }
0x135: {  	v48 =	vld [tilespmem:$0x70]  }
0x136: {  	v3 =	vld [tilespmem:$0x80]  }
0x137: {  	v9 =	vld [tilespmem:$0x90]  }
0x138: {  	[tilespmem:$0x9740] =	vst v46  }
0x139: {  	s20 =	smul.u32 $0xA0, s19;
	[tilespmem:$0x9750] =	vst v47  }
0x13a: {  	[tilespmem:$0x9760] =	vst v48  }
0x13b: {  	s9 =	sadd.s32 s20, s17;
	[tilespmem:$0x9770] =	vst v3  }
0x13c: {  	s0 =	sshrl.u32 s9, $0x3;
	[tilespmem:$0x9780] =	vst v9  }
0x13d: {  	[spmem:s3] =	stream.indirect.scatter.add.f32 [tilespmem:s28], [sflag:$0x5], $0x90, s10, s21, $0xb8;
	v63 =	vld [tilespmem:$0x0]  }
0x13e: {  	s0 =	sadd.s32 s5, s0  }
0x13f: {  	[tilespmem:s4], [sflag:$0x1] =	stream.strided.gather [hbm4b:s0+s21], $0xA0, s22, s21, $0x38;
	v63 =	vld [tilespmem:$0x0]  }
0x140: {  	_ =	swait.ge [sflag:s23], $0xA0  }
0x141: {  	[sflag:s23] =	ssyncset.done $0x0  }
0x142: {  	[sflag:s23] =	ssyncadd.s32 $0xFFFFFF60  }
0x143: {  	[tilespmem:s24], [sflag:$0x3] =	stream.indirect.gather [hbm4b:s2+s21], $0x50, s4, s21, $0xb8;
	v63 =	vld [tilespmem:$0x0]  }
0x144: {  	_ = 	snop  }
0x145: {  	[tilespmem:s25], [sflag:$0x3] =	stream.indirect.gather [hbm4b:s6+s21], $0x10, s21, s21, $0xb8;
	v63 =	vld [tilespmem:$0x0]  }
0x146: {  	_ =	swait.ge [sflag:s11], $0x1900  }
0x147: {  	[sflag:s11] =	ssyncset.done $0x0  }
0x148: {  	[sflag:s11] =	ssyncadd.s32 $0xFFFFE700  }
0x149: {  	_ =	swait.ge [sflag:s11], $0x500  }
0x14a: {  	[sflag:s11] =	ssyncset.done $0x0  }
0x14b: {  	s0 =	simm.s32 $0x1FE0;
	[sflag:s11] =	ssyncadd.s32 $0xFFFFFB00  }
0x14c: {  	s1 =	simm.s32 $0x3860;
	v50 =	vld [tilespmem:s0+$0xFFFFFFF0]  }
0x14d: {  	v51 =	vld [tilespmem:s1+$0xFFFFFFF0]  }
0x14e: {  	v49 =	vld [tilespmem:s0+$0x90]  }
0x14f: {  	v3 =	vld [tilespmem:s1+$0x10];
	_ =	sdelay $0x1  }
0x150: {  	v9 =	vld [tilespmem:s0+$0x40];
	v1 =	vunpack.i.l.bf16.f32 v50  }
0x151: {  	v1 =	vadd.f32 v51, v1  }
0x152: {  	v10 =	vld [tilespmem:s0+$0xFFFFFFA0];
	v0 =	vunpack.i.l.bf16.f32 v49  }
0x153: {  	v11 =	vld [tilespmem:s1+$0xFFFFFFE0];
	v0 =	vadd.f32 v3, v0;
	v3 =	vmul.f32 $2.000000030e-01, v1  }
0x154: {  	vm1 =	vge.f32 v1, $0.0e+00  }
0x155: {  	v12 =	vld [tilespmem:s1+$0x0];
	v52 =	vunpack.i.l.bf16.f32 v9;
	v9 =	vmul.f32 $2.000000030e-01, v0;
	v1 =	vsel vm1, v1, v3  }
0x156: {  	vm2 =	vge.f32 v0, $0.0e+00;
	v1 =	vmul.f32 $1.442695020e+00, v1  }
0x157: {  	v10 =	vunpack.i.l.bf16.f32 v10;
	v0 =	vsel vm2, v0, v9  }
0x158: {  	v3 =	vadd.f32 v11, v10;
	v0 =	vmul.f32 $1.442695020e+00, v0;
	(erf) = vpow2.f32 v1  }
0x159: {  	s7 =	simm.s32 $0x2120  }
0x15a: {  	s15 =	simm.s32 $0x38A0;
	v13 =	vld [tilespmem:s7+$0x90];
	v2 =	vadd.f32 v12, v52;
	v9 =	vmul.f32 $2.000000030e-01, v3;
	(erf) = vpow2.f32 v0  }
0x15b: {  	v20 =	vld [tilespmem:s15+$0x10];
	vm1 =	vge.f32 v3, $0.0e+00  }
0x15c: {  	v10 =	vmul.f32 $2.000000030e-01, v2;
	v53 =	vsel vm1, v3, v9  }
0x15d: {  	vm2 =	vge.f32 v2, $0.0e+00;
	v1 =	vmul.f32 $1.442695020e+00, v53  }
0x15e: {  	v54 =	vsel vm2, v2, v10  }
0x15f: {  	v13 =	vunpack.i.l.bf16.f32 v13;
	v0 =	vmul.f32 $1.442695020e+00, v54;
	(erf) = vpow2.f32 v1  }
0x160: {  	v13 =	vadd.f32 v20, v13  }
0x161: {  	(erf) = vpow2.f32 v0;
	v55 =	vpop (erf)  }
0x162: {  	v4 =	vimm.s32 $0x6;
	v53 =	vmul.f32 $2.000000030e-01, v13;
	v0 =	vnsel vm0, $0x0, v55  }
0x163: {  	s16 =	simm.s32 $0x6B60;
	v56 =	vpop (erf);
	v57 =	vperm.xlane v0, v61;
	v27 =	vperm.xlane v0, v4  }
0x164: {  	[tilespmem:s16+$0xFFFFFFF0] =	vst v0;
	v1 =	vnsel vm0, $0x0, v56;
	v12 =	vperm.xlane v0, v62;
	v59 =	vperm.xlane v0, v8  }
0x165: {  	v52 =	vperm.xlane v0, v5;
	v3 =	vld [tilespmem:s0+$0xFFFFFFB0];
	v31 =	vperm.xlane v1, v7  }
0x166: {  	v17 =	vld [tilespmem:s7+$0xFFFFFFF0];
	v30 =	vperm.xlane v1, v8;
	v26 =	vperm.xlane v1, v62  }
0x167: {  	v18 =	vld [tilespmem:s15+$0xFFFFFFF0];
	v14 =	vperm.xlane v1, v60;
	v29 =	vperm.xlane v1, v4  }
0x168: {  	v28 =	vld [tilespmem:s7+$0xFFFFFFA0];
	v21 =	vperm.xlane v1, v61;
	v25 =	vperm.xlane v1, v6;
	v9 =	vpop (erf)  }
0x169: {  	v22 =	vld [tilespmem:s7+$0x40];
	[tilespmem:s16+$0x110] =	vst v1;
	v1 =	vperm.xlane v1, v5;
	v33 =	vnsel vm0, $0x0, v9;
	v9 =	vperm.xlane v0, v60  }
0x16a: {  	v11 =	vpop (erf);
	v32 =	vperm.xlane v33, v8;
	v23 =	vunpack.i.u.bf16.f32 v3;
	v3 =	vunpack.i.l.bf16.f32 v3  }
0x16b: {  	v10 =	vld [tilespmem:s0+$0x50];
	v34 =	vnsel vm0, $0x0, v11;
	v3 =	vmul.f32 v9, v3;
	v9 =	vunpack.i.l.bf16.f32 v17  }
0x16c: {  	v24 =	vperm.xlane v33, v4;
	v36 =	vperm.xlane v33, v6;
	v17 =	vld [tilespmem:s15+$0xFFFFFFE0];
	v9 =	vadd.f32 v18, v9  }
0x16d: {  	v28 =	vunpack.i.l.bf16.f32 v28;
	v11 =	vld [tilespmem:s15+$0x0];
	v40 =	vperm.xlane v33, v5;
	v15 =	vperm.xlane v34, v62  }
0x16e: {  	v20 =	vunpack.i.l.bf16.f32 v22;
	v19 =	vperm.xlane v34, v60;
	v22 =	vmul.f32 $2.000000030e-01, v9  }
0x16f: {  	v16 =	vperm.xlane v34, v4;
	v58 =	vperm.xlane v34, v61;
	vm1 =	vge.f32 v9, $0.0e+00  }
0x170: {  	v2 =	vmul.f32 v57, v23;
	v18 =	vunpack.i.u.bf16.f32 v10;
	v9 =	vsel vm1, v9, v22  }
0x171: {  	v10 =	vunpack.i.l.bf16.f32 v10;
	v17 =	vadd.f32 v17, v28;
	v9 =	vmul.f32 $1.442695020e+00, v9  }
0x172: {  	[tilespmem:s16+$0x80] =	vst v34;
	v11 =	vadd.f32 v11, v20;
	v54 =	vmul.f32 v21, v18;
	vm1 =	vge.f32 v13, $0.0e+00  }
0x173: {  	v20 =	vld [tilespmem:s0+$0x0];
	[tilespmem:s16+$0xFFFFFF70] =	vst v3;
	v13 =	vsel vm1, v13, v53;
	v23 =	vmul.f32 $2.000000030e-01, v17;
	(erf) = vpow2.f32 v9  }
0x174: {  	[tilespmem:s16+$0xFFFFFF80] =	vst v2;
	v22 =	vmul.f32 $2.000000030e-01, v11;
	vm1 =	vge.f32 v17, $0.0e+00;
	v3 =	vmul.f32 $1.442695020e+00, v13  }
0x175: {  	[tilespmem:s16+$0xFFFFFF60] =	vst v33;
	v10 =	vmul.f32 v14, v10;
	vm2 =	vge.f32 v11, $0.0e+00;
	v13 =	vld [tilespmem:s0+$0xFFFFFFC0];
	v9 =	vsel vm1, v17, v23  }
0x176: {  	v14 =	vld [tilespmem:s0+$0xFFFFFF60];
	v11 =	vsel vm2, v11, v22;
	(erf) = vpow2.f32 v3;
	v9 =	vmul.f32 $1.442695020e+00, v9  }
0x177: {  	[tilespmem:s16+$0x90] =	vst v10;
	v10 =	vperm.xlane v33, v61;
	v11 =	vmul.f32 $1.442695020e+00, v11  }
0x178: {  	[tilespmem:s16+$0xA0] =	vst v54;
	v55 =	vunpack.i.u.bf16.f32 v20;
	v17 =	vperm.xlane v33, v60;
	(erf) = vpow2.f32 v9  }
0x179: {  	v2 =	vmul.f32 v58, v55;
	v3 =	vunpack.i.l.bf16.f32 v20;
	(erf) = vpow2.f32 v11;
	v11 =	vld [tilespmem:s0+$0x60]  }
0x17a: {  	v3 =	vmul.f32 v19, v3;
	v9 =	vperm.xlane v0, v6;
	v18 =	vunpack.i.l.bf16.f32 v13  }
0x17b: {  	v19 =	vunpack.i.l.bf16.f32 v14;
	v13 =	vunpack.i.u.bf16.f32 v13;
	v18 =	vmul.f32 v52, v18  }
0x17c: {  	[tilespmem:s16+$0x10] =	vst v2;
	v9 =	vmul.f32 v9, v13;
	v13 =	vunpack.i.u.bf16.f32 v14;
	v14 =	vmul.f32 v17, v19;
	v17 =	vpop (erf)  }
0x17d: {  	s9 =	simm.s32 $0x2260;
	v0 =	vperm.xlane v0, v7;
	[tilespmem:s16+$0x0] =	vst v3;
	v10 =	vmul.f32 v10, v13;
	v39 =	vnsel vm0, $0x0, v17  }
0x17e: {  	v2 =	vld [tilespmem:s9+$0x90];
	[tilespmem:s16+$0xFFFFFF90] =	vst v18;
	v13 =	vunpack.i.u.bf16.f32 v11;
	v41 =	vperm.xlane v39, v61;
	v19 =	vperm.xlane v39, v4  }
0x17f: {  	v54 =	vld [tilespmem:s0+$0x10];
	[tilespmem:s16+$0xFFFFFFA0] =	vst v9;
	v17 =	vpop (erf);
	v57 =	vunpack.i.l.bf16.f32 v11;
	v9 =	vperm.xlane v39, v62;
	v42 =	vmul.f32 v25, v13  }
0x180: {  	[tilespmem:s16+$0xFFFFFEE0] =	vst v14;
	v28 =	vld [tilespmem:s0+$0xFFFFFFD0];
	v35 =	vnsel vm0, $0x0, v17;
	v43 =	vperm.xlane v39, v60;
	v1 =	vmul.f32 v1, v57  }
0x181: {  	s15 =	simm.s32 $0x6DA0;
	[tilespmem:s16+$0xFFFFFEF0] =	vst v10;
	v20 =	vperm.xlane v35, v7;
	v18 =	vperm.xlane v35, v8  }
0x182: {  	[tilespmem:s15+$0xFFFFFFF0] =	vst v39;
	v13 =	vperm.xlane v35, v62;
	v45 =	vperm.xlane v35, v60  }
0x183: {  	v2 =	vunpack.i.l.bf16.f32 v2;
	v47 =	vld [tilespmem:s0+$0xFFFFFF70];
	v14 =	vperm.xlane v35, v4;
	v52 =	vperm.xlane v35, v61;
	[tilespmem:s16+$0xC0] =	vst v42  }
0x184: {  	v38 =	vperm.xlane v35, v6;
	v17 =	vpop (erf);
	v42 =	vunpack.i.u.bf16.f32 v54;
	[tilespmem:s16+$0xB0] =	vst v1;
	v1 =	vperm.xlane v33, v7  }
0x185: {  	v56 =	vld [tilespmem:s7+$0xFFFFFFB0];
	v33 =	vperm.xlane v33, v62;
	v17 =	vnsel vm0, $0x0, v17;
	v21 =	vpop (erf);
	v3 =	vunpack.i.l.bf16.f32 v28  }
0x186: {  	[tilespmem:s15+$0x110] =	vst v35;
	v23 =	vperm.xlane v17, v8;
	v22 =	vnsel vm0, $0x0, v21;
	v21 =	vperm.xlane v17, v4  }
0x187: {  	v51 =	vld [tilespmem:s7+$0x50];
	v58 =	vunpack.i.u.bf16.f32 v28;
	v25 =	vperm.xlane v17, v6;
	v0 =	vmul.f32 v0, v3  }
0x188: {  	s31 =	simm.s32 $0x38E0;
	v46 =	vunpack.i.l.bf16.f32 v47;
	v37 =	vmul.f32 v59, v58;
	v10 =	vperm.xlane v22, v62  }
0x189: {  	v3 =	vld [tilespmem:s31+$0x10];
	v47 =	vunpack.i.u.bf16.f32 v47;
	v50 =	vperm.xlane v22, v60;
	v11 =	vperm.xlane v22, v4  }
0x18a: {  	v57 =	vld [tilespmem:s9+$0x40];
	[tilespmem:s15+$0x80] =	vst v22;
	v53 =	vperm.xlane v22, v61;
	v40 =	vmul.f32 v40, v46;
	v28 =	vunpack.i.l.bf16.f32 v56  }
0x18b: {  	v49 =	vld [tilespmem:s7+$0x0];
	v44 =	vunpack.i.u.bf16.f32 v56;
	v56 =	vperm.xlane v39, v5;
	[tilespmem:s16+$0xFFFFFFB0] =	vst v0;
	v0 =	vperm.xlane v17, v61  }
0x18c: {  	v43 =	vmul.f32 v43, v28;
	v28 =	vperm.xlane v39, v8;
	v58 =	vunpack.i.l.bf16.f32 v51  }
0x18d: {  	v55 =	vld [tilespmem:s9+$0xFFFFFFF0];
	v59 =	vunpack.i.u.bf16.f32 v51;
	v41 =	vmul.f32 v41, v44;
	v45 =	vmul.f32 v45, v58  }
0x18e: {  	v44 =	vld [tilespmem:s31+$0x0];
	v2 =	vadd.f32 v3, v2;
	[tilespmem:s15+$0xFFFFFF70] =	vst v43;
	v3 =	vmul.f32 v36, v47;
	v36 =	vmul.f32 v52, v59  }
0x18f: {  	v51 =	vld [tilespmem:s31+$0xFFFFFFF0];
	v47 =	vunpack.i.l.bf16.f32 v57;
	[tilespmem:s15+$0xFFFFFF80] =	vst v41;
	v41 =	vperm.xlane v34, v5;
	v57 =	vperm.xlane v34, v8  }
0x190: {  	v43 =	vld [tilespmem:s0+$0x70];
	[tilespmem:s15+$0x90] =	vst v45;
	v45 =	vperm.xlane v17, v60;
	v48 =	vunpack.i.l.bf16.f32 v49;
	v49 =	vunpack.i.u.bf16.f32 v49  }
0x191: {  	[tilespmem:s16+$0xFFFFFFC0] =	vst v37;
	v52 =	vld [tilespmem:s9+$0xFFFFFFA0];
	vm1 =	vge.f32 v2, $0.0e+00;
	v48 =	vmul.f32 v50, v48;
	v50 =	vperm.xlane v39, v6  }
0x192: {  	[tilespmem:s16+$0xFFFFFF00] =	vst v40;
	v40 =	vld [tilespmem:s7+$0xFFFFFFC0];
	v46 =	vmul.f32 v53, v49;
	v53 =	vunpack.i.l.bf16.f32 v55;
	v49 =	vperm.xlane v34, v6  }
0x193: {  	[tilespmem:s16+$0xFFFFFF10] =	vst v3;
	v3 =	vld [tilespmem:s31+$0xFFFFFFE0];
	v55 =	vmul.f32 $2.000000030e-01, v2;
	v44 =	vadd.f32 v44, v47;
	v34 =	vperm.xlane v34, v7  }
0x194: {  	[tilespmem:s15+$0xA0] =	vst v36;
	v36 =	vld [tilespmem:s0+$0xFFFFFFE0];
	v39 =	vperm.xlane v39, v7;
	v51 =	vadd.f32 v51, v53;
	v53 =	vunpack.i.l.bf16.f32 v54  }
0x195: {  	v47 =	vld [tilespmem:s0+$0xFFFFFF80];
	v58 =	vunpack.i.l.bf16.f32 v43;
	v37 =	vmul.f32 v41, v53;
	v59 =	vmul.f32 $2.000000030e-01, v44  }
0x196: {  	v52 =	vunpack.i.l.bf16.f32 v52;
	v42 =	vmul.f32 v49, v42;
	v2 =	vsel vm1, v2, v55  }
0x197: {  	v54 =	vmul.f32 $2.000000030e-01, v51;
	vm2 =	vge.f32 v51, $0.0e+00;
	v49 =	vunpack.i.l.bf16.f32 v40  }
0x198: {  	[tilespmem:s15+$0x0] =	vst v48;
	v2 =	vmul.f32 $1.442695020e+00, v2;
	v48 =	vmul.f32 v31, v58;
	v3 =	vadd.f32 v3, v52  }
0x199: {  	[tilespmem:s16+$0x20] =	vst v37;
	v31 =	vunpack.i.l.bf16.f32 v36;
	v54 =	vsel vm2, v51, v54;
	vm2 =	vge.f32 v44, $0.0e+00  }
0x19a: {  	v41 =	vld [tilespmem:s7+$0x60];
	[tilespmem:s16+$0x30] =	vst v42;
	v42 =	vunpack.i.l.bf16.f32 v47;
	v37 =	vsel vm2, v44, v59;
	v51 =	vmul.f32 $1.442695020e+00, v54  }
0x19b: {  	[tilespmem:s15+$0xFFFFFF60] =	vst v17;
	v52 =	vld [tilespmem:s0+$0x20];
	v44 =	vunpack.i.u.bf16.f32 v47;
	v59 =	vmul.f32 $2.000000030e-01, v3;
	v1 =	vmul.f32 v1, v42  }
0x19c: {  	[tilespmem:s15+$0x10] =	vst v46;
	vm2 =	vge.f32 v3, $0.0e+00;
	v32 =	vmul.f32 v32, v44;
	(erf) = vpow2.f32 v51  }
0x19d: {  	v55 =	vmul.f32 v56, v49;
	v27 =	vmul.f32 v27, v31;
	v54 =	vld [tilespmem:s7+$0xFFFFFF60];
	v3 =	vsel vm2, v3, v59;
	[tilespmem:s16+$0xFFFFFF20] =	vst v1  }
0x19e: {  	v40 =	vunpack.i.u.bf16.f32 v40;
	v56 =	vmul.f32 $1.442695020e+00, v3;
	(erf) = vpow2.f32 v2;
	[tilespmem:s16+$0xFFFFFF30] =	vst v32  }
0x19f: {  	v46 =	vperm.xlane v35, v5;
	[tilespmem:s16+$0xD0] =	vst v48;
	v42 =	vunpack.i.l.bf16.f32 v41;
	v3 =	vmul.f32 v50, v40;
	v49 =	vld [tilespmem:s0+$0xFFFFFF90]  }
0x1a0: {  	[tilespmem:s16+$0xFFFFFFD0] =	vst v27;
	v59 =	vunpack.i.u.bf16.f32 v41;
	v27 =	vunpack.i.u.bf16.f32 v52;
	(erf) = vpow2.f32 v56  }
0x1a1: {  	v31 =	vunpack.i.l.bf16.f32 v52;
	[tilespmem:s15+$0xFFFFFFA0] =	vst v3;
	v3 =	vmul.f32 $1.442695020e+00, v37;
	v27 =	vmul.f32 v57, v27  }
0x1a2: {  	[tilespmem:s15+$0xFFFFFF90] =	vst v55;
	v50 =	vunpack.i.u.bf16.f32 v54;
	v53 =	vunpack.i.l.bf16.f32 v54;
	v55 =	vmul.f32 v34, v31  }
0x1a3: {  	v51 =	vunpack.i.u.bf16.f32 v43;
	v41 =	vmul.f32 v45, v53;
	v0 =	vmul.f32 v0, v50;
	[tilespmem:s16+$0x50] =	vst v27  }
0x1a4: {  	(erf) = vpow2.f32 v3;
	v3 =	vmul.f32 v30, v51;
	[tilespmem:s16+$0x40] =	vst v55;
	v30 =	vunpack.i.u.bf16.f32 v49  }
0x1a5: {  	v43 =	vld [tilespmem:s7+$0xFFFFFFD0];
	v45 =	vperm.xlane v17, v5;
	v51 =	vmul.f32 v38, v59;
	[tilespmem:s15+$0xFFFFFEF0] =	vst v0;
	v54 =	vpop (erf)  }
0x1a6: {  	v0 =	vld [tilespmem:s0+$0x30];
	[tilespmem:s16+$0xE0] =	vst v3;
	v1 =	vunpack.i.l.bf16.f32 v49;
	v3 =	vmul.f32 v33, v30;
	v37 =	vnsel vm0, $0x0, v54  }
0x1a7: {  	v6 =	vimm.s32 $0x4;
	v56 =	vld [tilespmem:s0+$0x80];
	v1 =	vmul.f32 v24, v1;
	v30 =	vpop (erf);
	v44 =	vperm.xlane v37, v61  }
0x1a8: {  	v27 =	vperm.xlane v37, v4;
	v33 =	vperm.xlane v37, v62;
	v32 =	vnsel vm0, $0x0, v30  }
0x1a9: {  	v5 =	vimm.s32 $0x3;
	v53 =	vperm.xlane v37, v60;
	v31 =	vperm.xlane v32, v7  }
0x1aa: {  	[tilespmem:s15+$0xFFFFFEE0] =	vst v41;
	v48 =	vunpack.i.u.bf16.f32 v43;
	v30 =	vperm.xlane v32, v8;
	v24 =	vperm.xlane v32, v62  }
0x1ab: {  	s29 =	simm.s32 $0x6FE0;
	[tilespmem:s16+$0xFFFFFF40] =	vst v1;
	v52 =	vunpack.i.u.bf16.f32 v0;
	v57 =	vpop (erf);
	v49 =	vperm.xlane v32, v60;
	v50 =	vperm.xlane v32, v61  }
0x1ac: {  	[tilespmem:s29+$0xFFFFFFF0] =	vst v37;
	v7 =	vimm.s32 $0x5;
	v34 =	vnsel vm0, $0x0, v57;
	v58 =	vunpack.i.u.bf16.f32 v56  }
0x1ad: {  	[tilespmem:s16+$0xFFFFFF50] =	vst v3;
	v2 =	vunpack.i.l.bf16.f32 v56;
	v57 =	vld [tilespmem:s9+$0xFFFFFFB0];
	v35 =	vperm.xlane v34, v8;
	v59 =	vpop (erf);
	v1 =	vmul.f32 v26, v58  }
0x1ae: {  	[tilespmem:s29+$0x110] =	vst v32;
	v2 =	vmul.f32 v29, v2;
	v26 =	vperm.xlane v32, v4;
	v40 =	vnsel vm0, $0x0, v59  }
0x1af: {  	v47 =	vld [tilespmem:s7+$0xFFFFFF70];
	v29 =	vperm.xlane v34, v4;
	v58 =	vunpack.i.l.bf16.f32 v0;
	v8 =	vimm.s32 $0x6;
	[tilespmem:s29+$0x80] =	vst v40  }
0x1b0: {  	v59 =	vunpack.i.l.bf16.f32 v43;
	v38 =	vperm.xlane v40, v62;
	v56 =	vperm.xlane v40, v60;
	[tilespmem:s16+$0x100] =	vst v1;
	v54 =	vld [tilespmem:s9+$0x0]  }
0x1b1: {  	s1 =	simm.s32 $0x23A0;
	s0 =	simm.s32 $0x8;
	v55 =	vld [tilespmem:s9+$0x50];
	v41 =	vperm.xlane v40, v4;
	[tilespmem:s16+$0xF0] =	vst v2;
	v60 =	vimm.s32 $0x1;
	v4 =	vimm.s32 $0x2  }
.LBB2_7:
0x1b2: {  	v0 =	vld [tilespmem:s1+$0x90];
	s0 =	sadd.s32 $0x4, s0;
	v1 =	vperm.xlane v34, v5;
	v2 =	vunpack.i.u.bf16.f32 v57;
	v43 =	vperm.xlane v32, v5;
	s31 =	sadd.s32 $0x40, s31  }
0x1b3: {  	v3 =	vunpack.i.l.bf16.f32 v57;
	v57 =	vperm.xlane v40, v60;
	v42 =	vmul.f32 v46, v42;
	p0 =	slt.u32 s0, $0x4C;
	v60 =	vld [tilespmem:s7+$0x10]  }
0x1b4: {  	v39 =	vmul.f32 v39, v59;
	v3 =	vmul.f32 v53, v3;
	v53 =	vunpack.i.l.bf16.f32 v47;
	v46 =	vld [tilespmem:s31+$0x0];
	[tilespmem:s15+$0xC0] =	vst v51  }
0x1b5: {  	v48 =	vmul.f32 v28, v48;
	v28 =	vperm.xlane v37, v7;
	v51 =	vld [tilespmem:s31+$0x10];
	v59 =	vunpack.i.u.bf16.f32 v54  }
0x1b6: {  	v54 =	vunpack.i.l.bf16.f32 v54;
	v61 =	vld [tilespmem:s1+$0x40];
	v62 =	vunpack.i.u.bf16.f32 v55;
	[tilespmem:s15+$0xFFFFFFB0] =	vst v39;
	v39 =	vmul.f32 v16, v58;
	v16 =	vmovc v11;
	v11 =	vmovc v41  }
0x1b7: {  	v2 =	vmul.f32 v44, v2;
	v45 =	vmul.f32 v45, v53;
	v41 =	vld [tilespmem:s1+$0xFFFFFFF0]  }
0x1b8: {  	v36 =	vunpack.i.u.bf16.f32 v36;
	v58 =	vperm.xlane v37, v4;
	v54 =	vmul.f32 v56, v54;
	[tilespmem:s15+$0xFFFFFFC0] =	vst v48  }
0x1b9: {  	v55 =	vunpack.i.l.bf16.f32 v55;
	v53 =	vmul.f32 v57, v59;
	v48 =	vld [tilespmem:s31+$0xFFFFFFF0];
	[tilespmem:s29+$0xFFFFFF70] =	vst v3;
	v3 =	vperm.xlane v37, v5  }
0x1ba: {  	v56 =	vmul.f32 v12, v36;
	v49 =	vmul.f32 v49, v55;
	v0 =	vunpack.i.l.bf16.f32 v0;
	v55 =	vld [tilespmem:s7+$0xFFFFFFE0];
	[tilespmem:s16+$0x60] =	vst v39  }
0x1bb: {  	v44 =	vunpack.i.u.bf16.f32 v60;
	v39 =	vunpack.i.u.bf16.f32 v47;
	v47 =	vperm.xlane v22, v5;
	[tilespmem:s15+$0xB0] =	vst v42  }
0x1bc: {  	v12 =	vmovc v9;
	v42 =	vperm.xlane v17, v6;
	v0 =	vadd.f32 v51, v0;
	[tilespmem:s15+$0xFFFFFF00] =	vst v45;
	v41 =	vunpack.i.l.bf16.f32 v41  }
0x1bd: {  	v9 =	vmovc v33;
	[tilespmem:s29+$0xFFFFFF80] =	vst v2;
	v2 =	vmul.f32 v25, v39;
	v25 =	vmovc v1;
	v1 =	vmul.f32 v50, v62;
	v62 =	vimm.s32 $0x7  }
0x1be: {  	v39 =	vunpack.i.l.bf16.f32 v61;
	v61 =	vimm.s32 $0x0;
	v33 =	vld [tilespmem:s7+$0x70];
	[tilespmem:s16+$0xFFFFFFE0] =	vst v56;
	v56 =	vmul.f32 v15, v52  }
0x1bf: {  	vm1 =	vge.f32 v0, $0.0e+00;
	v51 =	vmul.f32 $2.000000030e-01, v0;
	v45 =	vld [tilespmem:s9+$0xFFFFFFC0];
	[tilespmem:s15+$0xFFFFFF10] =	vst v2;
	v2 =	vperm.xlane v22, v4;
	v36 =	vmovc v55  }
0x1c0: {  	v52 =	vperm.xlane v22, v7;
	v15 =	vmovc v10;
	v10 =	vmov v38;
	v41 =	vadd.f32 v48, v41;
	v50 =	vld [tilespmem:s1+$0xFFFFFFA0];
	[tilespmem:s16+$0x70] =	vst v56;
	s16 =	smov.u32 s15;
	s15 =	smov.u32 s29  }
0x1c1: {  	v46 =	vadd.f32 v46, v39;
	v48 =	vperm.xlane v22, v6;
	v39 =	vperm.xlane v37, v6;
	v38 =	vld [tilespmem:s31+$0xFFFFFFE0];
	[tilespmem:s29+$0x0] =	vst v54  }
0x1c2: {  	v37 =	vunpack.i.l.bf16.f32 v60;
	v60 =	vimm.s32 $0x1;
	v54 =	vperm.xlane v17, v62;
	v17 =	vmovc v34;
	[tilespmem:s29+$0xA0] =	vst v1;
	v1 =	vld [tilespmem:s7+$0xFFFFFF80]  }
0x1c3: {  	v22 =	vmovc v40;
	v34 =	vmul.f32 $2.000000030e-01, v41;
	v55 =	vperm.xlane v17, v60;
	[tilespmem:s29+$0x90] =	vst v49;
	v49 =	vunpack.i.l.bf16.f32 v33  }
0x1c4: {  	vm2 =	vge.f32 v41, $0.0e+00;
	v40 =	vmul.f32 $2.000000030e-01, v46;
	v2 =	vmul.f32 v2, v37;
	[tilespmem:s29+$0x10] =	vst v53  }
0x1c5: {  	v34 =	vsel vm2, v41, v34;
	v41 =	vmul.f32 v47, v44;
	v37 =	vunpack.i.l.bf16.f32 v50  }
0x1c6: {  	vm2 =	vge.f32 v46, $0.0e+00;
	v44 =	vperm.xlane v17, v61;
	v47 =	vunpack.i.l.bf16.f32 v45;
	[tilespmem:s16+$0x20] =	vst v2  }
0x1c7: {  	v2 =	vadd.f32 v38, v37;
	v37 =	vsel vm2, v46, v40;
	v38 =	vld [tilespmem:s9+$0x60];
	v40 =	vunpack.i.u.bf16.f32 v1;
	[tilespmem:s16+$0x30] =	vst v41  }
0x1c8: {  	v34 =	vmul.f32 $1.442695020e+00, v34;
	v41 =	vunpack.i.u.bf16.f32 v45;
	v1 =	vunpack.i.l.bf16.f32 v1;
	v45 =	vld [tilespmem:s7+$0x20]  }
0x1c9: {  	vm2 =	vge.f32 v2, $0.0e+00;
	v46 =	vmul.f32 $2.000000030e-01, v2;
	v1 =	vmul.f32 v42, v1;
	[tilespmem:s29+$0xFFFFFF60] =	vst v17  }
0x1ca: {  	v0 =	vsel vm1, v0, v51;
	s29 =	sadd.s32 $0x240, s29;
	(erf) = vpow2.f32 v34;
	v34 =	vmul.f32 v58, v47  }
0x1cb: {  	v0 =	vmul.f32 $1.442695020e+00, v0;
	v2 =	vsel vm2, v2, v46;
	v46 =	vld [tilespmem:s9+$0xFFFFFF60];
	[tilespmem:s16+$0xFFFFFF20] =	vst v1;
	v1 =	vmul.f32 v23, v40;
	v23 =	vmovc v35  }
0x1cc: {  	v3 =	vmul.f32 v3, v41;
	v2 =	vmul.f32 $1.442695020e+00, v2;
	v35 =	vunpack.i.u.bf16.f32 v38  }
0x1cd: {  	v42 =	vunpack.i.l.bf16.f32 v38;
	(erf) = vpow2.f32 v0;
	[tilespmem:s16+$0xFFFFFF30] =	vst v1;
	v0 =	vmul.f32 v20, v49;
	v20 =	vmovc v31  }
0x1ce: {  	(erf) = vpow2.f32 v2;
	[tilespmem:s15+$0xFFFFFFA0] =	vst v3;
	v1 =	vld [tilespmem:s7+$0xFFFFFF90];
	v2 =	vunpack.i.l.bf16.f32 v36;
	v3 =	vunpack.i.l.bf16.f32 v45  }
0x1cf: {  	v31 =	vmul.f32 $1.442695020e+00, v37;
	[tilespmem:s15+$0xFFFFFF90] =	vst v34;
	v2 =	vmul.f32 v19, v2;
	v34 =	vunpack.i.u.bf16.f32 v45;
	v19 =	vmovc v27  }
0x1d0: {  	v33 =	vunpack.i.u.bf16.f32 v33;
	v27 =	vunpack.i.u.bf16.f32 v46;
	v37 =	vunpack.i.l.bf16.f32 v46;
	v41 =	vld [tilespmem:s9+$0xFFFFFFD0]  }
0x1d1: {  	(erf) = vpow2.f32 v31;
	[tilespmem:s16+$0xFFFFFFD0] =	vst v2;
	v2 =	vmul.f32 v18, v33;
	v18 =	vmov v30  }
0x1d2: {  	v38 =	vmul.f32 v44, v37;
	v27 =	vmul.f32 v55, v27;
	[tilespmem:s16+$0xD0] =	vst v0  }
0x1d3: {  	v46 =	vperm.xlane v32, v4;
	v31 =	vmul.f32 v52, v34;
	v0 =	vpop (erf);
	v30 =	vunpack.i.u.bf16.f32 v1;
	[tilespmem:s16+$0xE0] =	vst v2  }
0x1d4: {  	v45 =	vperm.xlane v17, v4;
	v34 =	vmul.f32 v48, v3;
	v37 =	vnsel vm0, $0x0, v0;
	[tilespmem:s15+$0xFFFFFEF0] =	vst v27;
	v2 =	vld [tilespmem:s7+$0x80]  }
0x1d5: {  	v1 =	vunpack.i.l.bf16.f32 v1;
	v3 =	vmul.f32 v54, v30;
	v44 =	vperm.xlane v37, v60;
	[tilespmem:s16+$0x50] =	vst v31  }
0x1d6: {  	v27 =	vperm.xlane v37, v8;
	v33 =	vperm.xlane v37, v62;
	v48 =	vunpack.i.u.bf16.f32 v41;
	v30 =	vpop (erf);
	[tilespmem:s16+$0x40] =	vst v34  }
0x1d7: {  	v51 =	vmul.f32 v43, v35;
	v1 =	vmul.f32 v21, v1;
	[tilespmem:s29+$0xFFFFFFF0] =	vst v37;
	v32 =	vnsel vm0, $0x0, v30;
	v0 =	vpop (erf)  }
0x1d8: {  	v21 =	vmovc v29;
	v34 =	vnsel vm0, $0x0, v0;
	v31 =	vperm.xlane v32, v6;
	v30 =	vperm.xlane v32, v7;
	[tilespmem:s15+$0xFFFFFEE0] =	vst v38;
	v0 =	vld [tilespmem:s7+$0x30];
	s7 =	smov.u32 s9;
	s9 =	smov.u32 s1  }
0x1d9: {  	v53 =	vperm.xlane v37, v61;
	v29 =	vperm.xlane v32, v62;
	v47 =	vld [tilespmem:s7+$0xFFFFFF70];
	[tilespmem:s16+$0xFFFFFF40] =	vst v1;
	v1 =	vunpack.i.u.bf16.f32 v2  }
.Ltmp2:
0x1da: {  	v35 =	vperm.xlane v34, v7;
	v2 =	vunpack.i.l.bf16.f32 v2;
	v57 =	vld [tilespmem:s1+$0xFFFFFFB0];
	v38 =	vpop (erf);
	[tilespmem:s16+$0xFFFFFF50] =	vst v3;
	v1 =	vmul.f32 v13, v1;
	(pc) =	sbr.rel @p0 .LBB2_7-.Ltmp2, $4  }
0x1db: {  	v49 =	vperm.xlane v32, v61;
	v2 =	vmul.f32 v14, v2;
	v13 =	vmovc v24;
	v40 =	vnsel vm0, $0x0, v38;
	[tilespmem:s29+$0x110] =	vst v32  }
0x1dc: {  	v59 =	vunpack.i.l.bf16.f32 v41;
	v3 =	vperm.xlane v32, v8;
	v24 =	vmovc v29;
	[tilespmem:s29+$0x80] =	vst v40;
	v38 =	vperm.xlane v40, v62  }
0x1dd: {  	v29 =	vperm.xlane v34, v8;
	v14 =	vmovc v26;
	v56 =	vperm.xlane v40, v61;
	v54 =	vld [tilespmem:s1+$0x0];
	v58 =	vunpack.i.l.bf16.f32 v0;
	[tilespmem:s16+$0x100] =	vst v1  }
0x1de: {  	v50 =	vperm.xlane v32, v60;
	v41 =	vperm.xlane v40, v8;
	v26 =	vmovc v3;
	s1 =	sadd.s32 $0x140, s1;
	v52 =	vunpack.i.u.bf16.f32 v0;
	v55 =	vld [tilespmem:s9+$0x50];
	[tilespmem:s16+$0xF0] =	vst v2  }
0x1df: {  	v0 =	vmul.f32 v39, v59;
	[tilespmem:s15+$0xC0] =	vst v51  }
0x1e0: {  	v2 =	vmul.f32 v28, v48;
	[tilespmem:s29+$0xFFFFFF60] =	vst v34  }
0x1e1: {  	v59 =	vmul.f32 v16, v58;
	[tilespmem:s15+$0xFFFFFFB0] =	vst v0  }
0x1e2: {  	v16 =	vmul.f32 v46, v42;
	[tilespmem:s15+$0xFFFFFFC0] =	vst v2  }
0x1e3: {  	v1 =	vunpack.i.l.bf16.f32 v57;
	v46 =	vmul.f32 v15, v52;
	[tilespmem:s16+$0x60] =	vst v59  }
0x1e4: {  	v3 =	vunpack.i.l.bf16.f32 v47;
	v1 =	vmul.f32 v53, v1;
	[tilespmem:s15+$0xB0] =	vst v16  }
0x1e5: {  	v28 =	vunpack.i.u.bf16.f32 v57;
	v3 =	vmul.f32 v45, v3;
	[tilespmem:s16+$0x70] =	vst v46  }
0x1e6: {  	v43 =	vunpack.i.u.bf16.f32 v47;
	v39 =	vmul.f32 v44, v28;
	[tilespmem:s29+$0xFFFFFF70] =	vst v1  }
0x1e7: {  	v42 =	vunpack.i.u.bf16.f32 v36;
	v44 =	vmul.f32 v25, v43;
	v45 =	vld [tilespmem:s7+$0x10];
	[tilespmem:s15+$0xFFFFFF00] =	vst v3  }
0x1e8: {  	v1 =	vmul.f32 v12, v42;
	[tilespmem:s29+$0xFFFFFF80] =	vst v39;
	v3 =	vunpack.i.l.bf16.f32 v54  }
0x1e9: {  	v57 =	vld [tilespmem:s9+$0xFFFFFF60];
	[tilespmem:s15+$0xFFFFFF10] =	vst v44;
	v3 =	vmul.f32 v56, v3;
	v47 =	vunpack.i.u.bf16.f32 v55  }
0x1ea: {  	v51 =	vperm.xlane v40, v60;
	v48 =	vld [tilespmem:s7+$0xFFFFFF80];
	v52 =	vunpack.i.l.bf16.f32 v55;
	[tilespmem:s16+$0xFFFFFFE0] =	vst v1;
	v0 =	vmul.f32 v50, v47  }
0x1eb: {  	v55 =	vperm.xlane v22, v5;
	v15 =	vmul.f32 v49, v52;
	[tilespmem:s29+$0x0] =	vst v3;
	v3 =	vunpack.i.u.bf16.f32 v54  }
0x1ec: {  	v53 =	vld [tilespmem:s9+$0xFFFFFFC0];
	v54 =	vperm.xlane v22, v4;
	v2 =	vunpack.i.u.bf16.f32 v45;
	v3 =	vmul.f32 v51, v3;
	[tilespmem:s29+$0xA0] =	vst v0  }
0x1ed: {  	v43 =	vperm.xlane v34, v60;
	v56 =	vunpack.i.l.bf16.f32 v45;
	[tilespmem:s29+$0x90] =	vst v15;
	v2 =	vmul.f32 v55, v2  }
0x1ee: {  	v58 =	vperm.xlane v17, v6;
	v47 =	vunpack.i.u.bf16.f32 v57;
	v0 =	vmul.f32 v54, v56;
	[tilespmem:s29+$0x10] =	vst v3  }
0x1ef: {  	v15 =	vld [tilespmem:s7+$0xFFFFFFE0];
	v3 =	vunpack.i.l.bf16.f32 v48;
	[tilespmem:s15+$0x30] =	vst v2;
	v2 =	vmul.f32 v43, v47  }
0x1f0: {  	v59 =	vperm.xlane v37, v5;
	v39 =	vunpack.i.u.bf16.f32 v48;
	[tilespmem:s15+$0x20] =	vst v0;
	v42 =	vmul.f32 v58, v3;
	v3 =	vld [tilespmem:s7+$0x70]  }
0x1f1: {  	v45 =	vperm.xlane v34, v61;
	v44 =	vunpack.i.u.bf16.f32 v53;
	v0 =	vmul.f32 v23, v39;
	[tilespmem:s29+$0xFFFFFEF0] =	vst v2  }
0x1f2: {  	v50 =	vunpack.i.l.bf16.f32 v57;
	v48 =	vperm.xlane v37, v4;
	v46 =	vmul.f32 v59, v44;
	v49 =	vld [tilespmem:s7+$0x20];
	[tilespmem:s15+$0xFFFFFF20] =	vst v42  }
0x1f3: {  	v16 =	vunpack.i.l.bf16.f32 v53;
	[tilespmem:s15+$0xFFFFFF30] =	vst v0;
	v0 =	vmul.f32 v45, v50  }
0x1f4: {  	v51 =	vmul.f32 v48, v16;
	[tilespmem:s29+$0xFFFFFFA0] =	vst v46;
	v53 =	vunpack.i.l.bf16.f32 v15;
	v52 =	vld [tilespmem:s7+$0xFFFFFF90]  }
0x1f5: {  	v16 =	vmul.f32 v19, v53;
	[tilespmem:s29+$0xFFFFFEE0] =	vst v0;
	v54 =	vunpack.i.l.bf16.f32 v3  }
0x1f6: {  	v55 =	vperm.xlane v22, v7;
	[tilespmem:s29+$0xFFFFFF90] =	vst v51;
	v56 =	vunpack.i.u.bf16.f32 v3;
	v3 =	vld [tilespmem:s9+$0xFFFFFF70];
	v2 =	vmul.f32 v20, v54  }
0x1f7: {  	v57 =	vperm.xlane v22, v6;
	[tilespmem:s15+$0xFFFFFFD0] =	vst v16;
	v58 =	vunpack.i.u.bf16.f32 v49;
	v1 =	vmul.f32 v18, v56  }
0x1f8: {  	v59 =	vld [tilespmem:s9+$0x60];
	v25 =	vunpack.i.l.bf16.f32 v49;
	v0 =	vmul.f32 v55, v58;
	[tilespmem:s15+$0xD0] =	vst v2  }
0x1f9: {  	v28 =	vperm.xlane v17, v62;
	v36 =	vmul.f32 v57, v25;
	[tilespmem:s15+$0xE0] =	vst v1;
	v39 =	vunpack.i.l.bf16.f32 v52  }
0x1fa: {  	v44 =	vld [tilespmem:s9+$0x10];
	v42 =	vperm.xlane v34, v4;
	v12 =	vunpack.i.u.bf16.f32 v52;
	[tilespmem:s15+$0x50] =	vst v0;
	v43 =	vmul.f32 v21, v39  }
0x1fb: {  	v45 =	vperm.xlane v34, v5;
	v2 =	vmul.f32 v28, v12;
	[tilespmem:s15+$0x40] =	vst v36;
	v46 =	vunpack.i.l.bf16.f32 v3  }
0x1fc: {  	v47 =	vperm.xlane v32, v5;
	v53 =	vld [tilespmem:s9+$0xFFFFFFD0];
	v50 =	vunpack.i.u.bf16.f32 v3;
	[tilespmem:s15+$0xFFFFFF40] =	vst v43;
	v49 =	vmul.f32 v42, v46  }
0x1fd: {  	v51 =	vperm.xlane v32, v4;
	v3 =	vunpack.i.u.bf16.f32 v59;
	[tilespmem:s15+$0xFFFFFF50] =	vst v2;
	v1 =	vmul.f32 v45, v50  }
0x1fe: {  	v54 =	vperm.xlane v40, v4;
	v52 =	vunpack.i.l.bf16.f32 v59;
	v48 =	vld [tilespmem:s7+$0x80];
	v3 =	vmul.f32 v47, v3;
	[tilespmem:s29+$0xFFFFFF00] =	vst v49  }
0x1ff: {  	v56 =	vunpack.i.l.bf16.f32 v44;
	v55 =	vperm.xlane v40, v5;
	v2 =	vmul.f32 v51, v52;
	[tilespmem:s29+$0xFFFFFF10] =	vst v1  }
0x200: {  	v19 =	vperm.xlane v37, v7;
	v0 =	vmul.f32 v54, v56;
	[tilespmem:s29+$0xC0] =	vst v3;
	v3 =	vunpack.i.u.bf16.f32 v44;
	v57 =	vld [tilespmem:s9+$0xFFFFFF80]  }
0x201: {  	v21 =	vunpack.i.u.bf16.f32 v53;
	v59 =	vperm.xlane v37, v6;
	[tilespmem:s29+$0xB0] =	vst v2;
	v1 =	vmul.f32 v55, v3  }
0x202: {  	v20 =	vunpack.i.l.bf16.f32 v53;
	[tilespmem:s29+$0x20] =	vst v0;
	v0 =	vmul.f32 v19, v21;
	v18 =	vld [tilespmem:s9+$0x70]  }
0x203: {  	v2 =	vmul.f32 v59, v20;
	v3 =	vunpack.i.l.bf16.f32 v48;
	[tilespmem:s29+$0x30] =	vst v1  }
0x204: {  	v22 =	vperm.xlane v34, v6;
	[tilespmem:s29+$0xFFFFFFC0] =	vst v0;
	v58 =	vunpack.i.u.bf16.f32 v48;
	v3 =	vmul.f32 v14, v3;
	v23 =	vld [tilespmem:s9+$0x20]  }
0x205: {  	v12 =	vmul.f32 v13, v58;
	[tilespmem:s29+$0xFFFFFFB0] =	vst v2;
	v25 =	vunpack.i.l.bf16.f32 v57  }
0x206: {  	[tilespmem:s15+$0xF0] =	vst v3;
	v3 =	vld [tilespmem:s7+$0x30];
	v28 =	vunpack.i.u.bf16.f32 v57;
	v1 =	vmul.f32 v22, v25  }
0x207: {  	[tilespmem:s15+$0x100] =	vst v12;
	v32 =	vunpack.i.l.bf16.f32 v18;
	v2 =	vmul.f32 v35, v28  }
0x208: {  	v36 =	vperm.xlane v40, v7;
	v37 =	vunpack.i.u.bf16.f32 v18;
	v0 =	vmul.f32 v31, v32;
	[tilespmem:s29+$0xFFFFFF20] =	vst v1  }
0x209: {  	v40 =	vperm.xlane v40, v6;
	v39 =	vld [tilespmem:s9+$0xFFFFFFE0];
	[tilespmem:s29+$0xFFFFFF30] =	vst v2;
	v42 =	vunpack.i.u.bf16.f32 v23;
	v1 =	vmul.f32 v30, v37  }
0x20a: {  	v14 =	vunpack.i.l.bf16.f32 v23;
	[tilespmem:s29+$0xD0] =	vst v0;
	v43 =	vld [tilespmem:s9+$0xFFFFFF90];
	v44 =	vmul.f32 v36, v42  }
0x20b: {  	v45 =	vunpack.i.l.bf16.f32 v3;
	v46 =	vmul.f32 v40, v14;
	[tilespmem:s29+$0xE0] =	vst v1  }
0x20c: {  	v2 =	vmul.f32 v11, v45;
	v11 =	vunpack.i.u.bf16.f32 v15;
	v47 =	vld [tilespmem:s9+$0x80];
	[tilespmem:s29+$0x50] =	vst v44  }
0x20d: {  	v48 =	vunpack.i.u.bf16.f32 v3;
	v3 =	vmul.f32 v9, v11;
	[tilespmem:s29+$0x40] =	vst v46  }
0x20e: {  	v49 =	vunpack.i.l.bf16.f32 v39;
	v0 =	vmul.f32 v10, v48;
	[tilespmem:s15+$0x60] =	vst v2;
	v50 =	vld [tilespmem:s9+$0x30]  }
0x20f: {  	v1 =	vmul.f32 v27, v49;
	[tilespmem:s15+$0xFFFFFFE0] =	vst v3;
	v3 =	vperm.xlane v34, v62;
	v9 =	vunpack.i.l.bf16.f32 v43  }
0x210: {  	[tilespmem:s15+$0x70] =	vst v0;
	v51 =	vunpack.i.u.bf16.f32 v43;
	v9 =	vmul.f32 v29, v9  }
0x211: {  	[tilespmem:s29+$0xFFFFFFD0] =	vst v1;
	v0 =	vmul.f32 v3, v51;
	v52 =	vunpack.i.u.bf16.f32 v47  }
0x212: {  	v3 =	vunpack.i.l.bf16.f32 v47;
	[tilespmem:s29+$0xFFFFFF40] =	vst v9;
	v1 =	vmul.f32 v24, v52  }
0x213: {  	[tilespmem:s29+$0xFFFFFF50] =	vst v0;
	v53 =	vmul.f32 v26, v3;
	v3 =	vunpack.i.l.bf16.f32 v50  }
0x214: {  	v2 =	vunpack.i.u.bf16.f32 v50;
	v54 =	vmul.f32 v41, v3;
	[tilespmem:s29+$0x100] =	vst v1  }
0x215: {  	v3 =	vunpack.i.u.bf16.f32 v39;
	v56 =	vmul.f32 v38, v2;
	[tilespmem:s29+$0xF0] =	vst v53  }
0x216: {  	v55 =	vmul.f32 v33, v3;
	[tilespmem:s29+$0x60] =	vst v54  }
0x217: {  	[tilespmem:s29+$0x70] =	vst v56  }
0x218: {  	[tilespmem:s29+$0xFFFFFFE0] =	vst v55  }
0x219: {  	_ =	swait.ge [sflag:s12], $0x2D00  }
0x21a: {  	[sflag:s12] =	ssyncset.done $0x0  }
0x21b: {  	[sflag:s12] =	ssyncadd.s32 $0xFFFFD300  }
0x21c: {  	v57 =	vld [tilespmem:$0xF0]  }
0x21d: {  	v58 =	vld [tilespmem:$0x100]  }
0x21e: {  	v59 =	vld [tilespmem:$0x110]  }
0x21f: {  	v3 =	vld [tilespmem:$0x120]  }
0x220: {  	v9 =	vld [tilespmem:$0x130]  }
0x221: {  	p0 =	seq.s32 s19, $0x3D;
	[tilespmem:$0x9790] =	vst v57  }
.Ltmp3:
0x222: {  	[tilespmem:$0x97A0] =	vst v58;
	(pc) =	sbr.rel @p0 .LBB2_10-.Ltmp3, $4  }
0x223: {  	[tilespmem:$0x97B0] =	vst v59  }
0x224: {  	[tilespmem:$0x97C0] =	vst v3  }
0x225: {  	[tilespmem:$0x97D0] =	vst v9  }
0x226: {  	[spmem:s3] =	stream.indirect.scatter.add.f32 [tilespmem:s14], [sflag:$0x6], $0x90, s13, s21, $0xb8;
	v63 =	vld [tilespmem:$0x0]  }
.Ltmp4:
0x227: {  	(pc) =	sbr.rel .LBB2_4-.Ltmp4, $4  }
0x228: {  	s0 =	sadd.s32 s20, s18  }
0x229: {  	s0 =	sshrl.u32 s0, $0x3  }
0x22a: {  	s19 =	sadd.s32 $0x1, s19;
	s0 =	sadd.s32 s5, s0  }
0x22b: {  	[tilespmem:s26], [sflag:$0x2] =	stream.strided.gather [hbm4b:s0+s21], $0xA0, s22, s21, $0x38;
	v63 =	vld [tilespmem:$0x0]  }
.LBB2_10:
0x22c: {  	_ =	swait.ge [sflag:s8], $0x1900  }
0x22d: {  	[sflag:s8] =	ssyncset.done $0x0  }
0x22e: {  	[sflag:s8] =	ssyncadd.s32 $0xFFFFE700  }
0x22f: {  	_ =	swait.ge [sflag:s8], $0x500  }
0x230: {  	[sflag:s8] =	ssyncset.done $0x0  }
0x231: {  	s0 =	simm.s32 $0x1E0;
	[sflag:s8] =	ssyncadd.s32 $0xFFFFFB00  }
0x232: {  	s1 =	simm.s32 $0x1A60;
	v1 =	vld [tilespmem:s0+$0xFFFFFFF0]  }
0x233: {  	v2 =	vld [tilespmem:s1+$0xFFFFFFF0]  }
0x234: {  	v0 =	vld [tilespmem:s0+$0x90]  }
0x235: {  	v3 =	vld [tilespmem:s1+$0x10];
	_ =	sdelay $0x1  }
0x236: {  	v9 =	vld [tilespmem:s0+$0x40];
	v1 =	vunpack.i.l.bf16.f32 v1  }
0x237: {  	v1 =	vadd.f32 v2, v1  }
0x238: {  	v10 =	vld [tilespmem:s0+$0xFFFFFFA0];
	v0 =	vunpack.i.l.bf16.f32 v0  }
0x239: {  	v11 =	vld [tilespmem:s1+$0xFFFFFFE0];
	v0 =	vadd.f32 v3, v0;
	v3 =	vmul.f32 $2.000000030e-01, v1  }
0x23a: {  	vm1 =	vge.f32 v1, $0.0e+00  }
0x23b: {  	v12 =	vld [tilespmem:s1+$0x0];
	v51 =	vunpack.i.l.bf16.f32 v9;
	v9 =	vmul.f32 $2.000000030e-01, v0;
	v1 =	vsel vm1, v1, v3  }
0x23c: {  	vm2 =	vge.f32 v0, $0.0e+00;
	v1 =	vmul.f32 $1.442695020e+00, v1  }
0x23d: {  	v10 =	vunpack.i.l.bf16.f32 v10;
	v0 =	vsel vm2, v0, v9  }
0x23e: {  	v3 =	vadd.f32 v11, v10;
	v0 =	vmul.f32 $1.442695020e+00, v0;
	(erf) = vpow2.f32 v1  }
0x23f: {  	s7 =	simm.s32 $0x320  }
0x240: {  	s31 =	simm.s32 $0x1AA0;
	v13 =	vld [tilespmem:s7+$0x90];
	v2 =	vadd.f32 v12, v51;
	v9 =	vmul.f32 $2.000000030e-01, v3;
	(erf) = vpow2.f32 v0  }
0x241: {  	v20 =	vld [tilespmem:s31+$0x10];
	vm1 =	vge.f32 v3, $0.0e+00  }
0x242: {  	v10 =	vmul.f32 $2.000000030e-01, v2;
	v52 =	vsel vm1, v3, v9  }
0x243: {  	vm2 =	vge.f32 v2, $0.0e+00;
	v1 =	vmul.f32 $1.442695020e+00, v52  }
0x244: {  	v53 =	vsel vm2, v2, v10  }
0x245: {  	v13 =	vunpack.i.l.bf16.f32 v13;
	v0 =	vmul.f32 $1.442695020e+00, v53;
	(erf) = vpow2.f32 v1  }
0x246: {  	v13 =	vadd.f32 v20, v13  }
0x247: {  	(erf) = vpow2.f32 v0;
	v54 =	vpop (erf)  }
0x248: {  	v39 =	vmul.f32 $2.000000030e-01, v13;
	v0 =	vnsel vm0, $0x0, v54  }
0x249: {  	s16 =	simm.s32 $0x3E60;
	v55 =	vpop (erf);
	v56 =	vperm.xlane v0, v60;
	v27 =	vperm.xlane v0, v8  }
0x24a: {  	[tilespmem:s16+$0xFFFFFFF0] =	vst v0;
	v1 =	vnsel vm0, $0x0, v55;
	v12 =	vperm.xlane v0, v62;
	v37 =	vperm.xlane v0, v7  }
0x24b: {  	v38 =	vperm.xlane v0, v4;
	v3 =	vld [tilespmem:s0+$0xFFFFFFB0];
	v31 =	vperm.xlane v1, v6  }
0x24c: {  	v17 =	vld [tilespmem:s7+$0xFFFFFFF0];
	v30 =	vperm.xlane v1, v7;
	v26 =	vperm.xlane v1, v62  }
0x24d: {  	v18 =	vld [tilespmem:s31+$0xFFFFFFF0];
	v14 =	vperm.xlane v1, v61;
	v29 =	vperm.xlane v1, v8  }
0x24e: {  	v28 =	vld [tilespmem:s7+$0xFFFFFFA0];
	v21 =	vperm.xlane v1, v60;
	v25 =	vperm.xlane v1, v5;
	v9 =	vpop (erf)  }
0x24f: {  	v22 =	vld [tilespmem:s7+$0x40];
	[tilespmem:s16+$0x110] =	vst v1;
	v1 =	vperm.xlane v1, v4;
	v33 =	vnsel vm0, $0x0, v9;
	v9 =	vperm.xlane v0, v61  }
0x250: {  	v11 =	vpop (erf);
	v32 =	vperm.xlane v33, v7;
	v23 =	vunpack.i.u.bf16.f32 v3;
	v3 =	vunpack.i.l.bf16.f32 v3  }
0x251: {  	v10 =	vld [tilespmem:s0+$0x50];
	v34 =	vnsel vm0, $0x0, v11;
	v3 =	vmul.f32 v9, v3;
	v9 =	vunpack.i.l.bf16.f32 v17  }
0x252: {  	v11 =	vld [tilespmem:s31+$0x0];
	v24 =	vperm.xlane v33, v8;
	v36 =	vperm.xlane v33, v5;
	v9 =	vadd.f32 v18, v9  }
0x253: {  	v28 =	vunpack.i.l.bf16.f32 v28;
	v40 =	vperm.xlane v33, v4;
	v15 =	vperm.xlane v34, v62;
	v17 =	vld [tilespmem:s31+$0xFFFFFFE0]  }
0x254: {  	v20 =	vunpack.i.l.bf16.f32 v22;
	v19 =	vperm.xlane v34, v61;
	v22 =	vmul.f32 $2.000000030e-01, v9  }
0x255: {  	v16 =	vperm.xlane v34, v8;
	v35 =	vperm.xlane v34, v60;
	vm1 =	vge.f32 v9, $0.0e+00  }
0x256: {  	v2 =	vmul.f32 v56, v23;
	v18 =	vunpack.i.u.bf16.f32 v10;
	v9 =	vsel vm1, v9, v22  }
0x257: {  	[tilespmem:s16+$0x80] =	vst v34;
	v10 =	vunpack.i.l.bf16.f32 v10;
	v11 =	vadd.f32 v11, v20;
	v9 =	vmul.f32 $1.442695020e+00, v9  }
0x258: {  	v20 =	vld [tilespmem:s0+$0x0];
	v57 =	vmul.f32 v21, v18;
	v10 =	vmul.f32 v14, v10;
	v17 =	vadd.f32 v17, v28  }
0x259: {  	[tilespmem:s16+$0xFFFFFF60] =	vst v33;
	vm1 =	vge.f32 v13, $0.0e+00;
	v22 =	vmul.f32 $2.000000030e-01, v11;
	(erf) = vpow2.f32 v9  }
0x25a: {  	[tilespmem:s16+$0xFFFFFF70] =	vst v3;
	vm2 =	vge.f32 v11, $0.0e+00;
	v13 =	vsel vm1, v13, v39;
	v23 =	vmul.f32 $2.000000030e-01, v17  }
0x25b: {  	[tilespmem:s16+$0xFFFFFF80] =	vst v2;
	v14 =	vld [tilespmem:s0+$0xFFFFFF60];
	vm1 =	vge.f32 v17, $0.0e+00;
	v3 =	vmul.f32 $1.442695020e+00, v13;
	v11 =	vsel vm2, v11, v22  }
0x25c: {  	[tilespmem:s16+$0x90] =	vst v10;
	v10 =	vperm.xlane v33, v60;
	v13 =	vld [tilespmem:s0+$0xFFFFFFC0];
	v11 =	vmul.f32 $1.442695020e+00, v11;
	v9 =	vsel vm1, v17, v23  }
0x25d: {  	v58 =	vunpack.i.u.bf16.f32 v20;
	(erf) = vpow2.f32 v3;
	v9 =	vmul.f32 $1.442695020e+00, v9  }
0x25e: {  	v2 =	vmul.f32 v35, v58;
	v3 =	vunpack.i.l.bf16.f32 v20;
	v17 =	vperm.xlane v33, v61  }
0x25f: {  	[tilespmem:s16+$0xA0] =	vst v57;
	v3 =	vmul.f32 v19, v3;
	(erf) = vpow2.f32 v9  }
0x260: {  	v9 =	vperm.xlane v0, v5;
	(erf) = vpow2.f32 v11;
	v11 =	vld [tilespmem:s0+$0x60]  }
0x261: {  	v19 =	vunpack.i.l.bf16.f32 v14;
	v18 =	vunpack.i.l.bf16.f32 v13;
	v13 =	vunpack.i.u.bf16.f32 v13  }
0x262: {  	v9 =	vmul.f32 v9, v13;
	v13 =	vunpack.i.u.bf16.f32 v14;
	v14 =	vmul.f32 v17, v19;
	v17 =	vpop (erf)  }
0x263: {  	v0 =	vperm.xlane v0, v6;
	v18 =	vmul.f32 v38, v18;
	v39 =	vnsel vm0, $0x0, v17  }
0x264: {  	[tilespmem:s16+$0x10] =	vst v2;
	v10 =	vmul.f32 v10, v13;
	v41 =	vperm.xlane v39, v60  }
0x265: {  	s9 =	simm.s32 $0x460;
	[tilespmem:s16+$0xFFFFFFA0] =	vst v9;
	v13 =	vunpack.i.u.bf16.f32 v11;
	v19 =	vperm.xlane v39, v8;
	v9 =	vperm.xlane v39, v62  }
0x266: {  	v2 =	vld [tilespmem:s9+$0x90];
	[tilespmem:s16+$0xFFFFFF90] =	vst v18;
	v17 =	vpop (erf);
	v46 =	vunpack.i.l.bf16.f32 v11;
	v42 =	vmul.f32 v25, v13;
	v43 =	vperm.xlane v39, v61  }
0x267: {  	v28 =	vld [tilespmem:s0+$0xFFFFFFD0];
	v35 =	vnsel vm0, $0x0, v17;
	v1 =	vmul.f32 v1, v46;
	v56 =	vperm.xlane v39, v4  }
0x268: {  	[tilespmem:s16+$0x0] =	vst v3;
	v20 =	vperm.xlane v35, v6;
	v18 =	vperm.xlane v35, v7  }
0x269: {  	[tilespmem:s16+$0xFFFFFEE0] =	vst v14;
	v13 =	vperm.xlane v35, v62;
	v45 =	vperm.xlane v35, v61  }
0x26a: {  	v54 =	vld [tilespmem:s0+$0x10];
	[tilespmem:s16+$0xFFFFFEF0] =	vst v10;
	v14 =	vperm.xlane v35, v8;
	v52 =	vperm.xlane v35, v60  }
0x26b: {  	s15 =	simm.s32 $0x40A0;
	v2 =	vunpack.i.l.bf16.f32 v2;
	v47 =	vld [tilespmem:s0+$0xFFFFFF70];
	v38 =	vperm.xlane v35, v5;
	v17 =	vpop (erf);
	[tilespmem:s16+$0xB0] =	vst v1;
	v1 =	vperm.xlane v33, v6  }
0x26c: {  	[tilespmem:s15+$0xFFFFFFF0] =	vst v39;
	v33 =	vperm.xlane v33, v62;
	v17 =	vnsel vm0, $0x0, v17;
	v21 =	vpop (erf);
	v3 =	vunpack.i.l.bf16.f32 v28  }
0x26d: {  	v44 =	vld [tilespmem:s7+$0xFFFFFFB0];
	[tilespmem:s15+$0x110] =	vst v35;
	v23 =	vperm.xlane v17, v7;
	v22 =	vnsel vm0, $0x0, v21;
	v21 =	vperm.xlane v17, v8  }
0x26e: {  	v51 =	vld [tilespmem:s7+$0x50];
	v48 =	vunpack.i.u.bf16.f32 v28;
	v25 =	vperm.xlane v17, v5;
	v0 =	vmul.f32 v0, v3  }
0x26f: {  	s20 =	simm.s32 $0x1AE0;
	[tilespmem:s16+$0xC0] =	vst v42;
	v42 =	vunpack.i.u.bf16.f32 v54;
	v37 =	vmul.f32 v37, v48;
	v10 =	vperm.xlane v22, v62  }
0x270: {  	v46 =	vunpack.i.l.bf16.f32 v47;
	v3 =	vld [tilespmem:s20+$0x10];
	v50 =	vperm.xlane v22, v61;
	v11 =	vperm.xlane v22, v8  }
0x271: {  	v57 =	vld [tilespmem:s9+$0x40];
	v47 =	vunpack.i.u.bf16.f32 v47;
	[tilespmem:s15+$0x80] =	vst v22;
	v53 =	vperm.xlane v22, v60;
	v40 =	vmul.f32 v40, v46  }
0x272: {  	v49 =	vld [tilespmem:s7+$0x0];
	v28 =	vunpack.i.l.bf16.f32 v44;
	v44 =	vunpack.i.u.bf16.f32 v44;
	[tilespmem:s16+$0xFFFFFFB0] =	vst v0;
	v0 =	vperm.xlane v17, v60  }
0x273: {  	v43 =	vmul.f32 v43, v28;
	v28 =	vperm.xlane v39, v7;
	v58 =	vunpack.i.l.bf16.f32 v51  }
0x274: {  	v55 =	vld [tilespmem:s9+$0xFFFFFFF0];
	v59 =	vunpack.i.u.bf16.f32 v51;
	v41 =	vmul.f32 v41, v44;
	v45 =	vmul.f32 v45, v58  }
0x275: {  	v44 =	vld [tilespmem:s20+$0x0];
	v2 =	vadd.f32 v3, v2;
	[tilespmem:s15+$0xFFFFFF70] =	vst v43;
	v3 =	vmul.f32 v36, v47;
	v36 =	vmul.f32 v52, v59  }
0x276: {  	v51 =	vld [tilespmem:s20+$0xFFFFFFF0];
	v47 =	vunpack.i.l.bf16.f32 v57;
	[tilespmem:s15+$0xFFFFFF80] =	vst v41;
	v41 =	vperm.xlane v34, v4;
	v57 =	vperm.xlane v34, v7  }
0x277: {  	v43 =	vld [tilespmem:s0+$0x70];
	[tilespmem:s15+$0x90] =	vst v45;
	v45 =	vperm.xlane v17, v61;
	v48 =	vunpack.i.l.bf16.f32 v49;
	v49 =	vunpack.i.u.bf16.f32 v49  }
0x278: {  	v52 =	vld [tilespmem:s9+$0xFFFFFFA0];
	vm1 =	vge.f32 v2, $0.0e+00;
	v48 =	vmul.f32 v50, v48;
	v50 =	vperm.xlane v39, v5  }
0x279: {  	v46 =	vmul.f32 v53, v49;
	v53 =	vunpack.i.l.bf16.f32 v55;
	v49 =	vperm.xlane v34, v5  }
0x27a: {  	[tilespmem:s16+$0xFFFFFF00] =	vst v40;
	v40 =	vld [tilespmem:s7+$0xFFFFFFC0];
	v55 =	vmul.f32 $2.000000030e-01, v2;
	v44 =	vadd.f32 v44, v47;
	v34 =	vperm.xlane v34, v6  }
0x27b: {  	[tilespmem:s16+$0xFFFFFF10] =	vst v3;
	v3 =	vld [tilespmem:s20+$0xFFFFFFE0];
	v39 =	vperm.xlane v39, v6;
	v51 =	vadd.f32 v51, v53;
	v53 =	vunpack.i.l.bf16.f32 v54  }
0x27c: {  	[tilespmem:s16+$0xFFFFFFC0] =	vst v37;
	v47 =	vld [tilespmem:s0+$0xFFFFFF80];
	v58 =	vunpack.i.l.bf16.f32 v43;
	v37 =	vmul.f32 v41, v53;
	v59 =	vmul.f32 $2.000000030e-01, v44  }
0x27d: {  	[tilespmem:s15+$0xA0] =	vst v36;
	v52 =	vunpack.i.l.bf16.f32 v52;
	v42 =	vmul.f32 v49, v42;
	v2 =	vsel vm1, v2, v55  }
0x27e: {  	[tilespmem:s15+$0x10] =	vst v46;
	v46 =	vperm.xlane v35, v4;
	v54 =	vmul.f32 $2.000000030e-01, v51;
	vm2 =	vge.f32 v51, $0.0e+00  }
0x27f: {  	v36 =	vld [tilespmem:s0+$0xFFFFFFE0];
	[tilespmem:s15+$0x0] =	vst v48;
	v49 =	vunpack.i.l.bf16.f32 v40;
	v2 =	vmul.f32 $1.442695020e+00, v2;
	v48 =	vmul.f32 v31, v58  }
0x280: {  	v3 =	vadd.f32 v3, v52;
	[tilespmem:s16+$0x20] =	vst v37;
	v54 =	vsel vm2, v51, v54;
	vm2 =	vge.f32 v44, $0.0e+00  }
0x281: {  	v41 =	vld [tilespmem:s7+$0x60];
	[tilespmem:s16+$0x30] =	vst v42;
	v42 =	vunpack.i.l.bf16.f32 v47;
	v37 =	vsel vm2, v44, v59;
	v51 =	vmul.f32 $1.442695020e+00, v54  }
0x282: {  	v52 =	vld [tilespmem:s0+$0x20];
	v44 =	vunpack.i.u.bf16.f32 v47;
	v59 =	vmul.f32 $2.000000030e-01, v3;
	v1 =	vmul.f32 v1, v42  }
0x283: {  	[tilespmem:s15+$0xFFFFFF60] =	vst v17;
	v40 =	vunpack.i.u.bf16.f32 v40;
	v32 =	vmul.f32 v32, v44;
	(erf) = vpow2.f32 v51  }
0x284: {  	v55 =	vmul.f32 v56, v49;
	v31 =	vunpack.i.l.bf16.f32 v36;
	vm2 =	vge.f32 v3, $0.0e+00;
	v54 =	vld [tilespmem:s7+$0xFFFFFF60];
	[tilespmem:s16+$0xFFFFFF20] =	vst v1  }
0x285: {  	v27 =	vmul.f32 v27, v31;
	v3 =	vsel vm2, v3, v59;
	(erf) = vpow2.f32 v2;
	[tilespmem:s16+$0xFFFFFF30] =	vst v32  }
0x286: {  	v42 =	vunpack.i.l.bf16.f32 v41;
	v56 =	vmul.f32 $1.442695020e+00, v3;
	v3 =	vmul.f32 v50, v40;
	v49 =	vld [tilespmem:s0+$0xFFFFFF90]  }
0x287: {  	[tilespmem:s16+$0xFFFFFFD0] =	vst v27;
	v59 =	vunpack.i.u.bf16.f32 v41;
	v51 =	vunpack.i.u.bf16.f32 v43;
	v31 =	vunpack.i.l.bf16.f32 v52  }
0x288: {  	v27 =	vunpack.i.u.bf16.f32 v52;
	(erf) = vpow2.f32 v56;
	[tilespmem:s15+$0xFFFFFFA0] =	vst v3;
	v3 =	vmul.f32 $1.442695020e+00, v37  }
0x289: {  	[tilespmem:s15+$0xFFFFFF90] =	vst v55;
	v53 =	vunpack.i.l.bf16.f32 v54;
	v27 =	vmul.f32 v57, v27;
	v55 =	vmul.f32 v34, v31  }
0x28a: {  	v50 =	vunpack.i.u.bf16.f32 v54;
	v41 =	vmul.f32 v45, v53;
	(erf) = vpow2.f32 v3  }
0x28b: {  	[tilespmem:s16+$0xD0] =	vst v48;
	v0 =	vmul.f32 v0, v50;
	v3 =	vmul.f32 v30, v51;
	v30 =	vunpack.i.u.bf16.f32 v49  }
0x28c: {  	v45 =	vperm.xlane v17, v4;
	[tilespmem:s16+$0x50] =	vst v27;
	v51 =	vmul.f32 v38, v59;
	v54 =	vpop (erf)  }
0x28d: {  	v43 =	vld [tilespmem:s7+$0xFFFFFFD0];
	[tilespmem:s16+$0xE0] =	vst v3;
	v1 =	vunpack.i.l.bf16.f32 v49;
	v3 =	vmul.f32 v33, v30;
	v37 =	vnsel vm0, $0x0, v54  }
0x28e: {  	[tilespmem:s16+$0x40] =	vst v55;
	v56 =	vld [tilespmem:s0+$0x80];
	v1 =	vmul.f32 v24, v1;
	v30 =	vpop (erf);
	v44 =	vperm.xlane v37, v60  }
0x28f: {  	[tilespmem:s15+$0xFFFFFEF0] =	vst v0;
	v27 =	vperm.xlane v37, v8;
	v33 =	vperm.xlane v37, v62;
	v32 =	vnsel vm0, $0x0, v30  }
0x290: {  	[tilespmem:s15+$0xFFFFFEE0] =	vst v41;
	v0 =	vld [tilespmem:s0+$0x30];
	v53 =	vperm.xlane v37, v61;
	v31 =	vperm.xlane v32, v6  }
0x291: {  	s19 =	simm.s32 $0x42E0;
	[tilespmem:s16+$0xFFFFFF40] =	vst v1;
	v30 =	vperm.xlane v32, v7;
	v24 =	vperm.xlane v32, v62  }
0x292: {  	v48 =	vunpack.i.u.bf16.f32 v43;
	[tilespmem:s19+$0xFFFFFFF0] =	vst v37;
	v57 =	vpop (erf);
	v49 =	vperm.xlane v32, v61;
	v50 =	vperm.xlane v32, v60  }
0x293: {  	[tilespmem:s16+$0xFFFFFF50] =	vst v3;
	v34 =	vnsel vm0, $0x0, v57;
	v58 =	vunpack.i.u.bf16.f32 v56;
	v2 =	vunpack.i.l.bf16.f32 v56;
	v57 =	vld [tilespmem:s9+$0xFFFFFFB0];
	v59 =	vpop (erf)  }
0x294: {  	[tilespmem:s19+$0x110] =	vst v32;
	v35 =	vperm.xlane v34, v7;
	v1 =	vmul.f32 v26, v58;
	v40 =	vnsel vm0, $0x0, v59  }
0x295: {  	v47 =	vld [tilespmem:s7+$0xFFFFFF70];
	v52 =	vunpack.i.u.bf16.f32 v0;
	v2 =	vmul.f32 v29, v2;
	v26 =	vperm.xlane v32, v8;
	[tilespmem:s19+$0x80] =	vst v40  }
0x296: {  	v29 =	vperm.xlane v34, v8;
	v58 =	vunpack.i.l.bf16.f32 v0;
	v38 =	vperm.xlane v40, v62;
	[tilespmem:s16+$0x100] =	vst v1;
	v54 =	vld [tilespmem:s9+$0x0]  }
0x297: {  	s1 =	simm.s32 $0x5A0;
	s0 =	simm.s32 $0x8;
	v55 =	vld [tilespmem:s9+$0x50];
	v59 =	vunpack.i.l.bf16.f32 v43;
	v56 =	vperm.xlane v40, v61;
	v41 =	vperm.xlane v40, v8;
	[tilespmem:s16+$0xF0] =	vst v2  }
.LBB2_11:
0x298: {  	v0 =	vld [tilespmem:s1+$0x90];
	s0 =	sadd.s32 $0x4, s0;
	v1 =	vperm.xlane v34, v5;
	v2 =	vunpack.i.u.bf16.f32 v57;
	v43 =	vperm.xlane v32, v5;
	s20 =	sadd.s32 $0x40, s20  }
0x299: {  	v3 =	vunpack.i.l.bf16.f32 v57;
	v57 =	vperm.xlane v40, v60;
	v42 =	vmul.f32 v46, v42;
	p0 =	slt.u32 s0, $0x4C;
	v60 =	vld [tilespmem:s7+$0x10]  }
0x29a: {  	v39 =	vmul.f32 v39, v59;
	v3 =	vmul.f32 v53, v3;
	v53 =	vunpack.i.l.bf16.f32 v47;
	v46 =	vld [tilespmem:s20+$0x0];
	[tilespmem:s15+$0xC0] =	vst v51  }
0x29b: {  	v48 =	vmul.f32 v28, v48;
	v28 =	vperm.xlane v37, v7;
	v51 =	vld [tilespmem:s20+$0x10];
	v59 =	vunpack.i.u.bf16.f32 v54  }
0x29c: {  	v54 =	vunpack.i.l.bf16.f32 v54;
	v61 =	vld [tilespmem:s1+$0x40];
	v62 =	vunpack.i.u.bf16.f32 v55;
	[tilespmem:s15+$0xFFFFFFB0] =	vst v39;
	v39 =	vmul.f32 v16, v58;
	v16 =	vmovc v11;
	v11 =	vmovc v41  }
0x29d: {  	v2 =	vmul.f32 v44, v2;
	v45 =	vmul.f32 v45, v53;
	v41 =	vld [tilespmem:s1+$0xFFFFFFF0]  }
0x29e: {  	v36 =	vunpack.i.u.bf16.f32 v36;
	v58 =	vperm.xlane v37, v4;
	v54 =	vmul.f32 v56, v54;
	[tilespmem:s15+$0xFFFFFFC0] =	vst v48  }
0x29f: {  	v55 =	vunpack.i.l.bf16.f32 v55;
	v53 =	vmul.f32 v57, v59;
	v48 =	vld [tilespmem:s20+$0xFFFFFFF0];
	[tilespmem:s19+$0xFFFFFF70] =	vst v3;
	v3 =	vperm.xlane v37, v5  }
0x2a0: {  	v56 =	vmul.f32 v12, v36;
	v49 =	vmul.f32 v49, v55;
	v0 =	vunpack.i.l.bf16.f32 v0;
	v55 =	vld [tilespmem:s7+$0xFFFFFFE0];
	[tilespmem:s16+$0x60] =	vst v39  }
0x2a1: {  	v44 =	vunpack.i.u.bf16.f32 v60;
	v39 =	vunpack.i.u.bf16.f32 v47;
	v47 =	vperm.xlane v22, v5;
	[tilespmem:s15+$0xB0] =	vst v42  }
0x2a2: {  	v12 =	vmovc v9;
	v42 =	vperm.xlane v17, v6;
	v0 =	vadd.f32 v51, v0;
	[tilespmem:s15+$0xFFFFFF00] =	vst v45;
	v41 =	vunpack.i.l.bf16.f32 v41  }
0x2a3: {  	v9 =	vmovc v33;
	[tilespmem:s19+$0xFFFFFF80] =	vst v2;
	v2 =	vmul.f32 v25, v39;
	v25 =	vmovc v1;
	v1 =	vmul.f32 v50, v62;
	v62 =	vimm.s32 $0x7  }
0x2a4: {  	v39 =	vunpack.i.l.bf16.f32 v61;
	v61 =	vimm.s32 $0x0;
	v33 =	vld [tilespmem:s7+$0x70];
	[tilespmem:s16+$0xFFFFFFE0] =	vst v56;
	v56 =	vmul.f32 v15, v52  }
0x2a5: {  	vm1 =	vge.f32 v0, $0.0e+00;
	v51 =	vmul.f32 $2.000000030e-01, v0;
	v45 =	vld [tilespmem:s9+$0xFFFFFFC0];
	[tilespmem:s15+$0xFFFFFF10] =	vst v2;
	v2 =	vperm.xlane v22, v4;
	v36 =	vmovc v55  }
0x2a6: {  	v52 =	vperm.xlane v22, v7;
	v15 =	vmovc v10;
	v10 =	vmov v38;
	v41 =	vadd.f32 v48, v41;
	v50 =	vld [tilespmem:s1+$0xFFFFFFA0];
	[tilespmem:s16+$0x70] =	vst v56;
	s16 =	smov.u32 s15;
	s15 =	smov.u32 s19  }
0x2a7: {  	v46 =	vadd.f32 v46, v39;
	v48 =	vperm.xlane v22, v6;
	v39 =	vperm.xlane v37, v6;
	v38 =	vld [tilespmem:s20+$0xFFFFFFE0];
	[tilespmem:s19+$0x0] =	vst v54  }
0x2a8: {  	v37 =	vunpack.i.l.bf16.f32 v60;
	v60 =	vimm.s32 $0x1;
	v54 =	vperm.xlane v17, v62;
	v17 =	vmovc v34;
	[tilespmem:s19+$0xA0] =	vst v1;
	v1 =	vld [tilespmem:s7+$0xFFFFFF80]  }
0x2a9: {  	v22 =	vmovc v40;
	v34 =	vmul.f32 $2.000000030e-01, v41;
	v55 =	vperm.xlane v17, v60;
	[tilespmem:s19+$0x90] =	vst v49;
	v49 =	vunpack.i.l.bf16.f32 v33  }
0x2aa: {  	vm2 =	vge.f32 v41, $0.0e+00;
	v40 =	vmul.f32 $2.000000030e-01, v46;
	v2 =	vmul.f32 v2, v37;
	[tilespmem:s19+$0x10] =	vst v53  }
0x2ab: {  	v34 =	vsel vm2, v41, v34;
	v41 =	vmul.f32 v47, v44;
	v37 =	vunpack.i.l.bf16.f32 v50  }
0x2ac: {  	vm2 =	vge.f32 v46, $0.0e+00;
	v44 =	vperm.xlane v17, v61;
	v47 =	vunpack.i.l.bf16.f32 v45;
	[tilespmem:s16+$0x20] =	vst v2  }
0x2ad: {  	v2 =	vadd.f32 v38, v37;
	v37 =	vsel vm2, v46, v40;
	v38 =	vld [tilespmem:s9+$0x60];
	v40 =	vunpack.i.u.bf16.f32 v1;
	[tilespmem:s16+$0x30] =	vst v41  }
0x2ae: {  	v34 =	vmul.f32 $1.442695020e+00, v34;
	v41 =	vunpack.i.u.bf16.f32 v45;
	v1 =	vunpack.i.l.bf16.f32 v1;
	v45 =	vld [tilespmem:s7+$0x20]  }
0x2af: {  	vm2 =	vge.f32 v2, $0.0e+00;
	v46 =	vmul.f32 $2.000000030e-01, v2;
	v1 =	vmul.f32 v42, v1;
	[tilespmem:s19+$0xFFFFFF60] =	vst v17  }
0x2b0: {  	v0 =	vsel vm1, v0, v51;
	s19 =	sadd.s32 $0x240, s19;
	(erf) = vpow2.f32 v34;
	v34 =	vmul.f32 v58, v47  }
0x2b1: {  	v0 =	vmul.f32 $1.442695020e+00, v0;
	v2 =	vsel vm2, v2, v46;
	v46 =	vld [tilespmem:s9+$0xFFFFFF60];
	[tilespmem:s16+$0xFFFFFF20] =	vst v1;
	v1 =	vmul.f32 v23, v40;
	v23 =	vmovc v35  }
0x2b2: {  	v3 =	vmul.f32 v3, v41;
	v2 =	vmul.f32 $1.442695020e+00, v2;
	v35 =	vunpack.i.u.bf16.f32 v38  }
0x2b3: {  	v42 =	vunpack.i.l.bf16.f32 v38;
	(erf) = vpow2.f32 v0;
	[tilespmem:s16+$0xFFFFFF30] =	vst v1;
	v0 =	vmul.f32 v20, v49;
	v20 =	vmovc v31  }
0x2b4: {  	(erf) = vpow2.f32 v2;
	[tilespmem:s15+$0xFFFFFFA0] =	vst v3;
	v1 =	vld [tilespmem:s7+$0xFFFFFF90];
	v2 =	vunpack.i.l.bf16.f32 v36;
	v3 =	vunpack.i.l.bf16.f32 v45  }
0x2b5: {  	v31 =	vmul.f32 $1.442695020e+00, v37;
	[tilespmem:s15+$0xFFFFFF90] =	vst v34;
	v2 =	vmul.f32 v19, v2;
	v34 =	vunpack.i.u.bf16.f32 v45;
	v19 =	vmovc v27  }
0x2b6: {  	v33 =	vunpack.i.u.bf16.f32 v33;
	v27 =	vunpack.i.u.bf16.f32 v46;
	v37 =	vunpack.i.l.bf16.f32 v46;
	v41 =	vld [tilespmem:s9+$0xFFFFFFD0]  }
0x2b7: {  	(erf) = vpow2.f32 v31;
	[tilespmem:s16+$0xFFFFFFD0] =	vst v2;
	v2 =	vmul.f32 v18, v33;
	v18 =	vmov v30  }
0x2b8: {  	v38 =	vmul.f32 v44, v37;
	v27 =	vmul.f32 v55, v27;
	[tilespmem:s16+$0xD0] =	vst v0  }
0x2b9: {  	v46 =	vperm.xlane v32, v4;
	v31 =	vmul.f32 v52, v34;
	v0 =	vpop (erf);
	v30 =	vunpack.i.u.bf16.f32 v1;
	[tilespmem:s16+$0xE0] =	vst v2  }
0x2ba: {  	v45 =	vperm.xlane v17, v4;
	v34 =	vmul.f32 v48, v3;
	v37 =	vnsel vm0, $0x0, v0;
	[tilespmem:s15+$0xFFFFFEF0] =	vst v27;
	v2 =	vld [tilespmem:s7+$0x80]  }
0x2bb: {  	v1 =	vunpack.i.l.bf16.f32 v1;
	v3 =	vmul.f32 v54, v30;
	v44 =	vperm.xlane v37, v60;
	[tilespmem:s16+$0x50] =	vst v31  }
0x2bc: {  	v27 =	vperm.xlane v37, v8;
	v33 =	vperm.xlane v37, v62;
	v48 =	vunpack.i.u.bf16.f32 v41;
	v30 =	vpop (erf);
	[tilespmem:s16+$0x40] =	vst v34  }
0x2bd: {  	v51 =	vmul.f32 v43, v35;
	v1 =	vmul.f32 v21, v1;
	[tilespmem:s19+$0xFFFFFFF0] =	vst v37;
	v32 =	vnsel vm0, $0x0, v30;
	v0 =	vpop (erf)  }
0x2be: {  	v21 =	vmovc v29;
	v34 =	vnsel vm0, $0x0, v0;
	v31 =	vperm.xlane v32, v6;
	v30 =	vperm.xlane v32, v7;
	[tilespmem:s15+$0xFFFFFEE0] =	vst v38;
	v0 =	vld [tilespmem:s7+$0x30];
	s7 =	smov.u32 s9;
	s9 =	smov.u32 s1  }
0x2bf: {  	v53 =	vperm.xlane v37, v61;
	v29 =	vperm.xlane v32, v62;
	v47 =	vld [tilespmem:s7+$0xFFFFFF70];
	[tilespmem:s16+$0xFFFFFF40] =	vst v1;
	v1 =	vunpack.i.u.bf16.f32 v2  }
.Ltmp5:
0x2c0: {  	v35 =	vperm.xlane v34, v7;
	v2 =	vunpack.i.l.bf16.f32 v2;
	v57 =	vld [tilespmem:s1+$0xFFFFFFB0];
	v38 =	vpop (erf);
	[tilespmem:s16+$0xFFFFFF50] =	vst v3;
	v1 =	vmul.f32 v13, v1;
	(pc) =	sbr.rel @p0 .LBB2_11-.Ltmp5, $4  }
0x2c1: {  	v49 =	vperm.xlane v32, v61;
	v2 =	vmul.f32 v14, v2;
	v13 =	vmovc v24;
	v40 =	vnsel vm0, $0x0, v38;
	[tilespmem:s19+$0x110] =	vst v32  }
0x2c2: {  	v59 =	vunpack.i.l.bf16.f32 v41;
	v3 =	vperm.xlane v32, v8;
	v24 =	vmovc v29;
	[tilespmem:s19+$0x80] =	vst v40;
	v38 =	vperm.xlane v40, v62  }
0x2c3: {  	v29 =	vperm.xlane v34, v8;
	v14 =	vmovc v26;
	v56 =	vperm.xlane v40, v61;
	v54 =	vld [tilespmem:s1+$0x0];
	v58 =	vunpack.i.l.bf16.f32 v0;
	[tilespmem:s16+$0x100] =	vst v1  }
0x2c4: {  	v50 =	vperm.xlane v32, v60;
	v41 =	vperm.xlane v40, v8;
	v26 =	vmovc v3;
	s1 =	sadd.s32 $0x140, s1;
	v52 =	vunpack.i.u.bf16.f32 v0;
	v55 =	vld [tilespmem:s9+$0x50];
	[tilespmem:s16+$0xF0] =	vst v2  }
0x2c5: {  	v0 =	vmul.f32 v39, v59  }
0x2c6: {  	v1 =	vunpack.i.l.bf16.f32 v57;
	[tilespmem:s15+$0xC0] =	vst v51;
	v2 =	vmul.f32 v28, v48  }
0x2c7: {  	v3 =	vunpack.i.l.bf16.f32 v47;
	v1 =	vmul.f32 v53, v1;
	[tilespmem:s15+$0xFFFFFFB0] =	vst v0  }
0x2c8: {  	v3 =	vmul.f32 v45, v3;
	[tilespmem:s15+$0xFFFFFFC0] =	vst v2  }
0x2c9: {  	v0 =	vmul.f32 v16, v58;
	[tilespmem:s19+$0xFFFFFF70] =	vst v1  }
0x2ca: {  	v2 =	vmul.f32 v46, v42;
	v1 =	vunpack.i.u.bf16.f32 v57;
	[tilespmem:s15+$0xFFFFFF00] =	vst v3  }
0x2cb: {  	[tilespmem:s16+$0x60] =	vst v0;
	v0 =	vmul.f32 v44, v1;
	v1 =	vunpack.i.u.bf16.f32 v36  }
0x2cc: {  	[tilespmem:s15+$0xB0] =	vst v2;
	v2 =	vunpack.i.u.bf16.f32 v47;
	v1 =	vmul.f32 v12, v1  }
0x2cd: {  	[tilespmem:s19+$0xFFFFFF80] =	vst v0;
	v0 =	vmul.f32 v25, v2  }
0x2ce: {  	v2 =	vld [tilespmem:s7+$0x10];
	[tilespmem:s16+$0xFFFFFFE0] =	vst v1;
	v1 =	vmul.f32 v15, v52  }
0x2cf: {  	v3 =	vunpack.i.l.bf16.f32 v54;
	[tilespmem:s15+$0xFFFFFF10] =	vst v0  }
0x2d0: {  	v3 =	vmul.f32 v56, v3;
	v0 =	vunpack.i.u.bf16.f32 v55;
	[tilespmem:s16+$0x70] =	vst v1;
	v1 =	vld [tilespmem:s7+$0xFFFFFF80]  }
0x2d1: {  	[tilespmem:s19+$0xFFFFFF60] =	vst v34;
	v44 =	vperm.xlane v40, v60;
	v45 =	vunpack.i.l.bf16.f32 v55;
	v0 =	vmul.f32 v50, v0  }
0x2d2: {  	v47 =	vperm.xlane v22, v4;
	[tilespmem:s19+$0x0] =	vst v3;
	v3 =	vunpack.i.u.bf16.f32 v54;
	v15 =	vmul.f32 v49, v45;
	v46 =	vld [tilespmem:s9+$0xFFFFFFC0]  }
0x2d3: {  	v48 =	vperm.xlane v22, v5;
	v3 =	vmul.f32 v44, v3;
	v49 =	vld [tilespmem:s9+$0xFFFFFF60];
	[tilespmem:s19+$0xA0] =	vst v0;
	v0 =	vunpack.i.l.bf16.f32 v2  }
0x2d4: {  	v50 =	vperm.xlane v17, v6;
	[tilespmem:s19+$0x90] =	vst v15;
	v2 =	vunpack.i.u.bf16.f32 v2;
	v0 =	vmul.f32 v47, v0  }
0x2d5: {  	[tilespmem:s19+$0x10] =	vst v3;
	v2 =	vmul.f32 v48, v2;
	v3 =	vunpack.i.l.bf16.f32 v1  }
0x2d6: {  	v51 =	vperm.xlane v37, v5;
	v15 =	vld [tilespmem:s7+$0xFFFFFFE0];
	[tilespmem:s15+$0x20] =	vst v0;
	v0 =	vunpack.i.u.bf16.f32 v1;
	v1 =	vmul.f32 v50, v3  }
0x2d7: {  	v52 =	vperm.xlane v34, v60;
	[tilespmem:s15+$0x30] =	vst v2;
	v2 =	vunpack.i.u.bf16.f32 v46;
	v3 =	vld [tilespmem:s7+$0x70];
	v0 =	vmul.f32 v23, v0  }
0x2d8: {  	v53 =	vperm.xlane v34, v61;
	[tilespmem:s15+$0xFFFFFF20] =	vst v1;
	v1 =	vmul.f32 v51, v2;
	v2 =	vunpack.i.u.bf16.f32 v49  }
0x2d9: {  	v54 =	vperm.xlane v37, v4;
	v55 =	vld [tilespmem:s7+$0x20];
	[tilespmem:s15+$0xFFFFFF30] =	vst v0;
	v0 =	vunpack.i.l.bf16.f32 v49;
	v2 =	vmul.f32 v52, v2  }
0x2da: {  	v16 =	vunpack.i.l.bf16.f32 v46;
	v0 =	vmul.f32 v53, v0;
	[tilespmem:s19+$0xFFFFFFA0] =	vst v1  }
0x2db: {  	v57 =	vunpack.i.l.bf16.f32 v15;
	v56 =	vld [tilespmem:s7+$0xFFFFFF90];
	v1 =	vmul.f32 v54, v16;
	[tilespmem:s19+$0xFFFFFEF0] =	vst v2  }
0x2dc: {  	v16 =	vmul.f32 v19, v57;
	v2 =	vunpack.i.l.bf16.f32 v3;
	[tilespmem:s19+$0xFFFFFEE0] =	vst v0  }
0x2dd: {  	v0 =	vperm.xlane v22, v7;
	v2 =	vmul.f32 v20, v2;
	[tilespmem:s19+$0xFFFFFF90] =	vst v1;
	v1 =	vunpack.i.u.bf16.f32 v3;
	v3 =	vld [tilespmem:s9+$0xFFFFFF70]  }
0x2de: {  	v58 =	vperm.xlane v22, v6;
	v59 =	vunpack.i.u.bf16.f32 v55;
	[tilespmem:s15+$0xFFFFFFD0] =	vst v16;
	v1 =	vmul.f32 v18, v1  }
0x2df: {  	v25 =	vld [tilespmem:s9+$0x60];
	v28 =	vunpack.i.l.bf16.f32 v55;
	v0 =	vmul.f32 v0, v59;
	[tilespmem:s15+$0xD0] =	vst v2  }
0x2e0: {  	v2 =	vperm.xlane v17, v62;
	v36 =	vunpack.i.l.bf16.f32 v56;
	[tilespmem:s15+$0xE0] =	vst v1;
	v1 =	vmul.f32 v58, v28  }
0x2e1: {  	v39 =	vperm.xlane v34, v4;
	v42 =	vld [tilespmem:s9+$0x10];
	v12 =	vunpack.i.u.bf16.f32 v56;
	[tilespmem:s15+$0x50] =	vst v0;
	v0 =	vmul.f32 v21, v36  }
0x2e2: {  	v43 =	vperm.xlane v34, v5;
	v2 =	vmul.f32 v2, v12;
	[tilespmem:s15+$0x40] =	vst v1;
	v1 =	vunpack.i.l.bf16.f32 v3  }
0x2e3: {  	v44 =	vperm.xlane v32, v5;
	v45 =	vld [tilespmem:s7+$0x80];
	[tilespmem:s15+$0xFFFFFF40] =	vst v0;
	v0 =	vmul.f32 v39, v1;
	v1 =	vunpack.i.u.bf16.f32 v3  }
0x2e4: {  	v46 =	vperm.xlane v32, v4;
	v47 =	vld [tilespmem:s9+$0xFFFFFFD0];
	v3 =	vunpack.i.u.bf16.f32 v25;
	[tilespmem:s15+$0xFFFFFF50] =	vst v2;
	v1 =	vmul.f32 v43, v1  }
0x2e5: {  	v2 =	vunpack.i.l.bf16.f32 v25;
	v3 =	vmul.f32 v44, v3;
	[tilespmem:s19+$0xFFFFFF00] =	vst v0;
	v0 =	vperm.xlane v40, v4  }
0x2e6: {  	v48 =	vunpack.i.l.bf16.f32 v42;
	v2 =	vmul.f32 v46, v2;
	[tilespmem:s19+$0xFFFFFF10] =	vst v1;
	v1 =	vperm.xlane v40, v5  }
0x2e7: {  	[tilespmem:s19+$0xC0] =	vst v3;
	v3 =	vunpack.i.u.bf16.f32 v42;
	v49 =	vld [tilespmem:s9+$0xFFFFFF80];
	v0 =	vmul.f32 v0, v48  }
0x2e8: {  	v50 =	vunpack.i.u.bf16.f32 v45;
	[tilespmem:s19+$0xB0] =	vst v2;
	v2 =	vperm.xlane v37, v6;
	v1 =	vmul.f32 v1, v3  }
0x2e9: {  	v52 =	vunpack.i.l.bf16.f32 v47;
	v12 =	vmul.f32 v13, v50;
	v51 =	vld [tilespmem:s9+$0x70];
	[tilespmem:s19+$0x20] =	vst v0  }
0x2ea: {  	v3 =	vunpack.i.l.bf16.f32 v45;
	v2 =	vmul.f32 v2, v52;
	v0 =	vperm.xlane v37, v7;
	[tilespmem:s19+$0x30] =	vst v1  }
0x2eb: {  	v53 =	vperm.xlane v34, v6;
	v3 =	vmul.f32 v14, v3;
	[tilespmem:s15+$0x100] =	vst v12;
	v1 =	vunpack.i.u.bf16.f32 v47;
	v54 =	vld [tilespmem:s9+$0x20]  }
0x2ec: {  	[tilespmem:s19+$0xFFFFFFB0] =	vst v2;
	v0 =	vmul.f32 v0, v1;
	v1 =	vunpack.i.l.bf16.f32 v49  }
0x2ed: {  	[tilespmem:s15+$0xF0] =	vst v3;
	v3 =	vld [tilespmem:s7+$0x30];
	v2 =	vunpack.i.u.bf16.f32 v49;
	v1 =	vmul.f32 v53, v1  }
0x2ee: {  	[tilespmem:s19+$0xFFFFFFC0] =	vst v0;
	v0 =	vunpack.i.l.bf16.f32 v51;
	v2 =	vmul.f32 v35, v2  }
0x2ef: {  	v55 =	vperm.xlane v40, v7;
	v0 =	vmul.f32 v31, v0;
	[tilespmem:s19+$0xFFFFFF20] =	vst v1;
	v1 =	vunpack.i.u.bf16.f32 v51  }
0x2f0: {  	v57 =	vperm.xlane v40, v6;
	v56 =	vld [tilespmem:s9+$0xFFFFFFE0];
	[tilespmem:s19+$0xFFFFFF30] =	vst v2;
	v2 =	vunpack.i.u.bf16.f32 v54;
	v1 =	vmul.f32 v30, v1  }
0x2f1: {  	v58 =	vld [tilespmem:s9+$0xFFFFFF90];
	v14 =	vunpack.i.l.bf16.f32 v54;
	[tilespmem:s19+$0xD0] =	vst v0;
	v0 =	vmul.f32 v55, v2  }
0x2f2: {  	v2 =	vunpack.i.l.bf16.f32 v3;
	[tilespmem:s19+$0xE0] =	vst v1;
	v1 =	vmul.f32 v57, v14  }
0x2f3: {  	v2 =	vmul.f32 v11, v2;
	v11 =	vunpack.i.u.bf16.f32 v15;
	v59 =	vld [tilespmem:s9+$0x80];
	[tilespmem:s19+$0x50] =	vst v0  }
0x2f4: {  	v0 =	vunpack.i.u.bf16.f32 v3;
	v3 =	vmul.f32 v9, v11;
	[tilespmem:s19+$0x40] =	vst v1  }
0x2f5: {  	[tilespmem:s15+$0x60] =	vst v2;
	v0 =	vmul.f32 v10, v0;
	v1 =	vunpack.i.l.bf16.f32 v56;
	v2 =	vld [tilespmem:s9+$0x30]  }
0x2f6: {  	[tilespmem:s15+$0xFFFFFFE0] =	vst v3;
	v3 =	vperm.xlane v34, v62;
	v1 =	vmul.f32 v27, v1;
	v9 =	vunpack.i.l.bf16.f32 v58  }
0x2f7: {  	[tilespmem:s15+$0x70] =	vst v0;
	v0 =	vunpack.i.u.bf16.f32 v58;
	v9 =	vmul.f32 v29, v9  }
0x2f8: {  	[tilespmem:s19+$0xFFFFFFD0] =	vst v1;
	v0 =	vmul.f32 v3, v0;
	v1 =	vunpack.i.u.bf16.f32 v59  }
0x2f9: {  	[tilespmem:s19+$0xFFFFFF40] =	vst v9;
	v3 =	vunpack.i.l.bf16.f32 v59;
	v1 =	vmul.f32 v24, v1  }
0x2fa: {  	[tilespmem:s19+$0xFFFFFF50] =	vst v0;
	v0 =	vmul.f32 v26, v3;
	v3 =	vunpack.i.l.bf16.f32 v2  }
0x2fb: {  	[tilespmem:s19+$0x100] =	vst v1;
	v1 =	vmul.f32 v41, v3;
	v3 =	vunpack.i.u.bf16.f32 v56  }
0x2fc: {  	v2 =	vunpack.i.u.bf16.f32 v2;
	[tilespmem:s19+$0xF0] =	vst v0;
	v0 =	vmul.f32 v33, v3  }
0x2fd: {  	[tilespmem:s19+$0x60] =	vst v1;
	v1 =	vmul.f32 v38, v2  }
0x2fe: {  	[tilespmem:s19+$0xFFFFFFE0] =	vst v0  }
0x2ff: {  	s0 =	simm.s32 $0x6;
	[tilespmem:s19+$0x70] =	vst v1  }
0x300: {  	_ =	swait.ge [sflag:s0], $0x2D00  }
0x301: {  	[sflag:s0] =	ssyncset.done $0x0  }
0x302: {  	[sflag:s0] =	ssyncadd.s32 $0xFFFFD300  }
0x303: {  	v0 =	vld [tilespmem:$0x50]  }
0x304: {  	v1 =	vld [tilespmem:$0x60]  }
0x305: {  	v2 =	vld [tilespmem:$0x70]  }
0x306: {  	v3 =	vld [tilespmem:$0x80]  }
0x307: {  	v9 =	vld [tilespmem:$0x90]  }
0x308: {  	[tilespmem:$0x9740] =	vst v0  }
0x309: {  	[tilespmem:$0x9750] =	vst v1  }
0x30a: {  	[tilespmem:$0x9760] =	vst v2  }
0x30b: {  	[tilespmem:$0x9770] =	vst v3  }
0x30c: {  	[tilespmem:$0x9780] =	vst v9  }
0x30d: {  	[spmem:s3] =	stream.indirect.scatter.add.f32 [tilespmem:s28], [sflag:$0x5], $0x90, s10, s21, $0xb8;
	v63 =	vld [tilespmem:$0x0]  }
0x30e: {  	_ =	swait.ge [sflag:s12], $0x2D00  }
0x30f: {  	[sflag:s12] =	ssyncset.done $0x0  }
0x310: {  	[sflag:s12] =	ssyncadd.s32 $0xFFFFD300  }
0x311: {  	s19 =	stileid.u32;
	[bflag:$0x0] =	sbarrier.arrive $0xFFFF  }
0x312: {  	s9 =	simm.s32 $0x7;
	s0 =	sshll.u32 s19, $0x6;
	s7 =	rddreg [dreg:$0x6]  }
0x313: {  	s0 =	sor.u32 $0x1C07, s0;
	s20 =	rddreg [dreg:$0xe];
	s1 =	sshrl.u32 s7, $0x3  }
0x314: {  	[hbm:s20], [sflag:s0] =	dma.local [spmem:s1], $0x2D00  }
0x315: {  	_ =	swait.ge [sflag:s9], $0x2D00  }
0x316: {  	s29 =	rddreg [dreg:$0x10]  }
0x317: {  	s31 =	rddreg [dreg:$0xf];
	s1 =	sadd.s32 $0x1, s29  }
0x318: {  	p0 =	sne.s32 s1, s31  }
.Ltmp6:
0x319: {  	_ = 	snop;
	(pc) =	sbr.rel @p0 .LBB2_1-.Ltmp6, $3  }
0x31a: {  	_ =	sdelay $0x1  }
0x31b: {  	[sflag:s9] =	ssyncset.done $0x0  }
0x31c: {  	v0 =	vimm.f32 $0.0e+00;
	[sflag:s9] =	ssyncadd.s32 $0xFFFFD300  }
0x31d: {  	_ =	sfence.sel $0x180000  }
0x31e: {  	[bflag:$0x0] =	sbarrier.arrive $0xFFFF  }
0x31f: {  	_ =	strace $0x90000047  }
0x320: {  	s0 =	stileid.u32;
	[bflag:$0x2] =	sbarrier.arrive $0xFFFF  }
0x321: {  	p0 =	sne.s32 s0, $0x0;
	s0 =	rddreg [dreg:$0x3]  }
0x322: {  	s0 =	sadd.s32 @!p0 $0x100000, s0  }
0x323: {  	[sflag:s0] =	ssyncadd.tile.s32 @!p0 $0x1;
	_ =	shalt  }
.Lfunc_end2:
_tile_overlayer_lowered:
.L_overlay_start_2:
0x324: {  	(tag) =	ssettag $0x2  }
0x325: {  	s0 =	rddreg [dreg:$0x0];
	s2 =	stileid.u32  }
0x326: {  	s1 =	rddreg [dreg:$0x1];
	p0 =	sne.s32 s2, $0x0  }
0x327: {  	s3 =	rddreg [dreg:$0x2];
	[bflag:$0x3] =	sbarrier.arrive $0xFFFF;
	s2 =	simm.s32 @!p0 $0x1C07  }
0x328: {  	[timem:s3], [sflag:s2] =	dma.local @!p0 [hbm:s0], s1  }
0x329: {  	s0 =	simm.s32 @!p0 $0x7  }
0x32a: {  	_ =	swait.ge @!p0 [sflag:s0], s1  }
0x32b: {  	s1 =	ssub.s32 @!p0 $0x0, s1;
	[sflag:s0] =	ssyncset.done @!p0 $0x0  }
0x32c: {  	[sflag:s0] =	ssyncadd.s32 @!p0 s1  }
0x32d: {  	[bflag:$0x3] =	sbarrier.arrive $0xFFFF  }
0x32e: {  	_ =	shalt  }

</sc_bundles>
